<compile_context>
chip_gen: v7x
topology: tpu7x:2x2x1
jax: 0.10.2.dev20260603
libtpu: 0.0.44.dev20260713+nightly
codegen_flags: <defaults>
</compile_context>

<pallas_src>
import functools
import jax
import jax.numpy as jnp
from jax import lax
from jax.experimental import pallas as pl
from jax.experimental.pallas import tpu as pltpu
from jax.experimental.pallas import tpu_sc as plsc

LANES = 16
UNROLL = 1
GROUP = 4
CHUNK = 8192


def _search(x, rep, lane, n_tokens):
    pos_s = lane
    step = n_tokens // 2
    while step >= 2:
        e = plsc.load_gather(rep, [pos_s + (step - 1) * LANES])
        pos_s = jnp.where(e < x, pos_s + step * LANES, pos_s)
        step //= 2
    eprobe = plsc.load_gather(rep, [pos_s])
    m = eprobe < x
    pos_s = jnp.where(m, pos_s + LANES, pos_s)
    wrap = n_tokens * LANES
    other = jnp.where(m, pos_s, (pos_s + (wrap - LANES)) & (wrap - 1))
    eother = plsc.load_gather(rep, [other])
    e0 = jnp.where(m, eother, eprobe)
    em1 = jnp.where(m, eprobe, eother)
    d0 = jnp.abs(e0 - x)
    d1 = jnp.abs(x - em1)
    return (pos_s >> 4) - (d1 < d0).astype(jnp.int32)


def _sc_body(n_tokens, per_w, n_chunks, inp_hbm, tok_hbm, out_hbm,
             edges_v, rep, xb0, xb1, ob0, ob1, si0, si1, so0, so1):
    wid = lax.axis_index("s") * 2 + lax.axis_index("c")
    base = wid * per_w
    pltpu.sync_copy(tok_hbm, edges_v)
    lane = lax.iota(jnp.int32, LANES)

    def build(i, carry):
        e = edges_v[pl.ds(i * LANES, LANES)]
        for j in range(LANES):
            rep[pl.ds((i * LANES + j) * LANES, LANES)] = (
                jnp.broadcast_to(e[j], (LANES,)))
        return carry

    lax.fori_loop(0, n_tokens // LANES, build, 0)

    def in_slice(ci):
        return inp_hbm.at[pl.ds(base + ci * CHUNK, CHUNK)]

    def out_slice(ci):
        return out_hbm.at[pl.ds(base + ci * CHUNK, CHUNK)]

    def compute(xbuf, obuf):
        @plsc.parallel_loop(0, CHUNK, step=LANES * GROUP, unroll=UNROLL)
        def vbody(g0):
            xs = [xbuf[pl.ds(g0 + k * LANES, LANES)] for k in range(GROUP)]
            toks = [_search(xs[k], rep, lane, n_tokens) for k in range(GROUP)]
            for k in range(GROUP):
                obuf[pl.ds(g0 + k * LANES, LANES)] = toks[k]

    pltpu.async_copy(in_slice(0), xb0, si0)
    nsuper = n_chunks // 2

    def super_body(i, carry):
        ci0 = 2 * i
        pltpu.async_copy(in_slice(ci0 + 1), xb1, si1)
        pltpu.make_async_copy(in_slice(ci0), xb0, si0).wait()

        @pl.when(i > 0)
        def _():
            pltpu.make_async_copy(ob0, out_slice(ci0 - 2), so0).wait()

        compute(xb0, ob0)
        pltpu.async_copy(ob0, out_slice(ci0), so0)

        @pl.when(i < nsuper - 1)
        def _():
            pltpu.async_copy(in_slice(ci0 + 2), xb0, si0)

        pltpu.make_async_copy(in_slice(ci0 + 1), xb1, si1).wait()

        @pl.when(i > 0)
        def _():
            pltpu.make_async_copy(ob1, out_slice(ci0 - 1), so1).wait()

        compute(xb1, ob1)
        pltpu.async_copy(ob1, out_slice(ci0 + 1), so1)
        return carry

    lax.fori_loop(0, nsuper, super_body, 0)
    pltpu.make_async_copy(ob0, out_slice(n_chunks - 2), so0).wait()
    pltpu.make_async_copy(ob1, out_slice(n_chunks - 1), so1).wait()


@jax.jit
def kernel(input, token_values):
    n_values = input.shape[0]
    n_tokens = token_values.shape[0]
    n_workers = 32
    per_w = n_values // n_workers
    n_chunks = per_w // CHUNK

    mesh = plsc.VectorSubcoreMesh(core_axis_name="c", subcore_axis_name="s")
    k = functools.partial(
        pl.kernel,
        out_type=jax.ShapeDtypeStruct((n_values,), jnp.int32),
        mesh=mesh,
        scratch_types=[
            pltpu.VMEM((n_tokens,), jnp.float32),
            pltpu.VMEM((n_tokens * LANES,), jnp.float32),
            pltpu.VMEM((CHUNK,), jnp.float32),
            pltpu.VMEM((CHUNK,), jnp.float32),
            pltpu.VMEM((CHUNK,), jnp.int32),
            pltpu.VMEM((CHUNK,), jnp.int32),
            pltpu.SemaphoreType.DMA,
            pltpu.SemaphoreType.DMA,
            pltpu.SemaphoreType.DMA,
            pltpu.SemaphoreType.DMA,
        ],
        compiler_params=pltpu.CompilerParams(needs_layout_passes=False),
    )(functools.partial(_sc_body, n_tokens, per_w, n_chunks))
    return k(input, token_values)

# --- scband reference (transcript-rebuilt; emitter-appended) ---
"""Pipeline reference for scband-cdfbinning-18657337934693 (READ-ONLY COPY).

The authoritative reference and input builder live on the scoring server;
editing this copy changes nothing except your own understanding.
"""

import jax, jax.numpy as jnp
import numpy as np

N_TOKENS = 4096
N_VALUES = 16777216


def setup_inputs(seed: int = 0) -> dict:
    key = jax.random.key(seed)
    k1, k2 = jax.random.split(key)
    # forward arg per input_specs (fill=randn)
    inp = jax.random.normal(k1, (N_VALUES,), dtype=jnp.float32)
    # 'learned' parameter: token_values built in __init__ from np.histogram/cdf of
    # train_data; it is a sorted, monotonically increasing array of n_tokens edges.
    # We synthesize it as sorted samples of the same (normal) distribution, which is
    # exactly what the CDF-binning construction produces for normal train_data.
    token_values = jnp.sort(jax.random.normal(k2, (N_TOKENS,), dtype=jnp.float32))
    return {"input": inp, "token_values": token_values}


def reference(input, token_values):
    n_tokens = token_values.shape[0]
    # torch.searchsorted default (right=False) == jnp.searchsorted side='left'
    token_idxs = jnp.searchsorted(token_values, input, side='left')
    token_idxs = token_idxs.astype(jnp.int32)
    # token_idxs[token_idxs >= n_tokens] = n_tokens - 1
    token_idxs = jnp.where(token_idxs >= n_tokens, n_tokens - 1, token_idxs)
    # gather the bracketing token values (negative index -1 wraps, same as torch)
    d0 = jnp.abs(token_values[token_idxs] - input)
    d1 = jnp.abs(input - token_values[token_idxs - 1])
    sel = jnp.argmin(jnp.stack([d0, d1], axis=-1), axis=-1)
    tokens = token_idxs - sel.astype(jnp.int32)
    return tokens.astype(jnp.int32)

if __name__ == "__main__":
    import jax
    _d = setup_inputs()
    print(jax.jit(kernel)(*tuple(_d.values())))

</pallas_src>

<mosaic_0001>
#map = affine_map<(d0, d1) -> (0)>
module attributes {stable_mosaic.version = 14 : i64} {
  func.func @_sc_body(%arg0: i32, %arg1: i32, %arg2: memref<16777216xf32, #tpu.memory_space<hbm>>, %arg3: memref<4096xf32, #tpu.memory_space<hbm>>, %arg4: memref<16777216xi32, #tpu.memory_space<hbm>>, %arg5: memref<4096xf32, #tpu.memory_space<vmem>>, %arg6: memref<65536xf32, #tpu.memory_space<vmem>>, %arg7: memref<8192xf32, #tpu.memory_space<vmem>>, %arg8: memref<8192xf32, #tpu.memory_space<vmem>>, %arg9: memref<8192xi32, #tpu.memory_space<vmem>>, %arg10: memref<8192xi32, #tpu.memory_space<vmem>>, %arg11: memref<!tpu.dma_semaphore, #tpu.memory_space<semaphore_mem>>, %arg12: memref<!tpu.dma_semaphore, #tpu.memory_space<semaphore_mem>>, %arg13: memref<!tpu.dma_semaphore, #tpu.memory_space<semaphore_mem>>, %arg14: memref<!tpu.dma_semaphore, #tpu.memory_space<semaphore_mem>>) attributes {dimension_semantics = [#tpu.dimension_semantics<core_parallel>, #tpu.dimension_semantics<subcore_parallel>], iteration_bounds = array<i64: 2, 16>, scalar_prefetch = 0 : i64, scratch_operands = 10 : i64, tpu.core_type = #tpu.core_type<sc_vector_subcore>, window_params = [{transform_indices = #map}, {transform_indices = #map}, {transform_indices = #map}]} {
    %mul3A = arith.constant 2 : i32
    %mul3A_0 = arith.muli %arg1, %mul3A : i32
    %add3A = arith.addi %mul3A_0, %arg0 : i32
    %mul3A_1 = arith.constant 524288 : i32
    %mul3A_2 = arith.muli %add3A, %mul3A_1 : i32
    "tpu.region"() ({
      %run_scoped3A = tpu.sem_alloc : memref<!tpu.dma_semaphore, #tpu.memory_space<semaphore_mem>>
      tpu.enqueue_dma source(%arg3 : memref<4096xf32, #tpu.memory_space<hbm>>) target(%arg5 : memref<4096xf32, #tpu.memory_space<vmem>>) target_semaphore(%run_scoped3A : memref<!tpu.dma_semaphore, #tpu.memory_space<semaphore_mem>>)
      tpu.wait_dma2 semaphore(%run_scoped3A : memref<!tpu.dma_semaphore, #tpu.memory_space<semaphore_mem>>) src(%arg3 : memref<4096xf32, #tpu.memory_space<hbm>>) dst(%arg5 : memref<4096xf32, #tpu.memory_space<vmem>>)
      tpu.yield
    }) : () -> ()
    %iota3A = tpu.iota {dimensions = array<i32: 0>} : vector<16xi32>
    %scan3A = arith.constant 0 : i32
    %scan3A_3 = arith.constant 0 : i32
    %scan3A_4 = arith.constant 256 : i32
    %scan3A_5 = arith.addi %scan3A_3, %scan3A_4 : i32
    %scan3A_6 = arith.constant 1 : i32
    scf.for %scan3A_24 = %scan3A_3 to %scan3A_5 step %scan3A_6  : i32 {
      %mul3A_25 = arith.constant 16 : i32
      %mul3A_26 = arith.muli %scan3A_24, %mul3A_25 : i32
      %get3A = arith.index_cast %mul3A_26 : i32 to index
      %get3A_27 = tpu.vector_load %arg5[%get3A] {strides = array<i32>} : memref<4096xf32, #tpu.memory_space<vmem>>, vector<16xf32>,
      %slice3A = vector.extract_strided_slice %get3A_27 {offsets = [0], sizes = [1], strides = [1]} : vector<16xf32> to vector<1xf32>
      %squeeze3A = vector.extract %slice3A[0] : f32 from vector<1xf32>
      %broadcast_in_dim3A = vector.broadcast %squeeze3A : f32 to vector<16xf32>
      %mul3A_28 = arith.constant 16 : i32
      %mul3A_29 = arith.muli %scan3A_24, %mul3A_28 : i32
      %add3A_30 = arith.constant 0 : i32
      %add3A_31 = arith.addi %mul3A_29, %add3A_30 : i32
      %mul3A_32 = arith.constant 16 : i32
      %mul3A_33 = arith.muli %add3A_31, %mul3A_32 : i32
      %swap3A = arith.index_cast %mul3A_33 : i32 to index
      %swap3A_34 = tpu.vector_load %arg6[%swap3A] {strides = array<i32>} : memref<65536xf32, #tpu.memory_space<vmem>>, vector<16xf32>,
      tpu.vector_store %arg6[%swap3A], %broadcast_in_dim3A {strides = array<i32>} : memref<65536xf32, #tpu.memory_space<vmem>>, vector<16xf32>,
      %slice3A_35 = vector.extract_strided_slice %get3A_27 {offsets = [1], sizes = [1], strides = [1]} : vector<16xf32> to vector<1xf32>
      %squeeze3A_36 = vector.extract %slice3A_35[0] : f32 from vector<1xf32>
      %broadcast_in_dim3A_37 = vector.broadcast %squeeze3A_36 : f32 to vector<16xf32>
      %mul3A_38 = arith.constant 16 : i32
      %mul3A_39 = arith.muli %scan3A_24, %mul3A_38 : i32
      %add3A_40 = arith.constant 1 : i32
      %add3A_41 = arith.addi %mul3A_39, %add3A_40 : i32
      %mul3A_42 = arith.constant 16 : i32
      %mul3A_43 = arith.muli %add3A_41, %mul3A_42 : i32
      %swap3A_44 = arith.index_cast %mul3A_43 : i32 to index
      %swap3A_45 = tpu.vector_load %arg6[%swap3A_44] {strides = array<i32>} : memref<65536xf32, #tpu.memory_space<vmem>>, vector<16xf32>,
      tpu.vector_store %arg6[%swap3A_44], %broadcast_in_dim3A_37 {strides = array<i32>} : memref<65536xf32, #tpu.memory_space<vmem>>, vector<16xf32>,
      %slice3A_46 = vector.extract_strided_slice %get3A_27 {offsets = [2], sizes = [1], strides = [1]} : vector<16xf32> to vector<1xf32>
      %squeeze3A_47 = vector.extract %slice3A_46[0] : f32 from vector<1xf32>
      %broadcast_in_dim3A_48 = vector.broadcast %squeeze3A_47 : f32 to vector<16xf32>
      %mul3A_49 = arith.constant 16 : i32
      %mul3A_50 = arith.muli %scan3A_24, %mul3A_49 : i32
      %add3A_51 = arith.constant 2 : i32
      %add3A_52 = arith.addi %mul3A_50, %add3A_51 : i32
      %mul3A_53 = arith.constant 16 : i32
      %mul3A_54 = arith.muli %add3A_52, %mul3A_53 : i32
      %swap3A_55 = arith.index_cast %mul3A_54 : i32 to index
      %swap3A_56 = tpu.vector_load %arg6[%swap3A_55] {strides = array<i32>} : memref<65536xf32, #tpu.memory_space<vmem>>, vector<16xf32>,
      tpu.vector_store %arg6[%swap3A_55], %broadcast_in_dim3A_48 {strides = array<i32>} : memref<65536xf32, #tpu.memory_space<vmem>>, vector<16xf32>,
      %slice3A_57 = vector.extract_strided_slice %get3A_27 {offsets = [3], sizes = [1], strides = [1]} : vector<16xf32> to vector<1xf32>
      %squeeze3A_58 = vector.extract %slice3A_57[0] : f32 from vector<1xf32>
      %broadcast_in_dim3A_59 = vector.broadcast %squeeze3A_58 : f32 to vector<16xf32>
      %mul3A_60 = arith.constant 16 : i32
      %mul3A_61 = arith.muli %scan3A_24, %mul3A_60 : i32
      %add3A_62 = arith.constant 3 : i32
      %add3A_63 = arith.addi %mul3A_61, %add3A_62 : i32
      %mul3A_64 = arith.constant 16 : i32
      %mul3A_65 = arith.muli %add3A_63, %mul3A_64 : i32
      %swap3A_66 = arith.index_cast %mul3A_65 : i32 to index
      %swap3A_67 = tpu.vector_load %arg6[%swap3A_66] {strides = array<i32>} : memref<65536xf32, #tpu.memory_space<vmem>>, vector<16xf32>,
      tpu.vector_store %arg6[%swap3A_66], %broadcast_in_dim3A_59 {strides = array<i32>} : memref<65536xf32, #tpu.memory_space<vmem>>, vector<16xf32>,
      %slice3A_68 = vector.extract_strided_slice %get3A_27 {offsets = [4], sizes = [1], strides = [1]} : vector<16xf32> to vector<1xf32>
      %squeeze3A_69 = vector.extract %slice3A_68[0] : f32 from vector<1xf32>
      %broadcast_in_dim3A_70 = vector.broadcast %squeeze3A_69 : f32 to vector<16xf32>
      %mul3A_71 = arith.constant 16 : i32
      %mul3A_72 = arith.muli %scan3A_24, %mul3A_71 : i32
      %add3A_73 = arith.constant 4 : i32
      %add3A_74 = arith.addi %mul3A_72, %add3A_73 : i32
      %mul3A_75 = arith.constant 16 : i32
      %mul3A_76 = arith.muli %add3A_74, %mul3A_75 : i32
      %swap3A_77 = arith.index_cast %mul3A_76 : i32 to index
      %swap3A_78 = tpu.vector_load %arg6[%swap3A_77] {strides = array<i32>} : memref<65536xf32, #tpu.memory_space<vmem>>, vector<16xf32>,
      tpu.vector_store %arg6[%swap3A_77], %broadcast_in_dim3A_70 {strides = array<i32>} : memref<65536xf32, #tpu.memory_space<vmem>>, vector<16xf32>,
      %slice3A_79 = vector.extract_strided_slice %get3A_27 {offsets = [5], sizes = [1], strides = [1]} : vector<16xf32> to vector<1xf32>
      %squeeze3A_80 = vector.extract %slice3A_79[0] : f32 from vector<1xf32>
      %broadcast_in_dim3A_81 = vector.broadcast %squeeze3A_80 : f32 to vector<16xf32>
      %mul3A_82 = arith.constant 16 : i32
      %mul3A_83 = arith.muli %scan3A_24, %mul3A_82 : i32
      %add3A_84 = arith.constant 5 : i32
      %add3A_85 = arith.addi %mul3A_83, %add3A_84 : i32
      %mul3A_86 = arith.constant 16 : i32
      %mul3A_87 = arith.muli %add3A_85, %mul3A_86 : i32
      %swap3A_88 = arith.index_cast %mul3A_87 : i32 to index
      %swap3A_89 = tpu.vector_load %arg6[%swap3A_88] {strides = array<i32>} : memref<65536xf32, #tpu.memory_space<vmem>>, vector<16xf32>,
      tpu.vector_store %arg6[%swap3A_88], %broadcast_in_dim3A_81 {strides = array<i32>} : memref<65536xf32, #tpu.memory_space<vmem>>, vector<16xf32>,
      %slice3A_90 = vector.extract_strided_slice %get3A_27 {offsets = [6], sizes = [1], strides = [1]} : vector<16xf32> to vector<1xf32>
      %squeeze3A_91 = vector.extract %slice3A_90[0] : f32 from vector<1xf32>
      %broadcast_in_dim3A_92 = vector.broadcast %squeeze3A_91 : f32 to vector<16xf32>
      %mul3A_93 = arith.constant 16 : i32
      %mul3A_94 = arith.muli %scan3A_24, %mul3A_93 : i32
      %add3A_95 = arith.constant 6 : i32
      %add3A_96 = arith.addi %mul3A_94, %add3A_95 : i32
      %mul3A_97 = arith.constant 16 : i32
      %mul3A_98 = arith.muli %add3A_96, %mul3A_97 : i32
      %swap3A_99 = arith.index_cast %mul3A_98 : i32 to index
      %swap3A_100 = tpu.vector_load %arg6[%swap3A_99] {strides = array<i32>} : memref<65536xf32, #tpu.memory_space<vmem>>, vector<16xf32>,
      tpu.vector_store %arg6[%swap3A_99], %broadcast_in_dim3A_92 {strides = array<i32>} : memref<65536xf32, #tpu.memory_space<vmem>>, vector<16xf32>,
      %slice3A_101 = vector.extract_strided_slice %get3A_27 {offsets = [7], sizes = [1], strides = [1]} : vector<16xf32> to vector<1xf32>
      %squeeze3A_102 = vector.extract %slice3A_101[0] : f32 from vector<1xf32>
      %broadcast_in_dim3A_103 = vector.broadcast %squeeze3A_102 : f32 to vector<16xf32>
      %mul3A_104 = arith.constant 16 : i32
      %mul3A_105 = arith.muli %scan3A_24, %mul3A_104 : i32
      %add3A_106 = arith.constant 7 : i32
      %add3A_107 = arith.addi %mul3A_105, %add3A_106 : i32
      %mul3A_108 = arith.constant 16 : i32
      %mul3A_109 = arith.muli %add3A_107, %mul3A_108 : i32
      %swap3A_110 = arith.index_cast %mul3A_109 : i32 to index
      %swap3A_111 = tpu.vector_load %arg6[%swap3A_110] {strides = array<i32>} : memref<65536xf32, #tpu.memory_space<vmem>>, vector<16xf32>,
      tpu.vector_store %arg6[%swap3A_110], %broadcast_in_dim3A_103 {strides = array<i32>} : memref<65536xf32, #tpu.memory_space<vmem>>, vector<16xf32>,
      %slice3A_112 = vector.extract_strided_slice %get3A_27 {offsets = [8], sizes = [1], strides = [1]} : vector<16xf32> to vector<1xf32>
      %squeeze3A_113 = vector.extract %slice3A_112[0] : f32 from vector<1xf32>
      %broadcast_in_dim3A_114 = vector.broadcast %squeeze3A_113 : f32 to vector<16xf32>
      %mul3A_115 = arith.constant 16 : i32
      %mul3A_116 = arith.muli %scan3A_24, %mul3A_115 : i32
      %add3A_117 = arith.constant 8 : i32
      %add3A_118 = arith.addi %mul3A_116, %add3A_117 : i32
      %mul3A_119 = arith.constant 16 : i32
      %mul3A_120 = arith.muli %add3A_118, %mul3A_119 : i32
      %swap3A_121 = arith.index_cast %mul3A_120 : i32 to index
      %swap3A_122 = tpu.vector_load %arg6[%swap3A_121] {strides = array<i32>} : memref<65536xf32, #tpu.memory_space<vmem>>, vector<16xf32>,
      tpu.vector_store %arg6[%swap3A_121], %broadcast_in_dim3A_114 {strides = array<i32>} : memref<65536xf32, #tpu.memory_space<vmem>>, vector<16xf32>,
      %slice3A_123 = vector.extract_strided_slice %get3A_27 {offsets = [9], sizes = [1], strides = [1]} : vector<16xf32> to vector<1xf32>
      %squeeze3A_124 = vector.extract %slice3A_123[0] : f32 from vector<1xf32>
      %broadcast_in_dim3A_125 = vector.broadcast %squeeze3A_124 : f32 to vector<16xf32>
      %mul3A_126 = arith.constant 16 : i32
      %mul3A_127 = arith.muli %scan3A_24, %mul3A_126 : i32
      %add3A_128 = arith.constant 9 : i32
      %add3A_129 = arith.addi %mul3A_127, %add3A_128 : i32
      %mul3A_130 = arith.constant 16 : i32
      %mul3A_131 = arith.muli %add3A_129, %mul3A_130 : i32
      %swap3A_132 = arith.index_cast %mul3A_131 : i32 to index
      %swap3A_133 = tpu.vector_load %arg6[%swap3A_132] {strides = array<i32>} : memref<65536xf32, #tpu.memory_space<vmem>>, vector<16xf32>,
      tpu.vector_store %arg6[%swap3A_132], %broadcast_in_dim3A_125 {strides = array<i32>} : memref<65536xf32, #tpu.memory_space<vmem>>, vector<16xf32>,
      %slice3A_134 = vector.extract_strided_slice %get3A_27 {offsets = [10], sizes = [1], strides = [1]} : vector<16xf32> to vector<1xf32>
      %squeeze3A_135 = vector.extract %slice3A_134[0] : f32 from vector<1xf32>
      %broadcast_in_dim3A_136 = vector.broadcast %squeeze3A_135 : f32 to vector<16xf32>
      %mul3A_137 = arith.constant 16 : i32
      %mul3A_138 = arith.muli %scan3A_24, %mul3A_137 : i32
      %add3A_139 = arith.constant 10 : i32
      %add3A_140 = arith.addi %mul3A_138, %add3A_139 : i32
      %mul3A_141 = arith.constant 16 : i32
      %mul3A_142 = arith.muli %add3A_140, %mul3A_141 : i32
      %swap3A_143 = arith.index_cast %mul3A_142 : i32 to index
      %swap3A_144 = tpu.vector_load %arg6[%swap3A_143] {strides = array<i32>} : memref<65536xf32, #tpu.memory_space<vmem>>, vector<16xf32>,
      tpu.vector_store %arg6[%swap3A_143], %broadcast_in_dim3A_136 {strides = array<i32>} : memref<65536xf32, #tpu.memory_space<vmem>>, vector<16xf32>,
      %slice3A_145 = vector.extract_strided_slice %get3A_27 {offsets = [11], sizes = [1], strides = [1]} : vector<16xf32> to vector<1xf32>
      %squeeze3A_146 = vector.extract %slice3A_145[0] : f32 from vector<1xf32>
      %broadcast_in_dim3A_147 = vector.broadcast %squeeze3A_146 : f32 to vector<16xf32>
      %mul3A_148 = arith.constant 16 : i32
      %mul3A_149 = arith.muli %scan3A_24, %mul3A_148 : i32
      %add3A_150 = arith.constant 11 : i32
      %add3A_151 = arith.addi %mul3A_149, %add3A_150 : i32
      %mul3A_152 = arith.constant 16 : i32
      %mul3A_153 = arith.muli %add3A_151, %mul3A_152 : i32
      %swap3A_154 = arith.index_cast %mul3A_153 : i32 to index
      %swap3A_155 = tpu.vector_load %arg6[%swap3A_154] {strides = array<i32>} : memref<65536xf32, #tpu.memory_space<vmem>>, vector<16xf32>,
      tpu.vector_store %arg6[%swap3A_154], %broadcast_in_dim3A_147 {strides = array<i32>} : memref<65536xf32, #tpu.memory_space<vmem>>, vector<16xf32>,
      %slice3A_156 = vector.extract_strided_slice %get3A_27 {offsets = [12], sizes = [1], strides = [1]} : vector<16xf32> to vector<1xf32>
      %squeeze3A_157 = vector.extract %slice3A_156[0] : f32 from vector<1xf32>
      %broadcast_in_dim3A_158 = vector.broadcast %squeeze3A_157 : f32 to vector<16xf32>
      %mul3A_159 = arith.constant 16 : i32
      %mul3A_160 = arith.muli %scan3A_24, %mul3A_159 : i32
      %add3A_161 = arith.constant 12 : i32
      %add3A_162 = arith.addi %mul3A_160, %add3A_161 : i32
      %mul3A_163 = arith.constant 16 : i32
      %mul3A_164 = arith.muli %add3A_162, %mul3A_163 : i32
      %swap3A_165 = arith.index_cast %mul3A_164 : i32 to index
      %swap3A_166 = tpu.vector_load %arg6[%swap3A_165] {strides = array<i32>} : memref<65536xf32, #tpu.memory_space<vmem>>, vector<16xf32>,
      tpu.vector_store %arg6[%swap3A_165], %broadcast_in_dim3A_158 {strides = array<i32>} : memref<65536xf32, #tpu.memory_space<vmem>>, vector<16xf32>,
      %slice3A_167 = vector.extract_strided_slice %get3A_27 {offsets = [13], sizes = [1], strides = [1]} : vector<16xf32> to vector<1xf32>
      %squeeze3A_168 = vector.extract %slice3A_167[0] : f32 from vector<1xf32>
      %broadcast_in_dim3A_169 = vector.broadcast %squeeze3A_168 : f32 to vector<16xf32>
      %mul3A_170 = arith.constant 16 : i32
      %mul3A_171 = arith.muli %scan3A_24, %mul3A_170 : i32
      %add3A_172 = arith.constant 13 : i32
      %add3A_173 = arith.addi %mul3A_171, %add3A_172 : i32
      %mul3A_174 = arith.constant 16 : i32
      %mul3A_175 = arith.muli %add3A_173, %mul3A_174 : i32
      %swap3A_176 = arith.index_cast %mul3A_175 : i32 to index
      %swap3A_177 = tpu.vector_load %arg6[%swap3A_176] {strides = array<i32>} : memref<65536xf32, #tpu.memory_space<vmem>>, vector<16xf32>,
      tpu.vector_store %arg6[%swap3A_176], %broadcast_in_dim3A_169 {strides = array<i32>} : memref<65536xf32, #tpu.memory_space<vmem>>, vector<16xf32>,
      %slice3A_178 = vector.extract_strided_slice %get3A_27 {offsets = [14], sizes = [1], strides = [1]} : vector<16xf32> to vector<1xf32>
      %squeeze3A_179 = vector.extract %slice3A_178[0] : f32 from vector<1xf32>
      %broadcast_in_dim3A_180 = vector.broadcast %squeeze3A_179 : f32 to vector<16xf32>
      %mul3A_181 = arith.constant 16 : i32
      %mul3A_182 = arith.muli %scan3A_24, %mul3A_181 : i32
      %add3A_183 = arith.constant 14 : i32
      %add3A_184 = arith.addi %mul3A_182, %add3A_183 : i32
      %mul3A_185 = arith.constant 16 : i32
      %mul3A_186 = arith.muli %add3A_184, %mul3A_185 : i32
      %swap3A_187 = arith.index_cast %mul3A_186 : i32 to index
      %swap3A_188 = tpu.vector_load %arg6[%swap3A_187] {strides = array<i32>} : memref<65536xf32, #tpu.memory_space<vmem>>, vector<16xf32>,
      tpu.vector_store %arg6[%swap3A_187], %broadcast_in_dim3A_180 {strides = array<i32>} : memref<65536xf32, #tpu.memory_space<vmem>>, vector<16xf32>,
      %slice3A_189 = vector.extract_strided_slice %get3A_27 {offsets = [15], sizes = [1], strides = [1]} : vector<16xf32> to vector<1xf32>
      %squeeze3A_190 = vector.extract %slice3A_189[0] : f32 from vector<1xf32>
      %broadcast_in_dim3A_191 = vector.broadcast %squeeze3A_190 : f32 to vector<16xf32>
      %mul3A_192 = arith.constant 16 : i32
      %mul3A_193 = arith.muli %scan3A_24, %mul3A_192 : i32
      %add3A_194 = arith.constant 15 : i32
      %add3A_195 = arith.addi %mul3A_193, %add3A_194 : i32
      %mul3A_196 = arith.constant 16 : i32
      %mul3A_197 = arith.muli %add3A_195, %mul3A_196 : i32
      %swap3A_198 = arith.index_cast %mul3A_197 : i32 to index
      %swap3A_199 = tpu.vector_load %arg6[%swap3A_198] {strides = array<i32>} : memref<65536xf32, #tpu.memory_space<vmem>>, vector<16xf32>,
      tpu.vector_store %arg6[%swap3A_198], %broadcast_in_dim3A_191 {strides = array<i32>} : memref<65536xf32, #tpu.memory_space<vmem>>, vector<16xf32>,
    }
    %scan3A_7 = arith.constant 256 : i32
    %add3A_8 = arith.constant 0 : i32
    %add3A_9 = arith.addi %mul3A_2, %add3A_8 : i32
    %dma_start3A = tpu.memref_slice %arg2[%add3A_9] : memref<16777216xf32, #tpu.memory_space<hbm>> -> memref<8192xf32, #tpu.memory_space<hbm>>
    %dma_start3A_10 = tpu.memref_slice %arg2[%add3A_9] : memref<16777216xf32, #tpu.memory_space<hbm>> -> memref<8192xf32, #tpu.memory_space<hbm>>
    tpu.enqueue_dma source(%dma_start3A_10 : memref<8192xf32, #tpu.memory_space<hbm>>) target(%arg7 : memref<8192xf32, #tpu.memory_space<vmem>>) target_semaphore(%arg11 : memref<!tpu.dma_semaphore, #tpu.memory_space<semaphore_mem>>)
    %scan3A_11 = arith.constant 0 : i32
    %scan3A_12 = arith.constant 0 : i32
    %scan3A_13 = arith.constant 32 : i32
    %scan3A_14 = arith.addi %scan3A_12, %scan3A_13 : i32
    %scan3A_15 = arith.constant 1 : i32
    scf.for %scan3A_24 = %scan3A_12 to %scan3A_14 step %scan3A_15  : i32 {
      %mul3A_25 = arith.constant 2 : i32
      %mul3A_26 = arith.muli %mul3A_25, %scan3A_24 : i32
      %add3A_27 = arith.constant 1 : i32
      %add3A_28 = arith.addi %mul3A_26, %add3A_27 : i32
      %mul3A_29 = arith.constant 8192 : i32
      %mul3A_30 = arith.muli %add3A_28, %mul3A_29 : i32
      %add3A_31 = arith.addi %mul3A_2, %mul3A_30 : i32
      %dma_start3A_32 = tpu.memref_slice %arg2[%add3A_31] : memref<16777216xf32, #tpu.memory_space<hbm>> -> memref<8192xf32, #tpu.memory_space<hbm>>
      %dma_start3A_33 = tpu.memref_slice %arg2[%add3A_31] : memref<16777216xf32, #tpu.memory_space<hbm>> -> memref<8192xf32, #tpu.memory_space<hbm>>
      tpu.enqueue_dma source(%dma_start3A_33 : memref<8192xf32, #tpu.memory_space<hbm>>) target(%arg8 : memref<8192xf32, #tpu.memory_space<vmem>>) target_semaphore(%arg12 : memref<!tpu.dma_semaphore, #tpu.memory_space<semaphore_mem>>)
      %mul3A_34 = arith.constant 8192 : i32
      %mul3A_35 = arith.muli %mul3A_26, %mul3A_34 : i32
      %add3A_36 = arith.addi %mul3A_2, %mul3A_35 : i32
      %dma_wait3A_37 = tpu.memref_slice %arg2[%add3A_36] : memref<16777216xf32, #tpu.memory_space<hbm>> -> memref<8192xf32, #tpu.memory_space<hbm>>
      %dma_wait3A_38 = tpu.memref_slice %arg2[%add3A_36] : memref<16777216xf32, #tpu.memory_space<hbm>> -> memref<8192xf32, #tpu.memory_space<hbm>>
      tpu.wait_dma2 semaphore(%arg11 : memref<!tpu.dma_semaphore, #tpu.memory_space<semaphore_mem>>) src(%dma_wait3A_38 : memref<8192xf32, #tpu.memory_space<hbm>>) dst(%arg7 : memref<8192xf32, #tpu.memory_space<vmem>>)
      %gt3A = arith.constant 0 : i32
      %gt3A_39 = arith.cmpi sgt, %scan3A_24, %gt3A : i32
      %convert_element_type3A = arith.extui %gt3A_39 : i1 to i32
      %cond3A = arith.constant 0 : i32
      %cond3A_40 = arith.cmpi ne, %convert_element_type3A, %cond3A : i32
      scf.if %cond3A_40 {
        %sub3A = arith.constant 2 : i32
        %sub3A_74 = arith.subi %mul3A_26, %sub3A : i32
        %mul3A_75 = arith.constant 8192 : i32
        %mul3A_76 = arith.muli %sub3A_74, %mul3A_75 : i32
        %add3A_77 = arith.addi %mul3A_2, %mul3A_76 : i32
        %dma_wait3A_78 = tpu.memref_slice %arg4[%add3A_77] : memref<16777216xi32, #tpu.memory_space<hbm>> -> memref<8192xi32, #tpu.memory_space<hbm>>
        %dma_wait3A_79 = tpu.memref_slice %arg4[%add3A_77] : memref<16777216xi32, #tpu.memory_space<hbm>> -> memref<8192xi32, #tpu.memory_space<hbm>>
        tpu.wait_dma2 semaphore(%arg13 : memref<!tpu.dma_semaphore, #tpu.memory_space<semaphore_mem>>) src(%arg9 : memref<8192xi32, #tpu.memory_space<vmem>>) dst(%dma_wait3A_79 : memref<8192xi32, #tpu.memory_space<hbm>>)
      } else {
      }
      %parallel_loop3A = arith.constant 0 : i32
      %parallel_loop3A_41 = arith.constant 8192 : i32
      %parallel_loop3A_42 = arith.constant 64 : i32
      scf.for %parallel_loop3A_74 = %parallel_loop3A to %parallel_loop3A_41 step %parallel_loop3A_42  : i32 {
        %parallel_loop3A_75 = arith.constant 0 : i32
        %parallel_loop3A_76 = arith.addi %parallel_loop3A_74, %parallel_loop3A_75 : i32
        %parallel_loop3A_77 = arith.index_cast %parallel_loop3A_76 : i32 to index
        %parallel_loop3A_78 = tpu.vector_load %arg7[%parallel_loop3A_77] {strides = array<i32>} : memref<8192xf32, #tpu.memory_space<vmem>>, vector<16xf32>,
        %parallel_loop3A_79 = arith.constant 16 : i32
        %parallel_loop3A_80 = arith.addi %parallel_loop3A_74, %parallel_loop3A_79 : i32
        %parallel_loop3A_81 = arith.index_cast %parallel_loop3A_80 : i32 to index
        %parallel_loop3A_82 = tpu.vector_load %arg7[%parallel_loop3A_81] {strides = array<i32>} : memref<8192xf32, #tpu.memory_space<vmem>>, vector<16xf32>,
        %parallel_loop3A_83 = arith.constant 32 : i32
        %parallel_loop3A_84 = arith.addi %parallel_loop3A_74, %parallel_loop3A_83 : i32
        %parallel_loop3A_85 = arith.index_cast %parallel_loop3A_84 : i32 to index
        %parallel_loop3A_86 = tpu.vector_load %arg7[%parallel_loop3A_85] {strides = array<i32>} : memref<8192xf32, #tpu.memory_space<vmem>>, vector<16xf32>,
        %parallel_loop3A_87 = arith.constant 48 : i32
        %parallel_loop3A_88 = arith.addi %parallel_loop3A_74, %parallel_loop3A_87 : i32
        %parallel_loop3A_89 = arith.index_cast %parallel_loop3A_88 : i32 to index
        %parallel_loop3A_90 = tpu.vector_load %arg7[%parallel_loop3A_89] {strides = array<i32>} : memref<8192xf32, #tpu.memory_space<vmem>>, vector<16xf32>,
        %parallel_loop3A_91 = arith.constant 32752 : i32
        %parallel_loop3A_92 = vector.broadcast %parallel_loop3A_91 : i32 to vector<16xi32>
        %parallel_loop3A_93 = arith.addi %iota3A, %parallel_loop3A_92 : vector<16xi32>
        %parallel_loop3A_94 = tpu.vector_load_idx %arg6[%parallel_loop3A_93] : memref<65536xf32, #tpu.memory_space<vmem>>[vector<16xi32>], vector<16xf32>,
        %parallel_loop3A_95 = arith.cmpf olt, %parallel_loop3A_94, %parallel_loop3A_78 : vector<16xf32>
        %parallel_loop3A_96 = arith.constant 32768 : i32
        %parallel_loop3A_97 = vector.broadcast %parallel_loop3A_96 : i32 to vector<16xi32>
        %parallel_loop3A_98 = arith.addi %iota3A, %parallel_loop3A_97 : vector<16xi32>
        %parallel_loop3A_99 = arith.select %parallel_loop3A_95, %parallel_loop3A_98, %iota3A : vector<16xi1>, vector<16xi32>
        %parallel_loop3A_100 = arith.constant 16368 : i32
        %parallel_loop3A_101 = vector.broadcast %parallel_loop3A_100 : i32 to vector<16xi32>
        %parallel_loop3A_102 = arith.addi %parallel_loop3A_99, %parallel_loop3A_101 : vector<16xi32>
        %parallel_loop3A_103 = tpu.vector_load_idx %arg6[%parallel_loop3A_102] : memref<65536xf32, #tpu.memory_space<vmem>>[vector<16xi32>], vector<16xf32>,
        %parallel_loop3A_104 = arith.cmpf olt, %parallel_loop3A_103, %parallel_loop3A_78 : vector<16xf32>
        %parallel_loop3A_105 = arith.constant 16384 : i32
        %parallel_loop3A_106 = vector.broadcast %parallel_loop3A_105 : i32 to vector<16xi32>
        %parallel_loop3A_107 = arith.addi %parallel_loop3A_99, %parallel_loop3A_106 : vector<16xi32>
        %parallel_loop3A_108 = arith.select %parallel_loop3A_104, %parallel_loop3A_107, %parallel_loop3A_99 : vector<16xi1>, vector<16xi32>
        %parallel_loop3A_109 = arith.constant 8176 : i32
        %parallel_loop3A_110 = vector.broadcast %parallel_loop3A_109 : i32 to vector<16xi32>
        %parallel_loop3A_111 = arith.addi %parallel_loop3A_108, %parallel_loop3A_110 : vector<16xi32>
        %parallel_loop3A_112 = tpu.vector_load_idx %arg6[%parallel_loop3A_111] : memref<65536xf32, #tpu.memory_space<vmem>>[vector<16xi32>], vector<16xf32>,
        %parallel_loop3A_113 = arith.cmpf olt, %parallel_loop3A_112, %parallel_loop3A_78 : vector<16xf32>
        %parallel_loop3A_114 = arith.constant 8192 : i32
        %parallel_loop3A_115 = vector.broadcast %parallel_loop3A_114 : i32 to vector<16xi32>
        %parallel_loop3A_116 = arith.addi %parallel_loop3A_108, %parallel_loop3A_115 : vector<16xi32>
        %parallel_loop3A_117 = arith.select %parallel_loop3A_113, %parallel_loop3A_116, %parallel_loop3A_108 : vector<16xi1>, vector<16xi32>
        %parallel_loop3A_118 = arith.constant 4080 : i32
        %parallel_loop3A_119 = vector.broadcast %parallel_loop3A_118 : i32 to vector<16xi32>
        %parallel_loop3A_120 = arith.addi %parallel_loop3A_117, %parallel_loop3A_119 : vector<16xi32>
        %parallel_loop3A_121 = tpu.vector_load_idx %arg6[%parallel_loop3A_120] : memref<65536xf32, #tpu.memory_space<vmem>>[vector<16xi32>], vector<16xf32>,
        %parallel_loop3A_122 = arith.cmpf olt, %parallel_loop3A_121, %parallel_loop3A_78 : vector<16xf32>
        %parallel_loop3A_123 = arith.constant 4096 : i32
        %parallel_loop3A_124 = vector.broadcast %parallel_loop3A_123 : i32 to vector<16xi32>
        %parallel_loop3A_125 = arith.addi %parallel_loop3A_117, %parallel_loop3A_124 : vector<16xi32>
        %parallel_loop3A_126 = arith.select %parallel_loop3A_122, %parallel_loop3A_125, %parallel_loop3A_117 : vector<16xi1>, vector<16xi32>
        %parallel_loop3A_127 = arith.constant 2032 : i32
        %parallel_loop3A_128 = vector.broadcast %parallel_loop3A_127 : i32 to vector<16xi32>
        %parallel_loop3A_129 = arith.addi %parallel_loop3A_126, %parallel_loop3A_128 : vector<16xi32>
        %parallel_loop3A_130 = tpu.vector_load_idx %arg6[%parallel_loop3A_129] : memref<65536xf32, #tpu.memory_space<vmem>>[vector<16xi32>], vector<16xf32>,
        %parallel_loop3A_131 = arith.cmpf olt, %parallel_loop3A_130, %parallel_loop3A_78 : vector<16xf32>
        %parallel_loop3A_132 = arith.constant 2048 : i32
        %parallel_loop3A_133 = vector.broadcast %parallel_loop3A_132 : i32 to vector<16xi32>
        %parallel_loop3A_134 = arith.addi %parallel_loop3A_126, %parallel_loop3A_133 : vector<16xi32>
        %parallel_loop3A_135 = arith.select %parallel_loop3A_131, %parallel_loop3A_134, %parallel_loop3A_126 : vector<16xi1>, vector<16xi32>
        %parallel_loop3A_136 = arith.constant 1008 : i32
        %parallel_loop3A_137 = vector.broadcast %parallel_loop3A_136 : i32 to vector<16xi32>
        %parallel_loop3A_138 = arith.addi %parallel_loop3A_135, %parallel_loop3A_137 : vector<16xi32>
        %parallel_loop3A_139 = tpu.vector_load_idx %arg6[%parallel_loop3A_138] : memref<65536xf32, #tpu.memory_space<vmem>>[vector<16xi32>], vector<16xf32>,
        %parallel_loop3A_140 = arith.cmpf olt, %parallel_loop3A_139, %parallel_loop3A_78 : vector<16xf32>
        %parallel_loop3A_141 = arith.constant 1024 : i32
        %parallel_loop3A_142 = vector.broadcast %parallel_loop3A_141 : i32 to vector<16xi32>
        %parallel_loop3A_143 = arith.addi %parallel_loop3A_135, %parallel_loop3A_142 : vector<16xi32>
        %parallel_loop3A_144 = arith.select %parallel_loop3A_140, %parallel_loop3A_143, %parallel_loop3A_135 : vector<16xi1>, vector<16xi32>
        %parallel_loop3A_145 = arith.constant 496 : i32
        %parallel_loop3A_146 = vector.broadcast %parallel_loop3A_145 : i32 to vector<16xi32>
        %parallel_loop3A_147 = arith.addi %parallel_loop3A_144, %parallel_loop3A_146 : vector<16xi32>
        %parallel_loop3A_148 = tpu.vector_load_idx %arg6[%parallel_loop3A_147] : memref<65536xf32, #tpu.memory_space<vmem>>[vector<16xi32>], vector<16xf32>,
        %parallel_loop3A_149 = arith.cmpf olt, %parallel_loop3A_148, %parallel_loop3A_78 : vector<16xf32>
        %parallel_loop3A_150 = arith.constant 512 : i32
        %parallel_loop3A_151 = vector.broadcast %parallel_loop3A_150 : i32 to vector<16xi32>
        %parallel_loop3A_152 = arith.addi %parallel_loop3A_144, %parallel_loop3A_151 : vector<16xi32>
        %parallel_loop3A_153 = arith.select %parallel_loop3A_149, %parallel_loop3A_152, %parallel_loop3A_144 : vector<16xi1>, vector<16xi32>
        %parallel_loop3A_154 = arith.constant 240 : i32
        %parallel_loop3A_155 = vector.broadcast %parallel_loop3A_154 : i32 to vector<16xi32>
        %parallel_loop3A_156 = arith.addi %parallel_loop3A_153, %parallel_loop3A_155 : vector<16xi32>
        %parallel_loop3A_157 = tpu.vector_load_idx %arg6[%parallel_loop3A_156] : memref<65536xf32, #tpu.memory_space<vmem>>[vector<16xi32>], vector<16xf32>,
        %parallel_loop3A_158 = arith.cmpf olt, %parallel_loop3A_157, %parallel_loop3A_78 : vector<16xf32>
        %parallel_loop3A_159 = arith.constant 256 : i32
        %parallel_loop3A_160 = vector.broadcast %parallel_loop3A_159 : i32 to vector<16xi32>
        %parallel_loop3A_161 = arith.addi %parallel_loop3A_153, %parallel_loop3A_160 : vector<16xi32>
        %parallel_loop3A_162 = arith.select %parallel_loop3A_158, %parallel_loop3A_161, %parallel_loop3A_153 : vector<16xi1>, vector<16xi32>
        %parallel_loop3A_163 = arith.constant 112 : i32
        %parallel_loop3A_164 = vector.broadcast %parallel_loop3A_163 : i32 to vector<16xi32>
        %parallel_loop3A_165 = arith.addi %parallel_loop3A_162, %parallel_loop3A_164 : vector<16xi32>
        %parallel_loop3A_166 = tpu.vector_load_idx %arg6[%parallel_loop3A_165] : memref<65536xf32, #tpu.memory_space<vmem>>[vector<16xi32>], vector<16xf32>,
        %parallel_loop3A_167 = arith.cmpf olt, %parallel_loop3A_166, %parallel_loop3A_78 : vector<16xf32>
        %parallel_loop3A_168 = arith.constant 128 : i32
        %parallel_loop3A_169 = vector.broadcast %parallel_loop3A_168 : i32 to vector<16xi32>
        %parallel_loop3A_170 = arith.addi %parallel_loop3A_162, %parallel_loop3A_169 : vector<16xi32>
        %parallel_loop3A_171 = arith.select %parallel_loop3A_167, %parallel_loop3A_170, %parallel_loop3A_162 : vector<16xi1>, vector<16xi32>
        %parallel_loop3A_172 = arith.constant 48 : i32
        %parallel_loop3A_173 = vector.broadcast %parallel_loop3A_172 : i32 to vector<16xi32>
        %parallel_loop3A_174 = arith.addi %parallel_loop3A_171, %parallel_loop3A_173 : vector<16xi32>
        %parallel_loop3A_175 = tpu.vector_load_idx %arg6[%parallel_loop3A_174] : memref<65536xf32, #tpu.memory_space<vmem>>[vector<16xi32>], vector<16xf32>,
        %parallel_loop3A_176 = arith.cmpf olt, %parallel_loop3A_175, %parallel_loop3A_78 : vector<16xf32>
        %parallel_loop3A_177 = arith.constant 64 : i32
        %parallel_loop3A_178 = vector.broadcast %parallel_loop3A_177 : i32 to vector<16xi32>
        %parallel_loop3A_179 = arith.addi %parallel_loop3A_171, %parallel_loop3A_178 : vector<16xi32>
        %parallel_loop3A_180 = arith.select %parallel_loop3A_176, %parallel_loop3A_179, %parallel_loop3A_171 : vector<16xi1>, vector<16xi32>
        %parallel_loop3A_181 = arith.constant 16 : i32
        %parallel_loop3A_182 = vector.broadcast %parallel_loop3A_181 : i32 to vector<16xi32>
        %parallel_loop3A_183 = arith.addi %parallel_loop3A_180, %parallel_loop3A_182 : vector<16xi32>
        %parallel_loop3A_184 = tpu.vector_load_idx %arg6[%parallel_loop3A_183] : memref<65536xf32, #tpu.memory_space<vmem>>[vector<16xi32>], vector<16xf32>,
        %parallel_loop3A_185 = arith.cmpf olt, %parallel_loop3A_184, %parallel_loop3A_78 : vector<16xf32>
        %parallel_loop3A_186 = arith.constant 32 : i32
        %parallel_loop3A_187 = vector.broadcast %parallel_loop3A_186 : i32 to vector<16xi32>
        %parallel_loop3A_188 = arith.addi %parallel_loop3A_180, %parallel_loop3A_187 : vector<16xi32>
        %parallel_loop3A_189 = arith.select %parallel_loop3A_185, %parallel_loop3A_188, %parallel_loop3A_180 : vector<16xi1>, vector<16xi32>
        %parallel_loop3A_190 = tpu.vector_load_idx %arg6[%parallel_loop3A_189] : memref<65536xf32, #tpu.memory_space<vmem>>[vector<16xi32>], vector<16xf32>,
        %parallel_loop3A_191 = arith.cmpf olt, %parallel_loop3A_190, %parallel_loop3A_78 : vector<16xf32>
        %parallel_loop3A_192 = arith.constant 16 : i32
        %parallel_loop3A_193 = vector.broadcast %parallel_loop3A_192 : i32 to vector<16xi32>
        %parallel_loop3A_194 = arith.addi %parallel_loop3A_189, %parallel_loop3A_193 : vector<16xi32>
        %parallel_loop3A_195 = arith.select %parallel_loop3A_191, %parallel_loop3A_194, %parallel_loop3A_189 : vector<16xi1>, vector<16xi32>
        %parallel_loop3A_196 = arith.constant 65520 : i32
        %parallel_loop3A_197 = vector.broadcast %parallel_loop3A_196 : i32 to vector<16xi32>
        %parallel_loop3A_198 = arith.addi %parallel_loop3A_195, %parallel_loop3A_197 : vector<16xi32>
        %parallel_loop3A_199 = arith.constant 65535 : i32
        %parallel_loop3A_200 = vector.broadcast %parallel_loop3A_199 : i32 to vector<16xi32>
        %parallel_loop3A_201 = arith.andi %parallel_loop3A_198, %parallel_loop3A_200 : vector<16xi32>
        %parallel_loop3A_202 = arith.select %parallel_loop3A_191, %parallel_loop3A_195, %parallel_loop3A_201 : vector<16xi1>, vector<16xi32>
        %parallel_loop3A_203 = tpu.vector_load_idx %arg6[%parallel_loop3A_202] : memref<65536xf32, #tpu.memory_space<vmem>>[vector<16xi32>], vector<16xf32>,
        %parallel_loop3A_204 = arith.select %parallel_loop3A_191, %parallel_loop3A_203, %parallel_loop3A_190 : vector<16xi1>, vector<16xf32>
        %parallel_loop3A_205 = arith.select %parallel_loop3A_191, %parallel_loop3A_190, %parallel_loop3A_203 : vector<16xi1>, vector<16xf32>
        %parallel_loop3A_206 = arith.subf %parallel_loop3A_204, %parallel_loop3A_78 : vector<16xf32>
        %parallel_loop3A_207 = math.absf %parallel_loop3A_206 : vector<16xf32>
        %parallel_loop3A_208 = arith.subf %parallel_loop3A_78, %parallel_loop3A_205 : vector<16xf32>
        %parallel_loop3A_209 = math.absf %parallel_loop3A_208 : vector<16xf32>
        %parallel_loop3A_210 = arith.constant 4 : i32
        %parallel_loop3A_211 = vector.broadcast %parallel_loop3A_210 : i32 to vector<16xi32>
        %parallel_loop3A_212 = arith.shrsi %parallel_loop3A_195, %parallel_loop3A_211 : vector<16xi32>
        %parallel_loop3A_213 = arith.cmpf olt, %parallel_loop3A_209, %parallel_loop3A_207 : vector<16xf32>
        %parallel_loop3A_214 = arith.extui %parallel_loop3A_213 : vector<16xi1> to vector<16xi32>
        %parallel_loop3A_215 = arith.subi %parallel_loop3A_212, %parallel_loop3A_214 : vector<16xi32>
        %parallel_loop3A_216 = arith.constant 32752 : i32
        %parallel_loop3A_217 = vector.broadcast %parallel_loop3A_216 : i32 to vector<16xi32>
        %parallel_loop3A_218 = arith.addi %iota3A, %parallel_loop3A_217 : vector<16xi32>
        %parallel_loop3A_219 = tpu.vector_load_idx %arg6[%parallel_loop3A_218] : memref<65536xf32, #tpu.memory_space<vmem>>[vector<16xi32>], vector<16xf32>,
        %parallel_loop3A_220 = arith.cmpf olt, %parallel_loop3A_219, %parallel_loop3A_82 : vector<16xf32>
        %parallel_loop3A_221 = arith.constant 32768 : i32
        %parallel_loop3A_222 = vector.broadcast %parallel_loop3A_221 : i32 to vector<16xi32>
        %parallel_loop3A_223 = arith.addi %iota3A, %parallel_loop3A_222 : vector<16xi32>
        %parallel_loop3A_224 = arith.select %parallel_loop3A_220, %parallel_loop3A_223, %iota3A : vector<16xi1>, vector<16xi32>
        %parallel_loop3A_225 = arith.constant 16368 : i32
        %parallel_loop3A_226 = vector.broadcast %parallel_loop3A_225 : i32 to vector<16xi32>
        %parallel_loop3A_227 = arith.addi %parallel_loop3A_224, %parallel_loop3A_226 : vector<16xi32>
        %parallel_loop3A_228 = tpu.vector_load_idx %arg6[%parallel_loop3A_227] : memref<65536xf32, #tpu.memory_space<vmem>>[vector<16xi32>], vector<16xf32>,
        %parallel_loop3A_229 = arith.cmpf olt, %parallel_loop3A_228, %parallel_loop3A_82 : vector<16xf32>
        %parallel_loop3A_230 = arith.constant 16384 : i32
        %parallel_loop3A_231 = vector.broadcast %parallel_loop3A_230 : i32 to vector<16xi32>
        %parallel_loop3A_232 = arith.addi %parallel_loop3A_224, %parallel_loop3A_231 : vector<16xi32>
        %parallel_loop3A_233 = arith.select %parallel_loop3A_229, %parallel_loop3A_232, %parallel_loop3A_224 : vector<16xi1>, vector<16xi32>
        %parallel_loop3A_234 = arith.constant 8176 : i32
        %parallel_loop3A_235 = vector.broadcast %parallel_loop3A_234 : i32 to vector<16xi32>
        %parallel_loop3A_236 = arith.addi %parallel_loop3A_233, %parallel_loop3A_235 : vector<16xi32>
        %parallel_loop3A_237 = tpu.vector_load_idx %arg6[%parallel_loop3A_236] : memref<65536xf32, #tpu.memory_space<vmem>>[vector<16xi32>], vector<16xf32>,
        %parallel_loop3A_238 = arith.cmpf olt, %parallel_loop3A_237, %parallel_loop3A_82 : vector<16xf32>
        %parallel_loop3A_239 = arith.constant 8192 : i32
        %parallel_loop3A_240 = vector.broadcast %parallel_loop3A_239 : i32 to vector<16xi32>
        %parallel_loop3A_241 = arith.addi %parallel_loop3A_233, %parallel_loop3A_240 : vector<16xi32>
        %parallel_loop3A_242 = arith.select %parallel_loop3A_238, %parallel_loop3A_241, %parallel_loop3A_233 : vector<16xi1>, vector<16xi32>
        %parallel_loop3A_243 = arith.constant 4080 : i32
        %parallel_loop3A_244 = vector.broadcast %parallel_loop3A_243 : i32 to vector<16xi32>
        %parallel_loop3A_245 = arith.addi %parallel_loop3A_242, %parallel_loop3A_244 : vector<16xi32>
        %parallel_loop3A_246 = tpu.vector_load_idx %arg6[%parallel_loop3A_245] : memref<65536xf32, #tpu.memory_space<vmem>>[vector<16xi32>], vector<16xf32>,
        %parallel_loop3A_247 = arith.cmpf olt, %parallel_loop3A_246, %parallel_loop3A_82 : vector<16xf32>
        %parallel_loop3A_248 = arith.constant 4096 : i32
        %parallel_loop3A_249 = vector.broadcast %parallel_loop3A_248 : i32 to vector<16xi32>
        %parallel_loop3A_250 = arith.addi %parallel_loop3A_242, %parallel_loop3A_249 : vector<16xi32>
        %parallel_loop3A_251 = arith.select %parallel_loop3A_247, %parallel_loop3A_250, %parallel_loop3A_242 : vector<16xi1>, vector<16xi32>
        %parallel_loop3A_252 = arith.constant 2032 : i32
        %parallel_loop3A_253 = vector.broadcast %parallel_loop3A_252 : i32 to vector<16xi32>
        %parallel_loop3A_254 = arith.addi %parallel_loop3A_251, %parallel_loop3A_253 : vector<16xi32>
        %parallel_loop3A_255 = tpu.vector_load_idx %arg6[%parallel_loop3A_254] : memref<65536xf32, #tpu.memory_space<vmem>>[vector<16xi32>], vector<16xf32>,
        %parallel_loop3A_256 = arith.cmpf olt, %parallel_loop3A_255, %parallel_loop3A_82 : vector<16xf32>
        %parallel_loop3A_257 = arith.constant 2048 : i32
        %parallel_loop3A_258 = vector.broadcast %parallel_loop3A_257 : i32 to vector<16xi32>
        %parallel_loop3A_259 = arith.addi %parallel_loop3A_251, %parallel_loop3A_258 : vector<16xi32>
        %parallel_loop3A_260 = arith.select %parallel_loop3A_256, %parallel_loop3A_259, %parallel_loop3A_251 : vector<16xi1>, vector<16xi32>
        %parallel_loop3A_261 = arith.constant 1008 : i32
        %parallel_loop3A_262 = vector.broadcast %parallel_loop3A_261 : i32 to vector<16xi32>
        %parallel_loop3A_263 = arith.addi %parallel_loop3A_260, %parallel_loop3A_262 : vector<16xi32>
        %parallel_loop3A_264 = tpu.vector_load_idx %arg6[%parallel_loop3A_263] : memref<65536xf32, #tpu.memory_space<vmem>>[vector<16xi32>], vector<16xf32>,
        %parallel_loop3A_265 = arith.cmpf olt, %parallel_loop3A_264, %parallel_loop3A_82 : vector<16xf32>
        %parallel_loop3A_266 = arith.constant 1024 : i32
        %parallel_loop3A_267 = vector.broadcast %parallel_loop3A_266 : i32 to vector<16xi32>
        %parallel_loop3A_268 = arith.addi %parallel_loop3A_260, %parallel_loop3A_267 : vector<16xi32>
        %parallel_loop3A_269 = arith.select %parallel_loop3A_265, %parallel_loop3A_268, %parallel_loop3A_260 : vector<16xi1>, vector<16xi32>
        %parallel_loop3A_270 = arith.constant 496 : i32
        %parallel_loop3A_271 = vector.broadcast %parallel_loop3A_270 : i32 to vector<16xi32>
        %parallel_loop3A_272 = arith.addi %parallel_loop3A_269, %parallel_loop3A_271 : vector<16xi32>
        %parallel_loop3A_273 = tpu.vector_load_idx %arg6[%parallel_loop3A_272] : memref<65536xf32, #tpu.memory_space<vmem>>[vector<16xi32>], vector<16xf32>,
        %parallel_loop3A_274 = arith.cmpf olt, %parallel_loop3A_273, %parallel_loop3A_82 : vector<16xf32>
        %parallel_loop3A_275 = arith.constant 512 : i32
        %parallel_loop3A_276 = vector.broadcast %parallel_loop3A_275 : i32 to vector<16xi32>
        %parallel_loop3A_277 = arith.addi %parallel_loop3A_269, %parallel_loop3A_276 : vector<16xi32>
        %parallel_loop3A_278 = arith.select %parallel_loop3A_274, %parallel_loop3A_277, %parallel_loop3A_269 : vector<16xi1>, vector<16xi32>
        %parallel_loop3A_279 = arith.constant 240 : i32
        %parallel_loop3A_280 = vector.broadcast %parallel_loop3A_279 : i32 to vector<16xi32>
        %parallel_loop3A_281 = arith.addi %parallel_loop3A_278, %parallel_loop3A_280 : vector<16xi32>
        %parallel_loop3A_282 = tpu.vector_load_idx %arg6[%parallel_loop3A_281] : memref<65536xf32, #tpu.memory_space<vmem>>[vector<16xi32>], vector<16xf32>,
        %parallel_loop3A_283 = arith.cmpf olt, %parallel_loop3A_282, %parallel_loop3A_82 : vector<16xf32>
        %parallel_loop3A_284 = arith.constant 256 : i32
        %parallel_loop3A_285 = vector.broadcast %parallel_loop3A_284 : i32 to vector<16xi32>
        %parallel_loop3A_286 = arith.addi %parallel_loop3A_278, %parallel_loop3A_285 : vector<16xi32>
        %parallel_loop3A_287 = arith.select %parallel_loop3A_283, %parallel_loop3A_286, %parallel_loop3A_278 : vector<16xi1>, vector<16xi32>
        %parallel_loop3A_288 = arith.constant 112 : i32
        %parallel_loop3A_289 = vector.broadcast %parallel_loop3A_288 : i32 to vector<16xi32>
        %parallel_loop3A_290 = arith.addi %parallel_loop3A_287, %parallel_loop3A_289 : vector<16xi32>
        %parallel_loop3A_291 = tpu.vector_load_idx %arg6[%parallel_loop3A_290] : memref<65536xf32, #tpu.memory_space<vmem>>[vector<16xi32>], vector<16xf32>,
        %parallel_loop3A_292 = arith.cmpf olt, %parallel_loop3A_291, %parallel_loop3A_82 : vector<16xf32>
        %parallel_loop3A_293 = arith.constant 128 : i32
        %parallel_loop3A_294 = vector.broadcast %parallel_loop3A_293 : i32 to vector<16xi32>
        %parallel_loop3A_295 = arith.addi %parallel_loop3A_287, %parallel_loop3A_294 : vector<16xi32>
        %parallel_loop3A_296 = arith.select %parallel_loop3A_292, %parallel_loop3A_295, %parallel_loop3A_287 : vector<16xi1>, vector<16xi32>
        %parallel_loop3A_297 = arith.constant 48 : i32
        %parallel_loop3A_298 = vector.broadcast %parallel_loop3A_297 : i32 to vector<16xi32>
        %parallel_loop3A_299 = arith.addi %parallel_loop3A_296, %parallel_loop3A_298 : vector<16xi32>
        %parallel_loop3A_300 = tpu.vector_load_idx %arg6[%parallel_loop3A_299] : memref<65536xf32, #tpu.memory_space<vmem>>[vector<16xi32>], vector<16xf32>,
        %parallel_loop3A_301 = arith.cmpf olt, %parallel_loop3A_300, %parallel_loop3A_82 : vector<16xf32>
        %parallel_loop3A_302 = arith.constant 64 : i32
        %parallel_loop3A_303 = vector.broadcast %parallel_loop3A_302 : i32 to vector<16xi32>
        %parallel_loop3A_304 = arith.addi %parallel_loop3A_296, %parallel_loop3A_303 : vector<16xi32>
        %parallel_loop3A_305 = arith.select %parallel_loop3A_301, %parallel_loop3A_304, %parallel_loop3A_296 : vector<16xi1>, vector<16xi32>
        %parallel_loop3A_306 = arith.constant 16 : i32
        %parallel_loop3A_307 = vector.broadcast %parallel_loop3A_306 : i32 to vector<16xi32>
        %parallel_loop3A_308 = arith.addi %parallel_loop3A_305, %parallel_loop3A_307 : vector<16xi32>
        %parallel_loop3A_309 = tpu.vector_load_idx %arg6[%parallel_loop3A_308] : memref<65536xf32, #tpu.memory_space<vmem>>[vector<16xi32>], vector<16xf32>,
        %parallel_loop3A_310 = arith.cmpf olt, %parallel_loop3A_309, %parallel_loop3A_82 : vector<16xf32>
        %parallel_loop3A_311 = arith.constant 32 : i32
        %parallel_loop3A_312 = vector.broadcast %parallel_loop3A_311 : i32 to vector<16xi32>
        %parallel_loop3A_313 = arith.addi %parallel_loop3A_305, %parallel_loop3A_312 : vector<16xi32>
        %parallel_loop3A_314 = arith.select %parallel_loop3A_310, %parallel_loop3A_313, %parallel_loop3A_305 : vector<16xi1>, vector<16xi32>
        %parallel_loop3A_315 = tpu.vector_load_idx %arg6[%parallel_loop3A_314] : memref<65536xf32, #tpu.memory_space<vmem>>[vector<16xi32>], vector<16xf32>,
        %parallel_loop3A_316 = arith.cmpf olt, %parallel_loop3A_315, %parallel_loop3A_82 : vector<16xf32>
        %parallel_loop3A_317 = arith.constant 16 : i32
        %parallel_loop3A_318 = vector.broadcast %parallel_loop3A_317 : i32 to vector<16xi32>
        %parallel_loop3A_319 = arith.addi %parallel_loop3A_314, %parallel_loop3A_318 : vector<16xi32>
        %parallel_loop3A_320 = arith.select %parallel_loop3A_316, %parallel_loop3A_319, %parallel_loop3A_314 : vector<16xi1>, vector<16xi32>
        %parallel_loop3A_321 = arith.constant 65520 : i32
        %parallel_loop3A_322 = vector.broadcast %parallel_loop3A_321 : i32 to vector<16xi32>
        %parallel_loop3A_323 = arith.addi %parallel_loop3A_320, %parallel_loop3A_322 : vector<16xi32>
        %parallel_loop3A_324 = arith.constant 65535 : i32
        %parallel_loop3A_325 = vector.broadcast %parallel_loop3A_324 : i32 to vector<16xi32>
        %parallel_loop3A_326 = arith.andi %parallel_loop3A_323, %parallel_loop3A_325 : vector<16xi32>
        %parallel_loop3A_327 = arith.select %parallel_loop3A_316, %parallel_loop3A_320, %parallel_loop3A_326 : vector<16xi1>, vector<16xi32>
        %parallel_loop3A_328 = tpu.vector_load_idx %arg6[%parallel_loop3A_327] : memref<65536xf32, #tpu.memory_space<vmem>>[vector<16xi32>], vector<16xf32>,
        %parallel_loop3A_329 = arith.select %parallel_loop3A_316, %parallel_loop3A_328, %parallel_loop3A_315 : vector<16xi1>, vector<16xf32>
        %parallel_loop3A_330 = arith.select %parallel_loop3A_316, %parallel_loop3A_315, %parallel_loop3A_328 : vector<16xi1>, vector<16xf32>
        %parallel_loop3A_331 = arith.subf %parallel_loop3A_329, %parallel_loop3A_82 : vector<16xf32>
        %parallel_loop3A_332 = math.absf %parallel_loop3A_331 : vector<16xf32>
        %parallel_loop3A_333 = arith.subf %parallel_loop3A_82, %parallel_loop3A_330 : vector<16xf32>
        %parallel_loop3A_334 = math.absf %parallel_loop3A_333 : vector<16xf32>
        %parallel_loop3A_335 = arith.constant 4 : i32
        %parallel_loop3A_336 = vector.broadcast %parallel_loop3A_335 : i32 to vector<16xi32>
        %parallel_loop3A_337 = arith.shrsi %parallel_loop3A_320, %parallel_loop3A_336 : vector<16xi32>
        %parallel_loop3A_338 = arith.cmpf olt, %parallel_loop3A_334, %parallel_loop3A_332 : vector<16xf32>
        %parallel_loop3A_339 = arith.extui %parallel_loop3A_338 : vector<16xi1> to vector<16xi32>
        %parallel_loop3A_340 = arith.subi %parallel_loop3A_337, %parallel_loop3A_339 : vector<16xi32>
        %parallel_loop3A_341 = arith.constant 32752 : i32
        %parallel_loop3A_342 = vector.broadcast %parallel_loop3A_341 : i32 to vector<16xi32>
        %parallel_loop3A_343 = arith.addi %iota3A, %parallel_loop3A_342 : vector<16xi32>
        %parallel_loop3A_344 = tpu.vector_load_idx %arg6[%parallel_loop3A_343] : memref<65536xf32, #tpu.memory_space<vmem>>[vector<16xi32>], vector<16xf32>,
        %parallel_loop3A_345 = arith.cmpf olt, %parallel_loop3A_344, %parallel_loop3A_86 : vector<16xf32>
        %parallel_loop3A_346 = arith.constant 32768 : i32
        %parallel_loop3A_347 = vector.broadcast %parallel_loop3A_346 : i32 to vector<16xi32>
        %parallel_loop3A_348 = arith.addi %iota3A, %parallel_loop3A_347 : vector<16xi32>
        %parallel_loop3A_349 = arith.select %parallel_loop3A_345, %parallel_loop3A_348, %iota3A : vector<16xi1>, vector<16xi32>
        %parallel_loop3A_350 = arith.constant 16368 : i32
        %parallel_loop3A_351 = vector.broadcast %parallel_loop3A_350 : i32 to vector<16xi32>
        %parallel_loop3A_352 = arith.addi %parallel_loop3A_349, %parallel_loop3A_351 : vector<16xi32>
        %parallel_loop3A_353 = tpu.vector_load_idx %arg6[%parallel_loop3A_352] : memref<65536xf32, #tpu.memory_space<vmem>>[vector<16xi32>], vector<16xf32>,
        %parallel_loop3A_354 = arith.cmpf olt, %parallel_loop3A_353, %parallel_loop3A_86 : vector<16xf32>
        %parallel_loop3A_355 = arith.constant 16384 : i32
        %parallel_loop3A_356 = vector.broadcast %parallel_loop3A_355 : i32 to vector<16xi32>
        %parallel_loop3A_357 = arith.addi %parallel_loop3A_349, %parallel_loop3A_356 : vector<16xi32>
        %parallel_loop3A_358 = arith.select %parallel_loop3A_354, %parallel_loop3A_357, %parallel_loop3A_349 : vector<16xi1>, vector<16xi32>
        %parallel_loop3A_359 = arith.constant 8176 : i32
        %parallel_loop3A_360 = vector.broadcast %parallel_loop3A_359 : i32 to vector<16xi32>
        %parallel_loop3A_361 = arith.addi %parallel_loop3A_358, %parallel_loop3A_360 : vector<16xi32>
        %parallel_loop3A_362 = tpu.vector_load_idx %arg6[%parallel_loop3A_361] : memref<65536xf32, #tpu.memory_space<vmem>>[vector<16xi32>], vector<16xf32>,
        %parallel_loop3A_363 = arith.cmpf olt, %parallel_loop3A_362, %parallel_loop3A_86 : vector<16xf32>
        %parallel_loop3A_364 = arith.constant 8192 : i32
        %parallel_loop3A_365 = vector.broadcast %parallel_loop3A_364 : i32 to vector<16xi32>
        %parallel_loop3A_366 = arith.addi %parallel_loop3A_358, %parallel_loop3A_365 : vector<16xi32>
        %parallel_loop3A_367 = arith.select %parallel_loop3A_363, %parallel_loop3A_366, %parallel_loop3A_358 : vector<16xi1>, vector<16xi32>
        %parallel_loop3A_368 = arith.constant 4080 : i32
        %parallel_loop3A_369 = vector.broadcast %parallel_loop3A_368 : i32 to vector<16xi32>
        %parallel_loop3A_370 = arith.addi %parallel_loop3A_367, %parallel_loop3A_369 : vector<16xi32>
        %parallel_loop3A_371 = tpu.vector_load_idx %arg6[%parallel_loop3A_370] : memref<65536xf32, #tpu.memory_space<vmem>>[vector<16xi32>], vector<16xf32>,
        %parallel_loop3A_372 = arith.cmpf olt, %parallel_loop3A_371, %parallel_loop3A_86 : vector<16xf32>
        %parallel_loop3A_373 = arith.constant 4096 : i32
        %parallel_loop3A_374 = vector.broadcast %parallel_loop3A_373 : i32 to vector<16xi32>
        %parallel_loop3A_375 = arith.addi %parallel_loop3A_367, %parallel_loop3A_374 : vector<16xi32>
        %parallel_loop3A_376 = arith.select %parallel_loop3A_372, %parallel_loop3A_375, %parallel_loop3A_367 : vector<16xi1>, vector<16xi32>
        %parallel_loop3A_377 = arith.constant 2032 : i32
        %parallel_loop3A_378 = vector.broadcast %parallel_loop3A_377 : i32 to vector<16xi32>
        %parallel_loop3A_379 = arith.addi %parallel_loop3A_376, %parallel_loop3A_378 : vector<16xi32>
        %parallel_loop3A_380 = tpu.vector_load_idx %arg6[%parallel_loop3A_379] : memref<65536xf32, #tpu.memory_space<vmem>>[vector<16xi32>], vector<16xf32>,
        %parallel_loop3A_381 = arith.cmpf olt, %parallel_loop3A_380, %parallel_loop3A_86 : vector<16xf32>
        %parallel_loop3A_382 = arith.constant 2048 : i32
        %parallel_loop3A_383 = vector.broadcast %parallel_loop3A_382 : i32 to vector<16xi32>
        %parallel_loop3A_384 = arith.addi %parallel_loop3A_376, %parallel_loop3A_383 : vector<16xi32>
        %parallel_loop3A_385 = arith.select %parallel_loop3A_381, %parallel_loop3A_384, %parallel_loop3A_376 : vector<16xi1>, vector<16xi32>
        %parallel_loop3A_386 = arith.constant 1008 : i32
        %parallel_loop3A_387 = vector.broadcast %parallel_loop3A_386 : i32 to vector<16xi32>
        %parallel_loop3A_388 = arith.addi %parallel_loop3A_385, %parallel_loop3A_387 : vector<16xi32>
        %parallel_loop3A_389 = tpu.vector_load_idx %arg6[%parallel_loop3A_388] : memref<65536xf32, #tpu.memory_space<vmem>>[vector<16xi32>], vector<16xf32>,
        %parallel_loop3A_390 = arith.cmpf olt, %parallel_loop3A_389, %parallel_loop3A_86 : vector<16xf32>
        %parallel_loop3A_391 = arith.constant 1024 : i32
        %parallel_loop3A_392 = vector.broadcast %parallel_loop3A_391 : i32 to vector<16xi32>
        %parallel_loop3A_393 = arith.addi %parallel_loop3A_385, %parallel_loop3A_392 : vector<16xi32>
        %parallel_loop3A_394 = arith.select %parallel_loop3A_390, %parallel_loop3A_393, %parallel_loop3A_385 : vector<16xi1>, vector<16xi32>
        %parallel_loop3A_395 = arith.constant 496 : i32
        %parallel_loop3A_396 = vector.broadcast %parallel_loop3A_395 : i32 to vector<16xi32>
        %parallel_loop3A_397 = arith.addi %parallel_loop3A_394, %parallel_loop3A_396 : vector<16xi32>
        %parallel_loop3A_398 = tpu.vector_load_idx %arg6[%parallel_loop3A_397] : memref<65536xf32, #tpu.memory_space<vmem>>[vector<16xi32>], vector<16xf32>,
        %parallel_loop3A_399 = arith.cmpf olt, %parallel_loop3A_398, %parallel_loop3A_86 : vector<16xf32>
        %parallel_loop3A_400 = arith.constant 512 : i32
        %parallel_loop3A_401 = vector.broadcast %parallel_loop3A_400 : i32 to vector<16xi32>
        %parallel_loop3A_402 = arith.addi %parallel_loop3A_394, %parallel_loop3A_401 : vector<16xi32>
        %parallel_loop3A_403 = arith.select %parallel_loop3A_399, %parallel_loop3A_402, %parallel_loop3A_394 : vector<16xi1>, vector<16xi32>
        %parallel_loop3A_404 = arith.constant 240 : i32
        %parallel_loop3A_405 = vector.broadcast %parallel_loop3A_404 : i32 to vector<16xi32>
        %parallel_loop3A_406 = arith.addi %parallel_loop3A_403, %parallel_loop3A_405 : vector<16xi32>
        %parallel_loop3A_407 = tpu.vector_load_idx %arg6[%parallel_loop3A_406] : memref<65536xf32, #tpu.memory_space<vmem>>[vector<16xi32>], vector<16xf32>,
        %parallel_loop3A_408 = arith.cmpf olt, %parallel_loop3A_407, %parallel_loop3A_86 : vector<16xf32>
        %parallel_loop3A_409 = arith.constant 256 : i32
        %parallel_loop3A_410 = vector.broadcast %parallel_loop3A_409 : i32 to vector<16xi32>
        %parallel_loop3A_411 = arith.addi %parallel_loop3A_403, %parallel_loop3A_410 : vector<16xi32>
        %parallel_loop3A_412 = arith.select %parallel_loop3A_408, %parallel_loop3A_411, %parallel_loop3A_403 : vector<16xi1>, vector<16xi32>
        %parallel_loop3A_413 = arith.constant 112 : i32
        %parallel_loop3A_414 = vector.broadcast %parallel_loop3A_413 : i32 to vector<16xi32>
        %parallel_loop3A_415 = arith.addi %parallel_loop3A_412, %parallel_loop3A_414 : vector<16xi32>
        %parallel_loop3A_416 = tpu.vector_load_idx %arg6[%parallel_loop3A_415] : memref<65536xf32, #tpu.memory_space<vmem>>[vector<16xi32>], vector<16xf32>,
        %parallel_loop3A_417 = arith.cmpf olt, %parallel_loop3A_416, %parallel_loop3A_86 : vector<16xf32>
        %parallel_loop3A_418 = arith.constant 128 : i32
        %parallel_loop3A_419 = vector.broadcast %parallel_loop3A_418 : i32 to vector<16xi32>
        %parallel_loop3A_420 = arith.addi %parallel_loop3A_412, %parallel_loop3A_419 : vector<16xi32>
        %parallel_loop3A_421 = arith.select %parallel_loop3A_417, %parallel_loop3A_420, %parallel_loop3A_412 : vector<16xi1>, vector<16xi32>
        %parallel_loop3A_422 = arith.constant 48 : i32
        %parallel_loop3A_423 = vector.broadcast %parallel_loop3A_422 : i32 to vector<16xi32>
        %parallel_loop3A_424 = arith.addi %parallel_loop3A_421, %parallel_loop3A_423 : vector<16xi32>
        %parallel_loop3A_425 = tpu.vector_load_idx %arg6[%parallel_loop3A_424] : memref<65536xf32, #tpu.memory_space<vmem>>[vector<16xi32>], vector<16xf32>,
        %parallel_loop3A_426 = arith.cmpf olt, %parallel_loop3A_425, %parallel_loop3A_86 : vector<16xf32>
        %parallel_loop3A_427 = arith.constant 64 : i32
        %parallel_loop3A_428 = vector.broadcast %parallel_loop3A_427 : i32 to vector<16xi32>
        %parallel_loop3A_429 = arith.addi %parallel_loop3A_421, %parallel_loop3A_428 : vector<16xi32>
        %parallel_loop3A_430 = arith.select %parallel_loop3A_426, %parallel_loop3A_429, %parallel_loop3A_421 : vector<16xi1>, vector<16xi32>
        %parallel_loop3A_431 = arith.constant 16 : i32
        %parallel_loop3A_432 = vector.broadcast %parallel_loop3A_431 : i32 to vector<16xi32>
        %parallel_loop3A_433 = arith.addi %parallel_loop3A_430, %parallel_loop3A_432 : vector<16xi32>
        %parallel_loop3A_434 = tpu.vector_load_idx %arg6[%parallel_loop3A_433] : memref<65536xf32, #tpu.memory_space<vmem>>[vector<16xi32>], vector<16xf32>,
        %parallel_loop3A_435 = arith.cmpf olt, %parallel_loop3A_434, %parallel_loop3A_86 : vector<16xf32>
        %parallel_loop3A_436 = arith.constant 32 : i32
        %parallel_loop3A_437 = vector.broadcast %parallel_loop3A_436 : i32 to vector<16xi32>
        %parallel_loop3A_438 = arith.addi %parallel_loop3A_430, %parallel_loop3A_437 : vector<16xi32>
        %parallel_loop3A_439 = arith.select %parallel_loop3A_435, %parallel_loop3A_438, %parallel_loop3A_430 : vector<16xi1>, vector<16xi32>
        %parallel_loop3A_440 = tpu.vector_load_idx %arg6[%parallel_loop3A_439] : memref<65536xf32, #tpu.memory_space<vmem>>[vector<16xi32>], vector<16xf32>,
        %parallel_loop3A_441 = arith.cmpf olt, %parallel_loop3A_440, %parallel_loop3A_86 : vector<16xf32>
        %parallel_loop3A_442 = arith.constant 16 : i32
        %parallel_loop3A_443 = vector.broadcast %parallel_loop3A_442 : i32 to vector<16xi32>
        %parallel_loop3A_444 = arith.addi %parallel_loop3A_439, %parallel_loop3A_443 : vector<16xi32>
        %parallel_loop3A_445 = arith.select %parallel_loop3A_441, %parallel_loop3A_444, %parallel_loop3A_439 : vector<16xi1>, vector<16xi32>
        %parallel_loop3A_446 = arith.constant 65520 : i32
        %parallel_loop3A_447 = vector.broadcast %parallel_loop3A_446 : i32 to vector<16xi32>
        %parallel_loop3A_448 = arith.addi %parallel_loop3A_445, %parallel_loop3A_447 : vector<16xi32>
        %parallel_loop3A_449 = arith.constant 65535 : i32
        %parallel_loop3A_450 = vector.broadcast %parallel_loop3A_449 : i32 to vector<16xi32>
        %parallel_loop3A_451 = arith.andi %parallel_loop3A_448, %parallel_loop3A_450 : vector<16xi32>
        %parallel_loop3A_452 = arith.select %parallel_loop3A_441, %parallel_loop3A_445, %parallel_loop3A_451 : vector<16xi1>, vector<16xi32>
        %parallel_loop3A_453 = tpu.vector_load_idx %arg6[%parallel_loop3A_452] : memref<65536xf32, #tpu.memory_space<vmem>>[vector<16xi32>], vector<16xf32>,
        %parallel_loop3A_454 = arith.select %parallel_loop3A_441, %parallel_loop3A_453, %parallel_loop3A_440 : vector<16xi1>, vector<16xf32>
        %parallel_loop3A_455 = arith.select %parallel_loop3A_441, %parallel_loop3A_440, %parallel_loop3A_453 : vector<16xi1>, vector<16xf32>
        %parallel_loop3A_456 = arith.subf %parallel_loop3A_454, %parallel_loop3A_86 : vector<16xf32>
        %parallel_loop3A_457 = math.absf %parallel_loop3A_456 : vector<16xf32>
        %parallel_loop3A_458 = arith.subf %parallel_loop3A_86, %parallel_loop3A_455 : vector<16xf32>
        %parallel_loop3A_459 = math.absf %parallel_loop3A_458 : vector<16xf32>
        %parallel_loop3A_460 = arith.constant 4 : i32
        %parallel_loop3A_461 = vector.broadcast %parallel_loop3A_460 : i32 to vector<16xi32>
        %parallel_loop3A_462 = arith.shrsi %parallel_loop3A_445, %parallel_loop3A_461 : vector<16xi32>
        %parallel_loop3A_463 = arith.cmpf olt, %parallel_loop3A_459, %parallel_loop3A_457 : vector<16xf32>
        %parallel_loop3A_464 = arith.extui %parallel_loop3A_463 : vector<16xi1> to vector<16xi32>
        %parallel_loop3A_465 = arith.subi %parallel_loop3A_462, %parallel_loop3A_464 : vector<16xi32>
        %parallel_loop3A_466 = arith.constant 32752 : i32
        %parallel_loop3A_467 = vector.broadcast %parallel_loop3A_466 : i32 to vector<16xi32>
        %parallel_loop3A_468 = arith.addi %iota3A, %parallel_loop3A_467 : vector<16xi32>
        %parallel_loop3A_469 = tpu.vector_load_idx %arg6[%parallel_loop3A_468] : memref<65536xf32, #tpu.memory_space<vmem>>[vector<16xi32>], vector<16xf32>,
        %parallel_loop3A_470 = arith.cmpf olt, %parallel_loop3A_469, %parallel_loop3A_90 : vector<16xf32>
        %parallel_loop3A_471 = arith.constant 32768 : i32
        %parallel_loop3A_472 = vector.broadcast %parallel_loop3A_471 : i32 to vector<16xi32>
        %parallel_loop3A_473 = arith.addi %iota3A, %parallel_loop3A_472 : vector<16xi32>
        %parallel_loop3A_474 = arith.select %parallel_loop3A_470, %parallel_loop3A_473, %iota3A : vector<16xi1>, vector<16xi32>
        %parallel_loop3A_475 = arith.constant 16368 : i32
        %parallel_loop3A_476 = vector.broadcast %parallel_loop3A_475 : i32 to vector<16xi32>
        %parallel_loop3A_477 = arith.addi %parallel_loop3A_474, %parallel_loop3A_476 : vector<16xi32>
        %parallel_loop3A_478 = tpu.vector_load_idx %arg6[%parallel_loop3A_477] : memref<65536xf32, #tpu.memory_space<vmem>>[vector<16xi32>], vector<16xf32>,
        %parallel_loop3A_479 = arith.cmpf olt, %parallel_loop3A_478, %parallel_loop3A_90 : vector<16xf32>
        %parallel_loop3A_480 = arith.constant 16384 : i32
        %parallel_loop3A_481 = vector.broadcast %parallel_loop3A_480 : i32 to vector<16xi32>
        %parallel_loop3A_482 = arith.addi %parallel_loop3A_474, %parallel_loop3A_481 : vector<16xi32>
        %parallel_loop3A_483 = arith.select %parallel_loop3A_479, %parallel_loop3A_482, %parallel_loop3A_474 : vector<16xi1>, vector<16xi32>
        %parallel_loop3A_484 = arith.constant 8176 : i32
        %parallel_loop3A_485 = vector.broadcast %parallel_loop3A_484 : i32 to vector<16xi32>
        %parallel_loop3A_486 = arith.addi %parallel_loop3A_483, %parallel_loop3A_485 : vector<16xi32>
        %parallel_loop3A_487 = tpu.vector_load_idx %arg6[%parallel_loop3A_486] : memref<65536xf32, #tpu.memory_space<vmem>>[vector<16xi32>], vector<16xf32>,
        %parallel_loop3A_488 = arith.cmpf olt, %parallel_loop3A_487, %parallel_loop3A_90 : vector<16xf32>
        %parallel_loop3A_489 = arith.constant 8192 : i32
        %parallel_loop3A_490 = vector.broadcast %parallel_loop3A_489 : i32 to vector<16xi32>
        %parallel_loop3A_491 = arith.addi %parallel_loop3A_483, %parallel_loop3A_490 : vector<16xi32>
        %parallel_loop3A_492 = arith.select %parallel_loop3A_488, %parallel_loop3A_491, %parallel_loop3A_483 : vector<16xi1>, vector<16xi32>
        %parallel_loop3A_493 = arith.constant 4080 : i32
        %parallel_loop3A_494 = vector.broadcast %parallel_loop3A_493 : i32 to vector<16xi32>
        %parallel_loop3A_495 = arith.addi %parallel_loop3A_492, %parallel_loop3A_494 : vector<16xi32>
        %parallel_loop3A_496 = tpu.vector_load_idx %arg6[%parallel_loop3A_495] : memref<65536xf32, #tpu.memory_space<vmem>>[vector<16xi32>], vector<16xf32>,
        %parallel_loop3A_497 = arith.cmpf olt, %parallel_loop3A_496, %parallel_loop3A_90 : vector<16xf32>
        %parallel_loop3A_498 = arith.constant 4096 : i32
        %parallel_loop3A_499 = vector.broadcast %parallel_loop3A_498 : i32 to vector<16xi32>
        %parallel_loop3A_500 = arith.addi %parallel_loop3A_492, %parallel_loop3A_499 : vector<16xi32>
        %parallel_loop3A_501 = arith.select %parallel_loop3A_497, %parallel_loop3A_500, %parallel_loop3A_492 : vector<16xi1>, vector<16xi32>
        %parallel_loop3A_502 = arith.constant 2032 : i32
        %parallel_loop3A_503 = vector.broadcast %parallel_loop3A_502 : i32 to vector<16xi32>
        %parallel_loop3A_504 = arith.addi %parallel_loop3A_501, %parallel_loop3A_503 : vector<16xi32>
        %parallel_loop3A_505 = tpu.vector_load_idx %arg6[%parallel_loop3A_504] : memref<65536xf32, #tpu.memory_space<vmem>>[vector<16xi32>], vector<16xf32>,
        %parallel_loop3A_506 = arith.cmpf olt, %parallel_loop3A_505, %parallel_loop3A_90 : vector<16xf32>
        %parallel_loop3A_507 = arith.constant 2048 : i32
        %parallel_loop3A_508 = vector.broadcast %parallel_loop3A_507 : i32 to vector<16xi32>
        %parallel_loop3A_509 = arith.addi %parallel_loop3A_501, %parallel_loop3A_508 : vector<16xi32>
        %parallel_loop3A_510 = arith.select %parallel_loop3A_506, %parallel_loop3A_509, %parallel_loop3A_501 : vector<16xi1>, vector<16xi32>
        %parallel_loop3A_511 = arith.constant 1008 : i32
        %parallel_loop3A_512 = vector.broadcast %parallel_loop3A_511 : i32 to vector<16xi32>
        %parallel_loop3A_513 = arith.addi %parallel_loop3A_510, %parallel_loop3A_512 : vector<16xi32>
        %parallel_loop3A_514 = tpu.vector_load_idx %arg6[%parallel_loop3A_513] : memref<65536xf32, #tpu.memory_space<vmem>>[vector<16xi32>], vector<16xf32>,
        %parallel_loop3A_515 = arith.cmpf olt, %parallel_loop3A_514, %parallel_loop3A_90 : vector<16xf32>
        %parallel_loop3A_516 = arith.constant 1024 : i32
        %parallel_loop3A_517 = vector.broadcast %parallel_loop3A_516 : i32 to vector<16xi32>
        %parallel_loop3A_518 = arith.addi %parallel_loop3A_510, %parallel_loop3A_517 : vector<16xi32>
        %parallel_loop3A_519 = arith.select %parallel_loop3A_515, %parallel_loop3A_518, %parallel_loop3A_510 : vector<16xi1>, vector<16xi32>
        %parallel_loop3A_520 = arith.constant 496 : i32
        %parallel_loop3A_521 = vector.broadcast %parallel_loop3A_520 : i32 to vector<16xi32>
        %parallel_loop3A_522 = arith.addi %parallel_loop3A_519, %parallel_loop3A_521 : vector<16xi32>
        %parallel_loop3A_523 = tpu.vector_load_idx %arg6[%parallel_loop3A_522] : memref<65536xf32, #tpu.memory_space<vmem>>[vector<16xi32>], vector<16xf32>,
        %parallel_loop3A_524 = arith.cmpf olt, %parallel_loop3A_523, %parallel_loop3A_90 : vector<16xf32>
        %parallel_loop3A_525 = arith.constant 512 : i32
        %parallel_loop3A_526 = vector.broadcast %parallel_loop3A_525 : i32 to vector<16xi32>
        %parallel_loop3A_527 = arith.addi %parallel_loop3A_519, %parallel_loop3A_526 : vector<16xi32>
        %parallel_loop3A_528 = arith.select %parallel_loop3A_524, %parallel_loop3A_527, %parallel_loop3A_519 : vector<16xi1>, vector<16xi32>
        %parallel_loop3A_529 = arith.constant 240 : i32
        %parallel_loop3A_530 = vector.broadcast %parallel_loop3A_529 : i32 to vector<16xi32>
        %parallel_loop3A_531 = arith.addi %parallel_loop3A_528, %parallel_loop3A_530 : vector<16xi32>
        %parallel_loop3A_532 = tpu.vector_load_idx %arg6[%parallel_loop3A_531] : memref<65536xf32, #tpu.memory_space<vmem>>[vector<16xi32>], vector<16xf32>,
        %parallel_loop3A_533 = arith.cmpf olt, %parallel_loop3A_532, %parallel_loop3A_90 : vector<16xf32>
        %parallel_loop3A_534 = arith.constant 256 : i32
        %parallel_loop3A_535 = vector.broadcast %parallel_loop3A_534 : i32 to vector<16xi32>
        %parallel_loop3A_536 = arith.addi %parallel_loop3A_528, %parallel_loop3A_535 : vector<16xi32>
        %parallel_loop3A_537 = arith.select %parallel_loop3A_533, %parallel_loop3A_536, %parallel_loop3A_528 : vector<16xi1>, vector<16xi32>
        %parallel_loop3A_538 = arith.constant 112 : i32
        %parallel_loop3A_539 = vector.broadcast %parallel_loop3A_538 : i32 to vector<16xi32>
        %parallel_loop3A_540 = arith.addi %parallel_loop3A_537, %parallel_loop3A_539 : vector<16xi32>
        %parallel_loop3A_541 = tpu.vector_load_idx %arg6[%parallel_loop3A_540] : memref<65536xf32, #tpu.memory_space<vmem>>[vector<16xi32>], vector<16xf32>,
        %parallel_loop3A_542 = arith.cmpf olt, %parallel_loop3A_541, %parallel_loop3A_90 : vector<16xf32>
        %parallel_loop3A_543 = arith.constant 128 : i32
        %parallel_loop3A_544 = vector.broadcast %parallel_loop3A_543 : i32 to vector<16xi32>
        %parallel_loop3A_545 = arith.addi %parallel_loop3A_537, %parallel_loop3A_544 : vector<16xi32>
        %parallel_loop3A_546 = arith.select %parallel_loop3A_542, %parallel_loop3A_545, %parallel_loop3A_537 : vector<16xi1>, vector<16xi32>
        %parallel_loop3A_547 = arith.constant 48 : i32
        %parallel_loop3A_548 = vector.broadcast %parallel_loop3A_547 : i32 to vector<16xi32>
        %parallel_loop3A_549 = arith.addi %parallel_loop3A_546, %parallel_loop3A_548 : vector<16xi32>
        %parallel_loop3A_550 = tpu.vector_load_idx %arg6[%parallel_loop3A_549] : memref<65536xf32, #tpu.memory_space<vmem>>[vector<16xi32>], vector<16xf32>,
        %parallel_loop3A_551 = arith.cmpf olt, %parallel_loop3A_550, %parallel_loop3A_90 : vector<16xf32>
        %parallel_loop3A_552 = arith.constant 64 : i32
        %parallel_loop3A_553 = vector.broadcast %parallel_loop3A_552 : i32 to vector<16xi32>
        %parallel_loop3A_554 = arith.addi %parallel_loop3A_546, %parallel_loop3A_553 : vector<16xi32>
        %parallel_loop3A_555 = arith.select %parallel_loop3A_551, %parallel_loop3A_554, %parallel_loop3A_546 : vector<16xi1>, vector<16xi32>
        %parallel_loop3A_556 = arith.constant 16 : i32
        %parallel_loop3A_557 = vector.broadcast %parallel_loop3A_556 : i32 to vector<16xi32>
        %parallel_loop3A_558 = arith.addi %parallel_loop3A_555, %parallel_loop3A_557 : vector<16xi32>
        %parallel_loop3A_559 = tpu.vector_load_idx %arg6[%parallel_loop3A_558] : memref<65536xf32, #tpu.memory_space<vmem>>[vector<16xi32>], vector<16xf32>,
        %parallel_loop3A_560 = arith.cmpf olt, %parallel_loop3A_559, %parallel_loop3A_90 : vector<16xf32>
        %parallel_loop3A_561 = arith.constant 32 : i32
        %parallel_loop3A_562 = vector.broadcast %parallel_loop3A_561 : i32 to vector<16xi32>
        %parallel_loop3A_563 = arith.addi %parallel_loop3A_555, %parallel_loop3A_562 : vector<16xi32>
        %parallel_loop3A_564 = arith.select %parallel_loop3A_560, %parallel_loop3A_563, %parallel_loop3A_555 : vector<16xi1>, vector<16xi32>
        %parallel_loop3A_565 = tpu.vector_load_idx %arg6[%parallel_loop3A_564] : memref<65536xf32, #tpu.memory_space<vmem>>[vector<16xi32>], vector<16xf32>,
        %parallel_loop3A_566 = arith.cmpf olt, %parallel_loop3A_565, %parallel_loop3A_90 : vector<16xf32>
        %parallel_loop3A_567 = arith.constant 16 : i32
        %parallel_loop3A_568 = vector.broadcast %parallel_loop3A_567 : i32 to vector<16xi32>
        %parallel_loop3A_569 = arith.addi %parallel_loop3A_564, %parallel_loop3A_568 : vector<16xi32>
        %parallel_loop3A_570 = arith.select %parallel_loop3A_566, %parallel_loop3A_569, %parallel_loop3A_564 : vector<16xi1>, vector<16xi32>
        %parallel_loop3A_571 = arith.constant 65520 : i32
        %parallel_loop3A_572 = vector.broadcast %parallel_loop3A_571 : i32 to vector<16xi32>
        %parallel_loop3A_573 = arith.addi %parallel_loop3A_570, %parallel_loop3A_572 : vector<16xi32>
        %parallel_loop3A_574 = arith.constant 65535 : i32
        %parallel_loop3A_575 = vector.broadcast %parallel_loop3A_574 : i32 to vector<16xi32>
        %parallel_loop3A_576 = arith.andi %parallel_loop3A_573, %parallel_loop3A_575 : vector<16xi32>
        %parallel_loop3A_577 = arith.select %parallel_loop3A_566, %parallel_loop3A_570, %parallel_loop3A_576 : vector<16xi1>, vector<16xi32>
        %parallel_loop3A_578 = tpu.vector_load_idx %arg6[%parallel_loop3A_577] : memref<65536xf32, #tpu.memory_space<vmem>>[vector<16xi32>], vector<16xf32>,
        %parallel_loop3A_579 = arith.select %parallel_loop3A_566, %parallel_loop3A_578, %parallel_loop3A_565 : vector<16xi1>, vector<16xf32>
        %parallel_loop3A_580 = arith.select %parallel_loop3A_566, %parallel_loop3A_565, %parallel_loop3A_578 : vector<16xi1>, vector<16xf32>
        %parallel_loop3A_581 = arith.subf %parallel_loop3A_579, %parallel_loop3A_90 : vector<16xf32>
        %parallel_loop3A_582 = math.absf %parallel_loop3A_581 : vector<16xf32>
        %parallel_loop3A_583 = arith.subf %parallel_loop3A_90, %parallel_loop3A_580 : vector<16xf32>
        %parallel_loop3A_584 = math.absf %parallel_loop3A_583 : vector<16xf32>
        %parallel_loop3A_585 = arith.constant 4 : i32
        %parallel_loop3A_586 = vector.broadcast %parallel_loop3A_585 : i32 to vector<16xi32>
        %parallel_loop3A_587 = arith.shrsi %parallel_loop3A_570, %parallel_loop3A_586 : vector<16xi32>
        %parallel_loop3A_588 = arith.cmpf olt, %parallel_loop3A_584, %parallel_loop3A_582 : vector<16xf32>
        %parallel_loop3A_589 = arith.extui %parallel_loop3A_588 : vector<16xi1> to vector<16xi32>
        %parallel_loop3A_590 = arith.subi %parallel_loop3A_587, %parallel_loop3A_589 : vector<16xi32>
        %parallel_loop3A_591 = arith.constant 0 : i32
        %parallel_loop3A_592 = arith.addi %parallel_loop3A_74, %parallel_loop3A_591 : i32
        %parallel_loop3A_593 = arith.index_cast %parallel_loop3A_592 : i32 to index
        %parallel_loop3A_594 = tpu.vector_load %arg9[%parallel_loop3A_593] {strides = array<i32>} : memref<8192xi32, #tpu.memory_space<vmem>>, vector<16xi32>,
        tpu.vector_store %arg9[%parallel_loop3A_593], %parallel_loop3A_215 {strides = array<i32>} : memref<8192xi32, #tpu.memory_space<vmem>>, vector<16xi32>,
        %parallel_loop3A_595 = arith.constant 16 : i32
        %parallel_loop3A_596 = arith.addi %parallel_loop3A_74, %parallel_loop3A_595 : i32
        %parallel_loop3A_597 = arith.index_cast %parallel_loop3A_596 : i32 to index
        %parallel_loop3A_598 = tpu.vector_load %arg9[%parallel_loop3A_597] {strides = array<i32>} : memref<8192xi32, #tpu.memory_space<vmem>>, vector<16xi32>,
        tpu.vector_store %arg9[%parallel_loop3A_597], %parallel_loop3A_340 {strides = array<i32>} : memref<8192xi32, #tpu.memory_space<vmem>>, vector<16xi32>,
        %parallel_loop3A_599 = arith.constant 32 : i32
        %parallel_loop3A_600 = arith.addi %parallel_loop3A_74, %parallel_loop3A_599 : i32
        %parallel_loop3A_601 = arith.index_cast %parallel_loop3A_600 : i32 to index
        %parallel_loop3A_602 = tpu.vector_load %arg9[%parallel_loop3A_601] {strides = array<i32>} : memref<8192xi32, #tpu.memory_space<vmem>>, vector<16xi32>,
        tpu.vector_store %arg9[%parallel_loop3A_601], %parallel_loop3A_465 {strides = array<i32>} : memref<8192xi32, #tpu.memory_space<vmem>>, vector<16xi32>,
        %parallel_loop3A_603 = arith.constant 48 : i32
        %parallel_loop3A_604 = arith.addi %parallel_loop3A_74, %parallel_loop3A_603 : i32
        %parallel_loop3A_605 = arith.index_cast %parallel_loop3A_604 : i32 to index
        %parallel_loop3A_606 = tpu.vector_load %arg9[%parallel_loop3A_605] {strides = array<i32>} : memref<8192xi32, #tpu.memory_space<vmem>>, vector<16xi32>,
        tpu.vector_store %arg9[%parallel_loop3A_605], %parallel_loop3A_590 {strides = array<i32>} : memref<8192xi32, #tpu.memory_space<vmem>>, vector<16xi32>,
      } {sc.loop_unroll_factor = 1 : i64, sc.parallel_access}
      %mul3A_43 = arith.constant 8192 : i32
      %mul3A_44 = arith.muli %mul3A_26, %mul3A_43 : i32
      %add3A_45 = arith.addi %mul3A_2, %mul3A_44 : i32
      %dma_start3A_46 = tpu.memref_slice %arg4[%add3A_45] : memref<16777216xi32, #tpu.memory_space<hbm>> -> memref<8192xi32, #tpu.memory_space<hbm>>
      %dma_start3A_47 = tpu.memref_slice %arg4[%add3A_45] : memref<16777216xi32, #tpu.memory_space<hbm>> -> memref<8192xi32, #tpu.memory_space<hbm>>
      tpu.enqueue_dma source(%arg9 : memref<8192xi32, #tpu.memory_space<vmem>>) target(%dma_start3A_47 : memref<8192xi32, #tpu.memory_space<hbm>>) target_semaphore(%arg13 : memref<!tpu.dma_semaphore, #tpu.memory_space<semaphore_mem>>)
      %lt3A = arith.constant 31 : i32
      %lt3A_48 = arith.cmpi slt, %scan3A_24, %lt3A : i32
      %convert_element_type3A_49 = arith.extui %lt3A_48 : i1 to i32
      %cond3A_50 = arith.constant 0 : i32
      %cond3A_51 = arith.cmpi ne, %convert_element_type3A_49, %cond3A_50 : i32
      scf.if %cond3A_51 {
        %add3A_74 = arith.constant 2 : i32
        %add3A_75 = arith.addi %mul3A_26, %add3A_74 : i32
        %mul3A_76 = arith.constant 8192 : i32
        %mul3A_77 = arith.muli %add3A_75, %mul3A_76 : i32
        %add3A_78 = arith.addi %mul3A_2, %mul3A_77 : i32
        %dma_start3A_79 = tpu.memref_slice %arg2[%add3A_78] : memref<16777216xf32, #tpu.memory_space<hbm>> -> memref<8192xf32, #tpu.memory_space<hbm>>
        %dma_start3A_80 = tpu.memref_slice %arg2[%add3A_78] : memref<16777216xf32, #tpu.memory_space<hbm>> -> memref<8192xf32, #tpu.memory_space<hbm>>
        tpu.enqueue_dma source(%dma_start3A_80 : memref<8192xf32, #tpu.memory_space<hbm>>) target(%arg7 : memref<8192xf32, #tpu.memory_space<vmem>>) target_semaphore(%arg11 : memref<!tpu.dma_semaphore, #tpu.memory_space<semaphore_mem>>)
      } else {
      }
      %add3A_52 = arith.constant 1 : i32
      %add3A_53 = arith.addi %mul3A_26, %add3A_52 : i32
      %mul3A_54 = arith.constant 8192 : i32
      %mul3A_55 = arith.muli %add3A_53, %mul3A_54 : i32
      %add3A_56 = arith.addi %mul3A_2, %mul3A_55 : i32
      %dma_wait3A_57 = tpu.memref_slice %arg2[%add3A_56] : memref<16777216xf32, #tpu.memory_space<hbm>> -> memref<8192xf32, #tpu.memory_space<hbm>>
      %dma_wait3A_58 = tpu.memref_slice %arg2[%add3A_56] : memref<16777216xf32, #tpu.memory_space<hbm>> -> memref<8192xf32, #tpu.memory_space<hbm>>
      tpu.wait_dma2 semaphore(%arg12 : memref<!tpu.dma_semaphore, #tpu.memory_space<semaphore_mem>>) src(%dma_wait3A_58 : memref<8192xf32, #tpu.memory_space<hbm>>) dst(%arg8 : memref<8192xf32, #tpu.memory_space<vmem>>)
      %gt3A_59 = arith.constant 0 : i32
      %gt3A_60 = arith.cmpi sgt, %scan3A_24, %gt3A_59 : i32
      %convert_element_type3A_61 = arith.extui %gt3A_60 : i1 to i32
      %cond3A_62 = arith.constant 0 : i32
      %cond3A_63 = arith.cmpi ne, %convert_element_type3A_61, %cond3A_62 : i32
      scf.if %cond3A_63 {
        %sub3A = arith.constant 1 : i32
        %sub3A_74 = arith.subi %mul3A_26, %sub3A : i32
        %mul3A_75 = arith.constant 8192 : i32
        %mul3A_76 = arith.muli %sub3A_74, %mul3A_75 : i32
        %add3A_77 = arith.addi %mul3A_2, %mul3A_76 : i32
        %dma_wait3A_78 = tpu.memref_slice %arg4[%add3A_77] : memref<16777216xi32, #tpu.memory_space<hbm>> -> memref<8192xi32, #tpu.memory_space<hbm>>
        %dma_wait3A_79 = tpu.memref_slice %arg4[%add3A_77] : memref<16777216xi32, #tpu.memory_space<hbm>> -> memref<8192xi32, #tpu.memory_space<hbm>>
        tpu.wait_dma2 semaphore(%arg14 : memref<!tpu.dma_semaphore, #tpu.memory_space<semaphore_mem>>) src(%arg10 : memref<8192xi32, #tpu.memory_space<vmem>>) dst(%dma_wait3A_79 : memref<8192xi32, #tpu.memory_space<hbm>>)
      } else {
      }
      %parallel_loop3A_64 = arith.constant 0 : i32
      %parallel_loop3A_65 = arith.constant 8192 : i32
      %parallel_loop3A_66 = arith.constant 64 : i32
      scf.for %parallel_loop3A_74 = %parallel_loop3A_64 to %parallel_loop3A_65 step %parallel_loop3A_66  : i32 {
        %parallel_loop3A_75 = arith.constant 0 : i32
        %parallel_loop3A_76 = arith.addi %parallel_loop3A_74, %parallel_loop3A_75 : i32
        %parallel_loop3A_77 = arith.index_cast %parallel_loop3A_76 : i32 to index
        %parallel_loop3A_78 = tpu.vector_load %arg8[%parallel_loop3A_77] {strides = array<i32>} : memref<8192xf32, #tpu.memory_space<vmem>>, vector<16xf32>,
        %parallel_loop3A_79 = arith.constant 16 : i32
        %parallel_loop3A_80 = arith.addi %parallel_loop3A_74, %parallel_loop3A_79 : i32
        %parallel_loop3A_81 = arith.index_cast %parallel_loop3A_80 : i32 to index
        %parallel_loop3A_82 = tpu.vector_load %arg8[%parallel_loop3A_81] {strides = array<i32>} : memref<8192xf32, #tpu.memory_space<vmem>>, vector<16xf32>,
        %parallel_loop3A_83 = arith.constant 32 : i32
        %parallel_loop3A_84 = arith.addi %parallel_loop3A_74, %parallel_loop3A_83 : i32
        %parallel_loop3A_85 = arith.index_cast %parallel_loop3A_84 : i32 to index
        %parallel_loop3A_86 = tpu.vector_load %arg8[%parallel_loop3A_85] {strides = array<i32>} : memref<8192xf32, #tpu.memory_space<vmem>>, vector<16xf32>,
        %parallel_loop3A_87 = arith.constant 48 : i32
        %parallel_loop3A_88 = arith.addi %parallel_loop3A_74, %parallel_loop3A_87 : i32
        %parallel_loop3A_89 = arith.index_cast %parallel_loop3A_88 : i32 to index
        %parallel_loop3A_90 = tpu.vector_load %arg8[%parallel_loop3A_89] {strides = array<i32>} : memref<8192xf32, #tpu.memory_space<vmem>>, vector<16xf32>,
        %parallel_loop3A_91 = arith.constant 32752 : i32
        %parallel_loop3A_92 = vector.broadcast %parallel_loop3A_91 : i32 to vector<16xi32>
        %parallel_loop3A_93 = arith.addi %iota3A, %parallel_loop3A_92 : vector<16xi32>
        %parallel_loop3A_94 = tpu.vector_load_idx %arg6[%parallel_loop3A_93] : memref<65536xf32, #tpu.memory_space<vmem>>[vector<16xi32>], vector<16xf32>,
        %parallel_loop3A_95 = arith.cmpf olt, %parallel_loop3A_94, %parallel_loop3A_78 : vector<16xf32>
        %parallel_loop3A_96 = arith.constant 32768 : i32
        %parallel_loop3A_97 = vector.broadcast %parallel_loop3A_96 : i32 to vector<16xi32>
        %parallel_loop3A_98 = arith.addi %iota3A, %parallel_loop3A_97 : vector<16xi32>
        %parallel_loop3A_99 = arith.select %parallel_loop3A_95, %parallel_loop3A_98, %iota3A : vector<16xi1>, vector<16xi32>
        %parallel_loop3A_100 = arith.constant 16368 : i32
        %parallel_loop3A_101 = vector.broadcast %parallel_loop3A_100 : i32 to vector<16xi32>
        %parallel_loop3A_102 = arith.addi %parallel_loop3A_99, %parallel_loop3A_101 : vector<16xi32>
        %parallel_loop3A_103 = tpu.vector_load_idx %arg6[%parallel_loop3A_102] : memref<65536xf32, #tpu.memory_space<vmem>>[vector<16xi32>], vector<16xf32>,
        %parallel_loop3A_104 = arith.cmpf olt, %parallel_loop3A_103, %parallel_loop3A_78 : vector<16xf32>
        %parallel_loop3A_105 = arith.constant 16384 : i32
        %parallel_loop3A_106 = vector.broadcast %parallel_loop3A_105 : i32 to vector<16xi32>
        %parallel_loop3A_107 = arith.addi %parallel_loop3A_99, %parallel_loop3A_106 : vector<16xi32>
        %parallel_loop3A_108 = arith.select %parallel_loop3A_104, %parallel_loop3A_107, %parallel_loop3A_99 : vector<16xi1>, vector<16xi32>
        %parallel_loop3A_109 = arith.constant 8176 : i32
        %parallel_loop3A_110 = vector.broadcast %parallel_loop3A_109 : i32 to vector<16xi32>
        %parallel_loop3A_111 = arith.addi %parallel_loop3A_108, %parallel_loop3A_110 : vector<16xi32>
        %parallel_loop3A_112 = tpu.vector_load_idx %arg6[%parallel_loop3A_111] : memref<65536xf32, #tpu.memory_space<vmem>>[vector<16xi32>], vector<16xf32>,
        %parallel_loop3A_113 = arith.cmpf olt, %parallel_loop3A_112, %parallel_loop3A_78 : vector<16xf32>
        %parallel_loop3A_114 = arith.constant 8192 : i32
        %parallel_loop3A_115 = vector.broadcast %parallel_loop3A_114 : i32 to vector<16xi32>
        %parallel_loop3A_116 = arith.addi %parallel_loop3A_108, %parallel_loop3A_115 : vector<16xi32>
        %parallel_loop3A_117 = arith.select %parallel_loop3A_113, %parallel_loop3A_116, %parallel_loop3A_108 : vector<16xi1>, vector<16xi32>
        %parallel_loop3A_118 = arith.constant 4080 : i32
        %parallel_loop3A_119 = vector.broadcast %parallel_loop3A_118 : i32 to vector<16xi32>
        %parallel_loop3A_120 = arith.addi %parallel_loop3A_117, %parallel_loop3A_119 : vector<16xi32>
        %parallel_loop3A_121 = tpu.vector_load_idx %arg6[%parallel_loop3A_120] : memref<65536xf32, #tpu.memory_space<vmem>>[vector<16xi32>], vector<16xf32>,
        %parallel_loop3A_122 = arith.cmpf olt, %parallel_loop3A_121, %parallel_loop3A_78 : vector<16xf32>
        %parallel_loop3A_123 = arith.constant 4096 : i32
        %parallel_loop3A_124 = vector.broadcast %parallel_loop3A_123 : i32 to vector<16xi32>
        %parallel_loop3A_125 = arith.addi %parallel_loop3A_117, %parallel_loop3A_124 : vector<16xi32>
        %parallel_loop3A_126 = arith.select %parallel_loop3A_122, %parallel_loop3A_125, %parallel_loop3A_117 : vector<16xi1>, vector<16xi32>
        %parallel_loop3A_127 = arith.constant 2032 : i32
        %parallel_loop3A_128 = vector.broadcast %parallel_loop3A_127 : i32 to vector<16xi32>
        %parallel_loop3A_129 = arith.addi %parallel_loop3A_126, %parallel_loop3A_128 : vector<16xi32>
        %parallel_loop3A_130 = tpu.vector_load_idx %arg6[%parallel_loop3A_129] : memref<65536xf32, #tpu.memory_space<vmem>>[vector<16xi32>], vector<16xf32>,
        %parallel_loop3A_131 = arith.cmpf olt, %parallel_loop3A_130, %parallel_loop3A_78 : vector<16xf32>
        %parallel_loop3A_132 = arith.constant 2048 : i32
        %parallel_loop3A_133 = vector.broadcast %parallel_loop3A_132 : i32 to vector<16xi32>
        %parallel_loop3A_134 = arith.addi %parallel_loop3A_126, %parallel_loop3A_133 : vector<16xi32>
        %parallel_loop3A_135 = arith.select %parallel_loop3A_131, %parallel_loop3A_134, %parallel_loop3A_126 : vector<16xi1>, vector<16xi32>
        %parallel_loop3A_136 = arith.constant 1008 : i32
        %parallel_loop3A_137 = vector.broadcast %parallel_loop3A_136 : i32 to vector<16xi32>
        %parallel_loop3A_138 = arith.addi %parallel_loop3A_135, %parallel_loop3A_137 : vector<16xi32>
        %parallel_loop3A_139 = tpu.vector_load_idx %arg6[%parallel_loop3A_138] : memref<65536xf32, #tpu.memory_space<vmem>>[vector<16xi32>], vector<16xf32>,
        %parallel_loop3A_140 = arith.cmpf olt, %parallel_loop3A_139, %parallel_loop3A_78 : vector<16xf32>
        %parallel_loop3A_141 = arith.constant 1024 : i32
        %parallel_loop3A_142 = vector.broadcast %parallel_loop3A_141 : i32 to vector<16xi32>
        %parallel_loop3A_143 = arith.addi %parallel_loop3A_135, %parallel_loop3A_142 : vector<16xi32>
        %parallel_loop3A_144 = arith.select %parallel_loop3A_140, %parallel_loop3A_143, %parallel_loop3A_135 : vector<16xi1>, vector<16xi32>
        %parallel_loop3A_145 = arith.constant 496 : i32
        %parallel_loop3A_146 = vector.broadcast %parallel_loop3A_145 : i32 to vector<16xi32>
        %parallel_loop3A_147 = arith.addi %parallel_loop3A_144, %parallel_loop3A_146 : vector<16xi32>
        %parallel_loop3A_148 = tpu.vector_load_idx %arg6[%parallel_loop3A_147] : memref<65536xf32, #tpu.memory_space<vmem>>[vector<16xi32>], vector<16xf32>,
        %parallel_loop3A_149 = arith.cmpf olt, %parallel_loop3A_148, %parallel_loop3A_78 : vector<16xf32>
        %parallel_loop3A_150 = arith.constant 512 : i32
        %parallel_loop3A_151 = vector.broadcast %parallel_loop3A_150 : i32 to vector<16xi32>
        %parallel_loop3A_152 = arith.addi %parallel_loop3A_144, %parallel_loop3A_151 : vector<16xi32>
        %parallel_loop3A_153 = arith.select %parallel_loop3A_149, %parallel_loop3A_152, %parallel_loop3A_144 : vector<16xi1>, vector<16xi32>
        %parallel_loop3A_154 = arith.constant 240 : i32
        %parallel_loop3A_155 = vector.broadcast %parallel_loop3A_154 : i32 to vector<16xi32>
        %parallel_loop3A_156 = arith.addi %parallel_loop3A_153, %parallel_loop3A_155 : vector<16xi32>
        %parallel_loop3A_157 = tpu.vector_load_idx %arg6[%parallel_loop3A_156] : memref<65536xf32, #tpu.memory_space<vmem>>[vector<16xi32>], vector<16xf32>,
        %parallel_loop3A_158 = arith.cmpf olt, %parallel_loop3A_157, %parallel_loop3A_78 : vector<16xf32>
        %parallel_loop3A_159 = arith.constant 256 : i32
        %parallel_loop3A_160 = vector.broadcast %parallel_loop3A_159 : i32 to vector<16xi32>
        %parallel_loop3A_161 = arith.addi %parallel_loop3A_153, %parallel_loop3A_160 : vector<16xi32>
        %parallel_loop3A_162 = arith.select %parallel_loop3A_158, %parallel_loop3A_161, %parallel_loop3A_153 : vector<16xi1>, vector<16xi32>
        %parallel_loop3A_163 = arith.constant 112 : i32
        %parallel_loop3A_164 = vector.broadcast %parallel_loop3A_163 : i32 to vector<16xi32>
        %parallel_loop3A_165 = arith.addi %parallel_loop3A_162, %parallel_loop3A_164 : vector<16xi32>
        %parallel_loop3A_166 = tpu.vector_load_idx %arg6[%parallel_loop3A_165] : memref<65536xf32, #tpu.memory_space<vmem>>[vector<16xi32>], vector<16xf32>,
        %parallel_loop3A_167 = arith.cmpf olt, %parallel_loop3A_166, %parallel_loop3A_78 : vector<16xf32>
        %parallel_loop3A_168 = arith.constant 128 : i32
        %parallel_loop3A_169 = vector.broadcast %parallel_loop3A_168 : i32 to vector<16xi32>
        %parallel_loop3A_170 = arith.addi %parallel_loop3A_162, %parallel_loop3A_169 : vector<16xi32>
        %parallel_loop3A_171 = arith.select %parallel_loop3A_167, %parallel_loop3A_170, %parallel_loop3A_162 : vector<16xi1>, vector<16xi32>
        %parallel_loop3A_172 = arith.constant 48 : i32
        %parallel_loop3A_173 = vector.broadcast %parallel_loop3A_172 : i32 to vector<16xi32>
        %parallel_loop3A_174 = arith.addi %parallel_loop3A_171, %parallel_loop3A_173 : vector<16xi32>
        %parallel_loop3A_175 = tpu.vector_load_idx %arg6[%parallel_loop3A_174] : memref<65536xf32, #tpu.memory_space<vmem>>[vector<16xi32>], vector<16xf32>,
        %parallel_loop3A_176 = arith.cmpf olt, %parallel_loop3A_175, %parallel_loop3A_78 : vector<16xf32>
        %parallel_loop3A_177 = arith.constant 64 : i32
        %parallel_loop3A_178 = vector.broadcast %parallel_loop3A_177 : i32 to vector<16xi32>
        %parallel_loop3A_179 = arith.addi %parallel_loop3A_171, %parallel_loop3A_178 : vector<16xi32>
        %parallel_loop3A_180 = arith.select %parallel_loop3A_176, %parallel_loop3A_179, %parallel_loop3A_171 : vector<16xi1>, vector<16xi32>
        %parallel_loop3A_181 = arith.constant 16 : i32
        %parallel_loop3A_182 = vector.broadcast %parallel_loop3A_181 : i32 to vector<16xi32>
        %parallel_loop3A_183 = arith.addi %parallel_loop3A_180, %parallel_loop3A_182 : vector<16xi32>
        %parallel_loop3A_184 = tpu.vector_load_idx %arg6[%parallel_loop3A_183] : memref<65536xf32, #tpu.memory_space<vmem>>[vector<16xi32>], vector<16xf32>,
        %parallel_loop3A_185 = arith.cmpf olt, %parallel_loop3A_184, %parallel_loop3A_78 : vector<16xf32>
        %parallel_loop3A_186 = arith.constant 32 : i32
        %parallel_loop3A_187 = vector.broadcast %parallel_loop3A_186 : i32 to vector<16xi32>
        %parallel_loop3A_188 = arith.addi %parallel_loop3A_180, %parallel_loop3A_187 : vector<16xi32>
        %parallel_loop3A_189 = arith.select %parallel_loop3A_185, %parallel_loop3A_188, %parallel_loop3A_180 : vector<16xi1>, vector<16xi32>
        %parallel_loop3A_190 = tpu.vector_load_idx %arg6[%parallel_loop3A_189] : memref<65536xf32, #tpu.memory_space<vmem>>[vector<16xi32>], vector<16xf32>,
        %parallel_loop3A_191 = arith.cmpf olt, %parallel_loop3A_190, %parallel_loop3A_78 : vector<16xf32>
        %parallel_loop3A_192 = arith.constant 16 : i32
        %parallel_loop3A_193 = vector.broadcast %parallel_loop3A_192 : i32 to vector<16xi32>
        %parallel_loop3A_194 = arith.addi %parallel_loop3A_189, %parallel_loop3A_193 : vector<16xi32>
        %parallel_loop3A_195 = arith.select %parallel_loop3A_191, %parallel_loop3A_194, %parallel_loop3A_189 : vector<16xi1>, vector<16xi32>
        %parallel_loop3A_196 = arith.constant 65520 : i32
        %parallel_loop3A_197 = vector.broadcast %parallel_loop3A_196 : i32 to vector<16xi32>
        %parallel_loop3A_198 = arith.addi %parallel_loop3A_195, %parallel_loop3A_197 : vector<16xi32>
        %parallel_loop3A_199 = arith.constant 65535 : i32
        %parallel_loop3A_200 = vector.broadcast %parallel_loop3A_199 : i32 to vector<16xi32>
        %parallel_loop3A_201 = arith.andi %parallel_loop3A_198, %parallel_loop3A_200 : vector<16xi32>
        %parallel_loop3A_202 = arith.select %parallel_loop3A_191, %parallel_loop3A_195, %parallel_loop3A_201 : vector<16xi1>, vector<16xi32>
        %parallel_loop3A_203 = tpu.vector_load_idx %arg6[%parallel_loop3A_202] : memref<65536xf32, #tpu.memory_space<vmem>>[vector<16xi32>], vector<16xf32>,
        %parallel_loop3A_204 = arith.select %parallel_loop3A_191, %parallel_loop3A_203, %parallel_loop3A_190 : vector<16xi1>, vector<16xf32>
        %parallel_loop3A_205 = arith.select %parallel_loop3A_191, %parallel_loop3A_190, %parallel_loop3A_203 : vector<16xi1>, vector<16xf32>
        %parallel_loop3A_206 = arith.subf %parallel_loop3A_204, %parallel_loop3A_78 : vector<16xf32>
        %parallel_loop3A_207 = math.absf %parallel_loop3A_206 : vector<16xf32>
        %parallel_loop3A_208 = arith.subf %parallel_loop3A_78, %parallel_loop3A_205 : vector<16xf32>
        %parallel_loop3A_209 = math.absf %parallel_loop3A_208 : vector<16xf32>
        %parallel_loop3A_210 = arith.constant 4 : i32
        %parallel_loop3A_211 = vector.broadcast %parallel_loop3A_210 : i32 to vector<16xi32>
        %parallel_loop3A_212 = arith.shrsi %parallel_loop3A_195, %parallel_loop3A_211 : vector<16xi32>
        %parallel_loop3A_213 = arith.cmpf olt, %parallel_loop3A_209, %parallel_loop3A_207 : vector<16xf32>
        %parallel_loop3A_214 = arith.extui %parallel_loop3A_213 : vector<16xi1> to vector<16xi32>
        %parallel_loop3A_215 = arith.subi %parallel_loop3A_212, %parallel_loop3A_214 : vector<16xi32>
        %parallel_loop3A_216 = arith.constant 32752 : i32
        %parallel_loop3A_217 = vector.broadcast %parallel_loop3A_216 : i32 to vector<16xi32>
        %parallel_loop3A_218 = arith.addi %iota3A, %parallel_loop3A_217 : vector<16xi32>
        %parallel_loop3A_219 = tpu.vector_load_idx %arg6[%parallel_loop3A_218] : memref<65536xf32, #tpu.memory_space<vmem>>[vector<16xi32>], vector<16xf32>,
        %parallel_loop3A_220 = arith.cmpf olt, %parallel_loop3A_219, %parallel_loop3A_82 : vector<16xf32>
        %parallel_loop3A_221 = arith.constant 32768 : i32
        %parallel_loop3A_222 = vector.broadcast %parallel_loop3A_221 : i32 to vector<16xi32>
        %parallel_loop3A_223 = arith.addi %iota3A, %parallel_loop3A_222 : vector<16xi32>
        %parallel_loop3A_224 = arith.select %parallel_loop3A_220, %parallel_loop3A_223, %iota3A : vector<16xi1>, vector<16xi32>
        %parallel_loop3A_225 = arith.constant 16368 : i32
        %parallel_loop3A_226 = vector.broadcast %parallel_loop3A_225 : i32 to vector<16xi32>
        %parallel_loop3A_227 = arith.addi %parallel_loop3A_224, %parallel_loop3A_226 : vector<16xi32>
        %parallel_loop3A_228 = tpu.vector_load_idx %arg6[%parallel_loop3A_227] : memref<65536xf32, #tpu.memory_space<vmem>>[vector<16xi32>], vector<16xf32>,
        %parallel_loop3A_229 = arith.cmpf olt, %parallel_loop3A_228, %parallel_loop3A_82 : vector<16xf32>
        %parallel_loop3A_230 = arith.constant 16384 : i32
        %parallel_loop3A_231 = vector.broadcast %parallel_loop3A_230 : i32 to vector<16xi32>
        %parallel_loop3A_232 = arith.addi %parallel_loop3A_224, %parallel_loop3A_231 : vector<16xi32>
        %parallel_loop3A_233 = arith.select %parallel_loop3A_229, %parallel_loop3A_232, %parallel_loop3A_224 : vector<16xi1>, vector<16xi32>
        %parallel_loop3A_234 = arith.constant 8176 : i32
        %parallel_loop3A_235 = vector.broadcast %parallel_loop3A_234 : i32 to vector<16xi32>
        %parallel_loop3A_236 = arith.addi %parallel_loop3A_233, %parallel_loop3A_235 : vector<16xi32>
        %parallel_loop3A_237 = tpu.vector_load_idx %arg6[%parallel_loop3A_236] : memref<65536xf32, #tpu.memory_space<vmem>>[vector<16xi32>], vector<16xf32>,
        %parallel_loop3A_238 = arith.cmpf olt, %parallel_loop3A_237, %parallel_loop3A_82 : vector<16xf32>
        %parallel_loop3A_239 = arith.constant 8192 : i32
        %parallel_loop3A_240 = vector.broadcast %parallel_loop3A_239 : i32 to vector<16xi32>
        %parallel_loop3A_241 = arith.addi %parallel_loop3A_233, %parallel_loop3A_240 : vector<16xi32>
        %parallel_loop3A_242 = arith.select %parallel_loop3A_238, %parallel_loop3A_241, %parallel_loop3A_233 : vector<16xi1>, vector<16xi32>
        %parallel_loop3A_243 = arith.constant 4080 : i32
        %parallel_loop3A_244 = vector.broadcast %parallel_loop3A_243 : i32 to vector<16xi32>
        %parallel_loop3A_245 = arith.addi %parallel_loop3A_242, %parallel_loop3A_244 : vector<16xi32>
        %parallel_loop3A_246 = tpu.vector_load_idx %arg6[%parallel_loop3A_245] : memref<65536xf32, #tpu.memory_space<vmem>>[vector<16xi32>], vector<16xf32>,
        %parallel_loop3A_247 = arith.cmpf olt, %parallel_loop3A_246, %parallel_loop3A_82 : vector<16xf32>
        %parallel_loop3A_248 = arith.constant 4096 : i32
        %parallel_loop3A_249 = vector.broadcast %parallel_loop3A_248 : i32 to vector<16xi32>
        %parallel_loop3A_250 = arith.addi %parallel_loop3A_242, %parallel_loop3A_249 : vector<16xi32>
        %parallel_loop3A_251 = arith.select %parallel_loop3A_247, %parallel_loop3A_250, %parallel_loop3A_242 : vector<16xi1>, vector<16xi32>
        %parallel_loop3A_252 = arith.constant 2032 : i32
        %parallel_loop3A_253 = vector.broadcast %parallel_loop3A_252 : i32 to vector<16xi32>
        %parallel_loop3A_254 = arith.addi %parallel_loop3A_251, %parallel_loop3A_253 : vector<16xi32>
        %parallel_loop3A_255 = tpu.vector_load_idx %arg6[%parallel_loop3A_254] : memref<65536xf32, #tpu.memory_space<vmem>>[vector<16xi32>], vector<16xf32>,
        %parallel_loop3A_256 = arith.cmpf olt, %parallel_loop3A_255, %parallel_loop3A_82 : vector<16xf32>
        %parallel_loop3A_257 = arith.constant 2048 : i32
        %parallel_loop3A_258 = vector.broadcast %parallel_loop3A_257 : i32 to vector<16xi32>
        %parallel_loop3A_259 = arith.addi %parallel_loop3A_251, %parallel_loop3A_258 : vector<16xi32>
        %parallel_loop3A_260 = arith.select %parallel_loop3A_256, %parallel_loop3A_259, %parallel_loop3A_251 : vector<16xi1>, vector<16xi32>
        %parallel_loop3A_261 = arith.constant 1008 : i32
        %parallel_loop3A_262 = vector.broadcast %parallel_loop3A_261 : i32 to vector<16xi32>
        %parallel_loop3A_263 = arith.addi %parallel_loop3A_260, %parallel_loop3A_262 : vector<16xi32>
        %parallel_loop3A_264 = tpu.vector_load_idx %arg6[%parallel_loop3A_263] : memref<65536xf32, #tpu.memory_space<vmem>>[vector<16xi32>], vector<16xf32>,
        %parallel_loop3A_265 = arith.cmpf olt, %parallel_loop3A_264, %parallel_loop3A_82 : vector<16xf32>
        %parallel_loop3A_266 = arith.constant 1024 : i32
        %parallel_loop3A_267 = vector.broadcast %parallel_loop3A_266 : i32 to vector<16xi32>
        %parallel_loop3A_268 = arith.addi %parallel_loop3A_260, %parallel_loop3A_267 : vector<16xi32>
        %parallel_loop3A_269 = arith.select %parallel_loop3A_265, %parallel_loop3A_268, %parallel_loop3A_260 : vector<16xi1>, vector<16xi32>
        %parallel_loop3A_270 = arith.constant 496 : i32
        %parallel_loop3A_271 = vector.broadcast %parallel_loop3A_270 : i32 to vector<16xi32>
        %parallel_loop3A_272 = arith.addi %parallel_loop3A_269, %parallel_loop3A_271 : vector<16xi32>
        %parallel_loop3A_273 = tpu.vector_load_idx %arg6[%parallel_loop3A_272] : memref<65536xf32, #tpu.memory_space<vmem>>[vector<16xi32>], vector<16xf32>,
        %parallel_loop3A_274 = arith.cmpf olt, %parallel_loop3A_273, %parallel_loop3A_82 : vector<16xf32>
        %parallel_loop3A_275 = arith.constant 512 : i32
        %parallel_loop3A_276 = vector.broadcast %parallel_loop3A_275 : i32 to vector<16xi32>
        %parallel_loop3A_277 = arith.addi %parallel_loop3A_269, %parallel_loop3A_276 : vector<16xi32>
        %parallel_loop3A_278 = arith.select %parallel_loop3A_274, %parallel_loop3A_277, %parallel_loop3A_269 : vector<16xi1>, vector<16xi32>
        %parallel_loop3A_279 = arith.constant 240 : i32
        %parallel_loop3A_280 = vector.broadcast %parallel_loop3A_279 : i32 to vector<16xi32>
        %parallel_loop3A_281 = arith.addi %parallel_loop3A_278, %parallel_loop3A_280 : vector<16xi32>
        %parallel_loop3A_282 = tpu.vector_load_idx %arg6[%parallel_loop3A_281] : memref<65536xf32, #tpu.memory_space<vmem>>[vector<16xi32>], vector<16xf32>,
        %parallel_loop3A_283 = arith.cmpf olt, %parallel_loop3A_282, %parallel_loop3A_82 : vector<16xf32>
        %parallel_loop3A_284 = arith.constant 256 : i32
        %parallel_loop3A_285 = vector.broadcast %parallel_loop3A_284 : i32 to vector<16xi32>
        %parallel_loop3A_286 = arith.addi %parallel_loop3A_278, %parallel_loop3A_285 : vector<16xi32>
        %parallel_loop3A_287 = arith.select %parallel_loop3A_283, %parallel_loop3A_286, %parallel_loop3A_278 : vector<16xi1>, vector<16xi32>
        %parallel_loop3A_288 = arith.constant 112 : i32
        %parallel_loop3A_289 = vector.broadcast %parallel_loop3A_288 : i32 to vector<16xi32>
        %parallel_loop3A_290 = arith.addi %parallel_loop3A_287, %parallel_loop3A_289 : vector<16xi32>
        %parallel_loop3A_291 = tpu.vector_load_idx %arg6[%parallel_loop3A_290] : memref<65536xf32, #tpu.memory_space<vmem>>[vector<16xi32>], vector<16xf32>,
        %parallel_loop3A_292 = arith.cmpf olt, %parallel_loop3A_291, %parallel_loop3A_82 : vector<16xf32>
        %parallel_loop3A_293 = arith.constant 128 : i32
        %parallel_loop3A_294 = vector.broadcast %parallel_loop3A_293 : i32 to vector<16xi32>
        %parallel_loop3A_295 = arith.addi %parallel_loop3A_287, %parallel_loop3A_294 : vector<16xi32>
        %parallel_loop3A_296 = arith.select %parallel_loop3A_292, %parallel_loop3A_295, %parallel_loop3A_287 : vector<16xi1>, vector<16xi32>
        %parallel_loop3A_297 = arith.constant 48 : i32
        %parallel_loop3A_298 = vector.broadcast %parallel_loop3A_297 : i32 to vector<16xi32>
        %parallel_loop3A_299 = arith.addi %parallel_loop3A_296, %parallel_loop3A_298 : vector<16xi32>
        %parallel_loop3A_300 = tpu.vector_load_idx %arg6[%parallel_loop3A_299] : memref<65536xf32, #tpu.memory_space<vmem>>[vector<16xi32>], vector<16xf32>,
        %parallel_loop3A_301 = arith.cmpf olt, %parallel_loop3A_300, %parallel_loop3A_82 : vector<16xf32>
        %parallel_loop3A_302 = arith.constant 64 : i32
        %parallel_loop3A_303 = vector.broadcast %parallel_loop3A_302 : i32 to vector<16xi32>
        %parallel_loop3A_304 = arith.addi %parallel_loop3A_296, %parallel_loop3A_303 : vector<16xi32>
        %parallel_loop3A_305 = arith.select %parallel_loop3A_301, %parallel_loop3A_304, %parallel_loop3A_296 : vector<16xi1>, vector<16xi32>
        %parallel_loop3A_306 = arith.constant 16 : i32
        %parallel_loop3A_307 = vector.broadcast %parallel_loop3A_306 : i32 to vector<16xi32>
        %parallel_loop3A_308 = arith.addi %parallel_loop3A_305, %parallel_loop3A_307 : vector<16xi32>
        %parallel_loop3A_309 = tpu.vector_load_idx %arg6[%parallel_loop3A_308] : memref<65536xf32, #tpu.memory_space<vmem>>[vector<16xi32>], vector<16xf32>,
        %parallel_loop3A_310 = arith.cmpf olt, %parallel_loop3A_309, %parallel_loop3A_82 : vector<16xf32>
        %parallel_loop3A_311 = arith.constant 32 : i32
        %parallel_loop3A_312 = vector.broadcast %parallel_loop3A_311 : i32 to vector<16xi32>
        %parallel_loop3A_313 = arith.addi %parallel_loop3A_305, %parallel_loop3A_312 : vector<16xi32>
        %parallel_loop3A_314 = arith.select %parallel_loop3A_310, %parallel_loop3A_313, %parallel_loop3A_305 : vector<16xi1>, vector<16xi32>
        %parallel_loop3A_315 = tpu.vector_load_idx %arg6[%parallel_loop3A_314] : memref<65536xf32, #tpu.memory_space<vmem>>[vector<16xi32>], vector<16xf32>,
        %parallel_loop3A_316 = arith.cmpf olt, %parallel_loop3A_315, %parallel_loop3A_82 : vector<16xf32>
        %parallel_loop3A_317 = arith.constant 16 : i32
        %parallel_loop3A_318 = vector.broadcast %parallel_loop3A_317 : i32 to vector<16xi32>
        %parallel_loop3A_319 = arith.addi %parallel_loop3A_314, %parallel_loop3A_318 : vector<16xi32>
        %parallel_loop3A_320 = arith.select %parallel_loop3A_316, %parallel_loop3A_319, %parallel_loop3A_314 : vector<16xi1>, vector<16xi32>
        %parallel_loop3A_321 = arith.constant 65520 : i32
        %parallel_loop3A_322 = vector.broadcast %parallel_loop3A_321 : i32 to vector<16xi32>
        %parallel_loop3A_323 = arith.addi %parallel_loop3A_320, %parallel_loop3A_322 : vector<16xi32>
        %parallel_loop3A_324 = arith.constant 65535 : i32
        %parallel_loop3A_325 = vector.broadcast %parallel_loop3A_324 : i32 to vector<16xi32>
        %parallel_loop3A_326 = arith.andi %parallel_loop3A_323, %parallel_loop3A_325 : vector<16xi32>
        %parallel_loop3A_327 = arith.select %parallel_loop3A_316, %parallel_loop3A_320, %parallel_loop3A_326 : vector<16xi1>, vector<16xi32>
        %parallel_loop3A_328 = tpu.vector_load_idx %arg6[%parallel_loop3A_327] : memref<65536xf32, #tpu.memory_space<vmem>>[vector<16xi32>], vector<16xf32>,
        %parallel_loop3A_329 = arith.select %parallel_loop3A_316, %parallel_loop3A_328, %parallel_loop3A_315 : vector<16xi1>, vector<16xf32>
        %parallel_loop3A_330 = arith.select %parallel_loop3A_316, %parallel_loop3A_315, %parallel_loop3A_328 : vector<16xi1>, vector<16xf32>
        %parallel_loop3A_331 = arith.subf %parallel_loop3A_329, %parallel_loop3A_82 : vector<16xf32>
        %parallel_loop3A_332 = math.absf %parallel_loop3A_331 : vector<16xf32>
        %parallel_loop3A_333 = arith.subf %parallel_loop3A_82, %parallel_loop3A_330 : vector<16xf32>
        %parallel_loop3A_334 = math.absf %parallel_loop3A_333 : vector<16xf32>
        %parallel_loop3A_335 = arith.constant 4 : i32
        %parallel_loop3A_336 = vector.broadcast %parallel_loop3A_335 : i32 to vector<16xi32>
        %parallel_loop3A_337 = arith.shrsi %parallel_loop3A_320, %parallel_loop3A_336 : vector<16xi32>
        %parallel_loop3A_338 = arith.cmpf olt, %parallel_loop3A_334, %parallel_loop3A_332 : vector<16xf32>
        %parallel_loop3A_339 = arith.extui %parallel_loop3A_338 : vector<16xi1> to vector<16xi32>
        %parallel_loop3A_340 = arith.subi %parallel_loop3A_337, %parallel_loop3A_339 : vector<16xi32>
        %parallel_loop3A_341 = arith.constant 32752 : i32
        %parallel_loop3A_342 = vector.broadcast %parallel_loop3A_341 : i32 to vector<16xi32>
        %parallel_loop3A_343 = arith.addi %iota3A, %parallel_loop3A_342 : vector<16xi32>
        %parallel_loop3A_344 = tpu.vector_load_idx %arg6[%parallel_loop3A_343] : memref<65536xf32, #tpu.memory_space<vmem>>[vector<16xi32>], vector<16xf32>,
        %parallel_loop3A_345 = arith.cmpf olt, %parallel_loop3A_344, %parallel_loop3A_86 : vector<16xf32>
        %parallel_loop3A_346 = arith.constant 32768 : i32
        %parallel_loop3A_347 = vector.broadcast %parallel_loop3A_346 : i32 to vector<16xi32>
        %parallel_loop3A_348 = arith.addi %iota3A, %parallel_loop3A_347 : vector<16xi32>
        %parallel_loop3A_349 = arith.select %parallel_loop3A_345, %parallel_loop3A_348, %iota3A : vector<16xi1>, vector<16xi32>
        %parallel_loop3A_350 = arith.constant 16368 : i32
        %parallel_loop3A_351 = vector.broadcast %parallel_loop3A_350 : i32 to vector<16xi32>
        %parallel_loop3A_352 = arith.addi %parallel_loop3A_349, %parallel_loop3A_351 : vector<16xi32>
        %parallel_loop3A_353 = tpu.vector_load_idx %arg6[%parallel_loop3A_352] : memref<65536xf32, #tpu.memory_space<vmem>>[vector<16xi32>], vector<16xf32>,
        %parallel_loop3A_354 = arith.cmpf olt, %parallel_loop3A_353, %parallel_loop3A_86 : vector<16xf32>
        %parallel_loop3A_355 = arith.constant 16384 : i32
        %parallel_loop3A_356 = vector.broadcast %parallel_loop3A_355 : i32 to vector<16xi32>
        %parallel_loop3A_357 = arith.addi %parallel_loop3A_349, %parallel_loop3A_356 : vector<16xi32>
        %parallel_loop3A_358 = arith.select %parallel_loop3A_354, %parallel_loop3A_357, %parallel_loop3A_349 : vector<16xi1>, vector<16xi32>
        %parallel_loop3A_359 = arith.constant 8176 : i32
        %parallel_loop3A_360 = vector.broadcast %parallel_loop3A_359 : i32 to vector<16xi32>
        %parallel_loop3A_361 = arith.addi %parallel_loop3A_358, %parallel_loop3A_360 : vector<16xi32>
        %parallel_loop3A_362 = tpu.vector_load_idx %arg6[%parallel_loop3A_361] : memref<65536xf32, #tpu.memory_space<vmem>>[vector<16xi32>], vector<16xf32>,
        %parallel_loop3A_363 = arith.cmpf olt, %parallel_loop3A_362, %parallel_loop3A_86 : vector<16xf32>
        %parallel_loop3A_364 = arith.constant 8192 : i32
        %parallel_loop3A_365 = vector.broadcast %parallel_loop3A_364 : i32 to vector<16xi32>
        %parallel_loop3A_366 = arith.addi %parallel_loop3A_358, %parallel_loop3A_365 : vector<16xi32>
        %parallel_loop3A_367 = arith.select %parallel_loop3A_363, %parallel_loop3A_366, %parallel_loop3A_358 : vector<16xi1>, vector<16xi32>
        %parallel_loop3A_368 = arith.constant 4080 : i32
        %parallel_loop3A_369 = vector.broadcast %parallel_loop3A_368 : i32 to vector<16xi32>
        %parallel_loop3A_370 = arith.addi %parallel_loop3A_367, %parallel_loop3A_369 : vector<16xi32>
        %parallel_loop3A_371 = tpu.vector_load_idx %arg6[%parallel_loop3A_370] : memref<65536xf32, #tpu.memory_space<vmem>>[vector<16xi32>], vector<16xf32>,
        %parallel_loop3A_372 = arith.cmpf olt, %parallel_loop3A_371, %parallel_loop3A_86 : vector<16xf32>
        %parallel_loop3A_373 = arith.constant 4096 : i32
        %parallel_loop3A_374 = vector.broadcast %parallel_loop3A_373 : i32 to vector<16xi32>
        %parallel_loop3A_375 = arith.addi %parallel_loop3A_367, %parallel_loop3A_374 : vector<16xi32>
        %parallel_loop3A_376 = arith.select %parallel_loop3A_372, %parallel_loop3A_375, %parallel_loop3A_367 : vector<16xi1>, vector<16xi32>
        %parallel_loop3A_377 = arith.constant 2032 : i32
        %parallel_loop3A_378 = vector.broadcast %parallel_loop3A_377 : i32 to vector<16xi32>
        %parallel_loop3A_379 = arith.addi %parallel_loop3A_376, %parallel_loop3A_378 : vector<16xi32>
        %parallel_loop3A_380 = tpu.vector_load_idx %arg6[%parallel_loop3A_379] : memref<65536xf32, #tpu.memory_space<vmem>>[vector<16xi32>], vector<16xf32>,
        %parallel_loop3A_381 = arith.cmpf olt, %parallel_loop3A_380, %parallel_loop3A_86 : vector<16xf32>
        %parallel_loop3A_382 = arith.constant 2048 : i32
        %parallel_loop3A_383 = vector.broadcast %parallel_loop3A_382 : i32 to vector<16xi32>
        %parallel_loop3A_384 = arith.addi %parallel_loop3A_376, %parallel_loop3A_383 : vector<16xi32>
        %parallel_loop3A_385 = arith.select %parallel_loop3A_381, %parallel_loop3A_384, %parallel_loop3A_376 : vector<16xi1>, vector<16xi32>
        %parallel_loop3A_386 = arith.constant 1008 : i32
        %parallel_loop3A_387 = vector.broadcast %parallel_loop3A_386 : i32 to vector<16xi32>
        %parallel_loop3A_388 = arith.addi %parallel_loop3A_385, %parallel_loop3A_387 : vector<16xi32>
        %parallel_loop3A_389 = tpu.vector_load_idx %arg6[%parallel_loop3A_388] : memref<65536xf32, #tpu.memory_space<vmem>>[vector<16xi32>], vector<16xf32>,
        %parallel_loop3A_390 = arith.cmpf olt, %parallel_loop3A_389, %parallel_loop3A_86 : vector<16xf32>
        %parallel_loop3A_391 = arith.constant 1024 : i32
        %parallel_loop3A_392 = vector.broadcast %parallel_loop3A_391 : i32 to vector<16xi32>
        %parallel_loop3A_393 = arith.addi %parallel_loop3A_385, %parallel_loop3A_392 : vector<16xi32>
        %parallel_loop3A_394 = arith.select %parallel_loop3A_390, %parallel_loop3A_393, %parallel_loop3A_385 : vector<16xi1>, vector<16xi32>
        %parallel_loop3A_395 = arith.constant 496 : i32
        %parallel_loop3A_396 = vector.broadcast %parallel_loop3A_395 : i32 to vector<16xi32>
        %parallel_loop3A_397 = arith.addi %parallel_loop3A_394, %parallel_loop3A_396 : vector<16xi32>
        %parallel_loop3A_398 = tpu.vector_load_idx %arg6[%parallel_loop3A_397] : memref<65536xf32, #tpu.memory_space<vmem>>[vector<16xi32>], vector<16xf32>,
        %parallel_loop3A_399 = arith.cmpf olt, %parallel_loop3A_398, %parallel_loop3A_86 : vector<16xf32>
        %parallel_loop3A_400 = arith.constant 512 : i32
        %parallel_loop3A_401 = vector.broadcast %parallel_loop3A_400 : i32 to vector<16xi32>
        %parallel_loop3A_402 = arith.addi %parallel_loop3A_394, %parallel_loop3A_401 : vector<16xi32>
        %parallel_loop3A_403 = arith.select %parallel_loop3A_399, %parallel_loop3A_402, %parallel_loop3A_394 : vector<16xi1>, vector<16xi32>
        %parallel_loop3A_404 = arith.constant 240 : i32
        %parallel_loop3A_405 = vector.broadcast %parallel_loop3A_404 : i32 to vector<16xi32>
        %parallel_loop3A_406 = arith.addi %parallel_loop3A_403, %parallel_loop3A_405 : vector<16xi32>
        %parallel_loop3A_407 = tpu.vector_load_idx %arg6[%parallel_loop3A_406] : memref<65536xf32, #tpu.memory_space<vmem>>[vector<16xi32>], vector<16xf32>,
        %parallel_loop3A_408 = arith.cmpf olt, %parallel_loop3A_407, %parallel_loop3A_86 : vector<16xf32>
        %parallel_loop3A_409 = arith.constant 256 : i32
        %parallel_loop3A_410 = vector.broadcast %parallel_loop3A_409 : i32 to vector<16xi32>
        %parallel_loop3A_411 = arith.addi %parallel_loop3A_403, %parallel_loop3A_410 : vector<16xi32>
        %parallel_loop3A_412 = arith.select %parallel_loop3A_408, %parallel_loop3A_411, %parallel_loop3A_403 : vector<16xi1>, vector<16xi32>
        %parallel_loop3A_413 = arith.constant 112 : i32
        %parallel_loop3A_414 = vector.broadcast %parallel_loop3A_413 : i32 to vector<16xi32>
        %parallel_loop3A_415 = arith.addi %parallel_loop3A_412, %parallel_loop3A_414 : vector<16xi32>
        %parallel_loop3A_416 = tpu.vector_load_idx %arg6[%parallel_loop3A_415] : memref<65536xf32, #tpu.memory_space<vmem>>[vector<16xi32>], vector<16xf32>,
        %parallel_loop3A_417 = arith.cmpf olt, %parallel_loop3A_416, %parallel_loop3A_86 : vector<16xf32>
        %parallel_loop3A_418 = arith.constant 128 : i32
        %parallel_loop3A_419 = vector.broadcast %parallel_loop3A_418 : i32 to vector<16xi32>
        %parallel_loop3A_420 = arith.addi %parallel_loop3A_412, %parallel_loop3A_419 : vector<16xi32>
        %parallel_loop3A_421 = arith.select %parallel_loop3A_417, %parallel_loop3A_420, %parallel_loop3A_412 : vector<16xi1>, vector<16xi32>
        %parallel_loop3A_422 = arith.constant 48 : i32
        %parallel_loop3A_423 = vector.broadcast %parallel_loop3A_422 : i32 to vector<16xi32>
        %parallel_loop3A_424 = arith.addi %parallel_loop3A_421, %parallel_loop3A_423 : vector<16xi32>
        %parallel_loop3A_425 = tpu.vector_load_idx %arg6[%parallel_loop3A_424] : memref<65536xf32, #tpu.memory_space<vmem>>[vector<16xi32>], vector<16xf32>,
        %parallel_loop3A_426 = arith.cmpf olt, %parallel_loop3A_425, %parallel_loop3A_86 : vector<16xf32>
        %parallel_loop3A_427 = arith.constant 64 : i32
        %parallel_loop3A_428 = vector.broadcast %parallel_loop3A_427 : i32 to vector<16xi32>
        %parallel_loop3A_429 = arith.addi %parallel_loop3A_421, %parallel_loop3A_428 : vector<16xi32>
        %parallel_loop3A_430 = arith.select %parallel_loop3A_426, %parallel_loop3A_429, %parallel_loop3A_421 : vector<16xi1>, vector<16xi32>
        %parallel_loop3A_431 = arith.constant 16 : i32
        %parallel_loop3A_432 = vector.broadcast %parallel_loop3A_431 : i32 to vector<16xi32>
        %parallel_loop3A_433 = arith.addi %parallel_loop3A_430, %parallel_loop3A_432 : vector<16xi32>
        %parallel_loop3A_434 = tpu.vector_load_idx %arg6[%parallel_loop3A_433] : memref<65536xf32, #tpu.memory_space<vmem>>[vector<16xi32>], vector<16xf32>,
        %parallel_loop3A_435 = arith.cmpf olt, %parallel_loop3A_434, %parallel_loop3A_86 : vector<16xf32>
        %parallel_loop3A_436 = arith.constant 32 : i32
        %parallel_loop3A_437 = vector.broadcast %parallel_loop3A_436 : i32 to vector<16xi32>
        %parallel_loop3A_438 = arith.addi %parallel_loop3A_430, %parallel_loop3A_437 : vector<16xi32>
        %parallel_loop3A_439 = arith.select %parallel_loop3A_435, %parallel_loop3A_438, %parallel_loop3A_430 : vector<16xi1>, vector<16xi32>
        %parallel_loop3A_440 = tpu.vector_load_idx %arg6[%parallel_loop3A_439] : memref<65536xf32, #tpu.memory_space<vmem>>[vector<16xi32>], vector<16xf32>,
        %parallel_loop3A_441 = arith.cmpf olt, %parallel_loop3A_440, %parallel_loop3A_86 : vector<16xf32>
        %parallel_loop3A_442 = arith.constant 16 : i32
        %parallel_loop3A_443 = vector.broadcast %parallel_loop3A_442 : i32 to vector<16xi32>
        %parallel_loop3A_444 = arith.addi %parallel_loop3A_439, %parallel_loop3A_443 : vector<16xi32>
        %parallel_loop3A_445 = arith.select %parallel_loop3A_441, %parallel_loop3A_444, %parallel_loop3A_439 : vector<16xi1>, vector<16xi32>
        %parallel_loop3A_446 = arith.constant 65520 : i32
        %parallel_loop3A_447 = vector.broadcast %parallel_loop3A_446 : i32 to vector<16xi32>
        %parallel_loop3A_448 = arith.addi %parallel_loop3A_445, %parallel_loop3A_447 : vector<16xi32>
        %parallel_loop3A_449 = arith.constant 65535 : i32
        %parallel_loop3A_450 = vector.broadcast %parallel_loop3A_449 : i32 to vector<16xi32>
        %parallel_loop3A_451 = arith.andi %parallel_loop3A_448, %parallel_loop3A_450 : vector<16xi32>
        %parallel_loop3A_452 = arith.select %parallel_loop3A_441, %parallel_loop3A_445, %parallel_loop3A_451 : vector<16xi1>, vector<16xi32>
        %parallel_loop3A_453 = tpu.vector_load_idx %arg6[%parallel_loop3A_452] : memref<65536xf32, #tpu.memory_space<vmem>>[vector<16xi32>], vector<16xf32>,
        %parallel_loop3A_454 = arith.select %parallel_loop3A_441, %parallel_loop3A_453, %parallel_loop3A_440 : vector<16xi1>, vector<16xf32>
        %parallel_loop3A_455 = arith.select %parallel_loop3A_441, %parallel_loop3A_440, %parallel_loop3A_453 : vector<16xi1>, vector<16xf32>
        %parallel_loop3A_456 = arith.subf %parallel_loop3A_454, %parallel_loop3A_86 : vector<16xf32>
        %parallel_loop3A_457 = math.absf %parallel_loop3A_456 : vector<16xf32>
        %parallel_loop3A_458 = arith.subf %parallel_loop3A_86, %parallel_loop3A_455 : vector<16xf32>
        %parallel_loop3A_459 = math.absf %parallel_loop3A_458 : vector<16xf32>
        %parallel_loop3A_460 = arith.constant 4 : i32
        %parallel_loop3A_461 = vector.broadcast %parallel_loop3A_460 : i32 to vector<16xi32>
        %parallel_loop3A_462 = arith.shrsi %parallel_loop3A_445, %parallel_loop3A_461 : vector<16xi32>
        %parallel_loop3A_463 = arith.cmpf olt, %parallel_loop3A_459, %parallel_loop3A_457 : vector<16xf32>
        %parallel_loop3A_464 = arith.extui %parallel_loop3A_463 : vector<16xi1> to vector<16xi32>
        %parallel_loop3A_465 = arith.subi %parallel_loop3A_462, %parallel_loop3A_464 : vector<16xi32>
        %parallel_loop3A_466 = arith.constant 32752 : i32
        %parallel_loop3A_467 = vector.broadcast %parallel_loop3A_466 : i32 to vector<16xi32>
        %parallel_loop3A_468 = arith.addi %iota3A, %parallel_loop3A_467 : vector<16xi32>
        %parallel_loop3A_469 = tpu.vector_load_idx %arg6[%parallel_loop3A_468] : memref<65536xf32, #tpu.memory_space<vmem>>[vector<16xi32>], vector<16xf32>,
        %parallel_loop3A_470 = arith.cmpf olt, %parallel_loop3A_469, %parallel_loop3A_90 : vector<16xf32>
        %parallel_loop3A_471 = arith.constant 32768 : i32
        %parallel_loop3A_472 = vector.broadcast %parallel_loop3A_471 : i32 to vector<16xi32>
        %parallel_loop3A_473 = arith.addi %iota3A, %parallel_loop3A_472 : vector<16xi32>
        %parallel_loop3A_474 = arith.select %parallel_loop3A_470, %parallel_loop3A_473, %iota3A : vector<16xi1>, vector<16xi32>
        %parallel_loop3A_475 = arith.constant 16368 : i32
        %parallel_loop3A_476 = vector.broadcast %parallel_loop3A_475 : i32 to vector<16xi32>
        %parallel_loop3A_477 = arith.addi %parallel_loop3A_474, %parallel_loop3A_476 : vector<16xi32>
        %parallel_loop3A_478 = tpu.vector_load_idx %arg6[%parallel_loop3A_477] : memref<65536xf32, #tpu.memory_space<vmem>>[vector<16xi32>], vector<16xf32>,
        %parallel_loop3A_479 = arith.cmpf olt, %parallel_loop3A_478, %parallel_loop3A_90 : vector<16xf32>
        %parallel_loop3A_480 = arith.constant 16384 : i32
        %parallel_loop3A_481 = vector.broadcast %parallel_loop3A_480 : i32 to vector<16xi32>
        %parallel_loop3A_482 = arith.addi %parallel_loop3A_474, %parallel_loop3A_481 : vector<16xi32>
        %parallel_loop3A_483 = arith.select %parallel_loop3A_479, %parallel_loop3A_482, %parallel_loop3A_474 : vector<16xi1>, vector<16xi32>
        %parallel_loop3A_484 = arith.constant 8176 : i32
        %parallel_loop3A_485 = vector.broadcast %parallel_loop3A_484 : i32 to vector<16xi32>
        %parallel_loop3A_486 = arith.addi %parallel_loop3A_483, %parallel_loop3A_485 : vector<16xi32>
        %parallel_loop3A_487 = tpu.vector_load_idx %arg6[%parallel_loop3A_486] : memref<65536xf32, #tpu.memory_space<vmem>>[vector<16xi32>], vector<16xf32>,
        %parallel_loop3A_488 = arith.cmpf olt, %parallel_loop3A_487, %parallel_loop3A_90 : vector<16xf32>
        %parallel_loop3A_489 = arith.constant 8192 : i32
        %parallel_loop3A_490 = vector.broadcast %parallel_loop3A_489 : i32 to vector<16xi32>
        %parallel_loop3A_491 = arith.addi %parallel_loop3A_483, %parallel_loop3A_490 : vector<16xi32>
        %parallel_loop3A_492 = arith.select %parallel_loop3A_488, %parallel_loop3A_491, %parallel_loop3A_483 : vector<16xi1>, vector<16xi32>
        %parallel_loop3A_493 = arith.constant 4080 : i32
        %parallel_loop3A_494 = vector.broadcast %parallel_loop3A_493 : i32 to vector<16xi32>
        %parallel_loop3A_495 = arith.addi %parallel_loop3A_492, %parallel_loop3A_494 : vector<16xi32>
        %parallel_loop3A_496 = tpu.vector_load_idx %arg6[%parallel_loop3A_495] : memref<65536xf32, #tpu.memory_space<vmem>>[vector<16xi32>], vector<16xf32>,
        %parallel_loop3A_497 = arith.cmpf olt, %parallel_loop3A_496, %parallel_loop3A_90 : vector<16xf32>
        %parallel_loop3A_498 = arith.constant 4096 : i32
        %parallel_loop3A_499 = vector.broadcast %parallel_loop3A_498 : i32 to vector<16xi32>
        %parallel_loop3A_500 = arith.addi %parallel_loop3A_492, %parallel_loop3A_499 : vector<16xi32>
        %parallel_loop3A_501 = arith.select %parallel_loop3A_497, %parallel_loop3A_500, %parallel_loop3A_492 : vector<16xi1>, vector<16xi32>
        %parallel_loop3A_502 = arith.constant 2032 : i32
        %parallel_loop3A_503 = vector.broadcast %parallel_loop3A_502 : i32 to vector<16xi32>
        %parallel_loop3A_504 = arith.addi %parallel_loop3A_501, %parallel_loop3A_503 : vector<16xi32>
        %parallel_loop3A_505 = tpu.vector_load_idx %arg6[%parallel_loop3A_504] : memref<65536xf32, #tpu.memory_space<vmem>>[vector<16xi32>], vector<16xf32>,
        %parallel_loop3A_506 = arith.cmpf olt, %parallel_loop3A_505, %parallel_loop3A_90 : vector<16xf32>
        %parallel_loop3A_507 = arith.constant 2048 : i32
        %parallel_loop3A_508 = vector.broadcast %parallel_loop3A_507 : i32 to vector<16xi32>
        %parallel_loop3A_509 = arith.addi %parallel_loop3A_501, %parallel_loop3A_508 : vector<16xi32>
        %parallel_loop3A_510 = arith.select %parallel_loop3A_506, %parallel_loop3A_509, %parallel_loop3A_501 : vector<16xi1>, vector<16xi32>
        %parallel_loop3A_511 = arith.constant 1008 : i32
        %parallel_loop3A_512 = vector.broadcast %parallel_loop3A_511 : i32 to vector<16xi32>
        %parallel_loop3A_513 = arith.addi %parallel_loop3A_510, %parallel_loop3A_512 : vector<16xi32>
        %parallel_loop3A_514 = tpu.vector_load_idx %arg6[%parallel_loop3A_513] : memref<65536xf32, #tpu.memory_space<vmem>>[vector<16xi32>], vector<16xf32>,
        %parallel_loop3A_515 = arith.cmpf olt, %parallel_loop3A_514, %parallel_loop3A_90 : vector<16xf32>
        %parallel_loop3A_516 = arith.constant 1024 : i32
        %parallel_loop3A_517 = vector.broadcast %parallel_loop3A_516 : i32 to vector<16xi32>
        %parallel_loop3A_518 = arith.addi %parallel_loop3A_510, %parallel_loop3A_517 : vector<16xi32>
        %parallel_loop3A_519 = arith.select %parallel_loop3A_515, %parallel_loop3A_518, %parallel_loop3A_510 : vector<16xi1>, vector<16xi32>
        %parallel_loop3A_520 = arith.constant 496 : i32
        %parallel_loop3A_521 = vector.broadcast %parallel_loop3A_520 : i32 to vector<16xi32>
        %parallel_loop3A_522 = arith.addi %parallel_loop3A_519, %parallel_loop3A_521 : vector<16xi32>
        %parallel_loop3A_523 = tpu.vector_load_idx %arg6[%parallel_loop3A_522] : memref<65536xf32, #tpu.memory_space<vmem>>[vector<16xi32>], vector<16xf32>,
        %parallel_loop3A_524 = arith.cmpf olt, %parallel_loop3A_523, %parallel_loop3A_90 : vector<16xf32>
        %parallel_loop3A_525 = arith.constant 512 : i32
        %parallel_loop3A_526 = vector.broadcast %parallel_loop3A_525 : i32 to vector<16xi32>
        %parallel_loop3A_527 = arith.addi %parallel_loop3A_519, %parallel_loop3A_526 : vector<16xi32>
        %parallel_loop3A_528 = arith.select %parallel_loop3A_524, %parallel_loop3A_527, %parallel_loop3A_519 : vector<16xi1>, vector<16xi32>
        %parallel_loop3A_529 = arith.constant 240 : i32
        %parallel_loop3A_530 = vector.broadcast %parallel_loop3A_529 : i32 to vector<16xi32>
        %parallel_loop3A_531 = arith.addi %parallel_loop3A_528, %parallel_loop3A_530 : vector<16xi32>
        %parallel_loop3A_532 = tpu.vector_load_idx %arg6[%parallel_loop3A_531] : memref<65536xf32, #tpu.memory_space<vmem>>[vector<16xi32>], vector<16xf32>,
        %parallel_loop3A_533 = arith.cmpf olt, %parallel_loop3A_532, %parallel_loop3A_90 : vector<16xf32>
        %parallel_loop3A_534 = arith.constant 256 : i32
        %parallel_loop3A_535 = vector.broadcast %parallel_loop3A_534 : i32 to vector<16xi32>
        %parallel_loop3A_536 = arith.addi %parallel_loop3A_528, %parallel_loop3A_535 : vector<16xi32>
        %parallel_loop3A_537 = arith.select %parallel_loop3A_533, %parallel_loop3A_536, %parallel_loop3A_528 : vector<16xi1>, vector<16xi32>
        %parallel_loop3A_538 = arith.constant 112 : i32
        %parallel_loop3A_539 = vector.broadcast %parallel_loop3A_538 : i32 to vector<16xi32>
        %parallel_loop3A_540 = arith.addi %parallel_loop3A_537, %parallel_loop3A_539 : vector<16xi32>
        %parallel_loop3A_541 = tpu.vector_load_idx %arg6[%parallel_loop3A_540] : memref<65536xf32, #tpu.memory_space<vmem>>[vector<16xi32>], vector<16xf32>,
        %parallel_loop3A_542 = arith.cmpf olt, %parallel_loop3A_541, %parallel_loop3A_90 : vector<16xf32>
        %parallel_loop3A_543 = arith.constant 128 : i32
        %parallel_loop3A_544 = vector.broadcast %parallel_loop3A_543 : i32 to vector<16xi32>
        %parallel_loop3A_545 = arith.addi %parallel_loop3A_537, %parallel_loop3A_544 : vector<16xi32>
        %parallel_loop3A_546 = arith.select %parallel_loop3A_542, %parallel_loop3A_545, %parallel_loop3A_537 : vector<16xi1>, vector<16xi32>
        %parallel_loop3A_547 = arith.constant 48 : i32
        %parallel_loop3A_548 = vector.broadcast %parallel_loop3A_547 : i32 to vector<16xi32>
        %parallel_loop3A_549 = arith.addi %parallel_loop3A_546, %parallel_loop3A_548 : vector<16xi32>
        %parallel_loop3A_550 = tpu.vector_load_idx %arg6[%parallel_loop3A_549] : memref<65536xf32, #tpu.memory_space<vmem>>[vector<16xi32>], vector<16xf32>,
        %parallel_loop3A_551 = arith.cmpf olt, %parallel_loop3A_550, %parallel_loop3A_90 : vector<16xf32>
        %parallel_loop3A_552 = arith.constant 64 : i32
        %parallel_loop3A_553 = vector.broadcast %parallel_loop3A_552 : i32 to vector<16xi32>
        %parallel_loop3A_554 = arith.addi %parallel_loop3A_546, %parallel_loop3A_553 : vector<16xi32>
        %parallel_loop3A_555 = arith.select %parallel_loop3A_551, %parallel_loop3A_554, %parallel_loop3A_546 : vector<16xi1>, vector<16xi32>
        %parallel_loop3A_556 = arith.constant 16 : i32
        %parallel_loop3A_557 = vector.broadcast %parallel_loop3A_556 : i32 to vector<16xi32>
        %parallel_loop3A_558 = arith.addi %parallel_loop3A_555, %parallel_loop3A_557 : vector<16xi32>
        %parallel_loop3A_559 = tpu.vector_load_idx %arg6[%parallel_loop3A_558] : memref<65536xf32, #tpu.memory_space<vmem>>[vector<16xi32>], vector<16xf32>,
        %parallel_loop3A_560 = arith.cmpf olt, %parallel_loop3A_559, %parallel_loop3A_90 : vector<16xf32>
        %parallel_loop3A_561 = arith.constant 32 : i32
        %parallel_loop3A_562 = vector.broadcast %parallel_loop3A_561 : i32 to vector<16xi32>
        %parallel_loop3A_563 = arith.addi %parallel_loop3A_555, %parallel_loop3A_562 : vector<16xi32>
        %parallel_loop3A_564 = arith.select %parallel_loop3A_560, %parallel_loop3A_563, %parallel_loop3A_555 : vector<16xi1>, vector<16xi32>
        %parallel_loop3A_565 = tpu.vector_load_idx %arg6[%parallel_loop3A_564] : memref<65536xf32, #tpu.memory_space<vmem>>[vector<16xi32>], vector<16xf32>,
        %parallel_loop3A_566 = arith.cmpf olt, %parallel_loop3A_565, %parallel_loop3A_90 : vector<16xf32>
        %parallel_loop3A_567 = arith.constant 16 : i32
        %parallel_loop3A_568 = vector.broadcast %parallel_loop3A_567 : i32 to vector<16xi32>
        %parallel_loop3A_569 = arith.addi %parallel_loop3A_564, %parallel_loop3A_568 : vector<16xi32>
        %parallel_loop3A_570 = arith.select %parallel_loop3A_566, %parallel_loop3A_569, %parallel_loop3A_564 : vector<16xi1>, vector<16xi32>
        %parallel_loop3A_571 = arith.constant 65520 : i32
        %parallel_loop3A_572 = vector.broadcast %parallel_loop3A_571 : i32 to vector<16xi32>
        %parallel_loop3A_573 = arith.addi %parallel_loop3A_570, %parallel_loop3A_572 : vector<16xi32>
        %parallel_loop3A_574 = arith.constant 65535 : i32
        %parallel_loop3A_575 = vector.broadcast %parallel_loop3A_574 : i32 to vector<16xi32>
        %parallel_loop3A_576 = arith.andi %parallel_loop3A_573, %parallel_loop3A_575 : vector<16xi32>
        %parallel_loop3A_577 = arith.select %parallel_loop3A_566, %parallel_loop3A_570, %parallel_loop3A_576 : vector<16xi1>, vector<16xi32>
        %parallel_loop3A_578 = tpu.vector_load_idx %arg6[%parallel_loop3A_577] : memref<65536xf32, #tpu.memory_space<vmem>>[vector<16xi32>], vector<16xf32>,
        %parallel_loop3A_579 = arith.select %parallel_loop3A_566, %parallel_loop3A_578, %parallel_loop3A_565 : vector<16xi1>, vector<16xf32>
        %parallel_loop3A_580 = arith.select %parallel_loop3A_566, %parallel_loop3A_565, %parallel_loop3A_578 : vector<16xi1>, vector<16xf32>
        %parallel_loop3A_581 = arith.subf %parallel_loop3A_579, %parallel_loop3A_90 : vector<16xf32>
        %parallel_loop3A_582 = math.absf %parallel_loop3A_581 : vector<16xf32>
        %parallel_loop3A_583 = arith.subf %parallel_loop3A_90, %parallel_loop3A_580 : vector<16xf32>
        %parallel_loop3A_584 = math.absf %parallel_loop3A_583 : vector<16xf32>
        %parallel_loop3A_585 = arith.constant 4 : i32
        %parallel_loop3A_586 = vector.broadcast %parallel_loop3A_585 : i32 to vector<16xi32>
        %parallel_loop3A_587 = arith.shrsi %parallel_loop3A_570, %parallel_loop3A_586 : vector<16xi32>
        %parallel_loop3A_588 = arith.cmpf olt, %parallel_loop3A_584, %parallel_loop3A_582 : vector<16xf32>
        %parallel_loop3A_589 = arith.extui %parallel_loop3A_588 : vector<16xi1> to vector<16xi32>
        %parallel_loop3A_590 = arith.subi %parallel_loop3A_587, %parallel_loop3A_589 : vector<16xi32>
        %parallel_loop3A_591 = arith.constant 0 : i32
        %parallel_loop3A_592 = arith.addi %parallel_loop3A_74, %parallel_loop3A_591 : i32
        %parallel_loop3A_593 = arith.index_cast %parallel_loop3A_592 : i32 to index
        %parallel_loop3A_594 = tpu.vector_load %arg10[%parallel_loop3A_593] {strides = array<i32>} : memref<8192xi32, #tpu.memory_space<vmem>>, vector<16xi32>,
        tpu.vector_store %arg10[%parallel_loop3A_593], %parallel_loop3A_215 {strides = array<i32>} : memref<8192xi32, #tpu.memory_space<vmem>>, vector<16xi32>,
        %parallel_loop3A_595 = arith.constant 16 : i32
        %parallel_loop3A_596 = arith.addi %parallel_loop3A_74, %parallel_loop3A_595 : i32
        %parallel_loop3A_597 = arith.index_cast %parallel_loop3A_596 : i32 to index
        %parallel_loop3A_598 = tpu.vector_load %arg10[%parallel_loop3A_597] {strides = array<i32>} : memref<8192xi32, #tpu.memory_space<vmem>>, vector<16xi32>,
        tpu.vector_store %arg10[%parallel_loop3A_597], %parallel_loop3A_340 {strides = array<i32>} : memref<8192xi32, #tpu.memory_space<vmem>>, vector<16xi32>,
        %parallel_loop3A_599 = arith.constant 32 : i32
        %parallel_loop3A_600 = arith.addi %parallel_loop3A_74, %parallel_loop3A_599 : i32
        %parallel_loop3A_601 = arith.index_cast %parallel_loop3A_600 : i32 to index
        %parallel_loop3A_602 = tpu.vector_load %arg10[%parallel_loop3A_601] {strides = array<i32>} : memref<8192xi32, #tpu.memory_space<vmem>>, vector<16xi32>,
        tpu.vector_store %arg10[%parallel_loop3A_601], %parallel_loop3A_465 {strides = array<i32>} : memref<8192xi32, #tpu.memory_space<vmem>>, vector<16xi32>,
        %parallel_loop3A_603 = arith.constant 48 : i32
        %parallel_loop3A_604 = arith.addi %parallel_loop3A_74, %parallel_loop3A_603 : i32
        %parallel_loop3A_605 = arith.index_cast %parallel_loop3A_604 : i32 to index
        %parallel_loop3A_606 = tpu.vector_load %arg10[%parallel_loop3A_605] {strides = array<i32>} : memref<8192xi32, #tpu.memory_space<vmem>>, vector<16xi32>,
        tpu.vector_store %arg10[%parallel_loop3A_605], %parallel_loop3A_590 {strides = array<i32>} : memref<8192xi32, #tpu.memory_space<vmem>>, vector<16xi32>,
      } {sc.loop_unroll_factor = 1 : i64, sc.parallel_access}
      %add3A_67 = arith.constant 1 : i32
      %add3A_68 = arith.addi %mul3A_26, %add3A_67 : i32
      %mul3A_69 = arith.constant 8192 : i32
      %mul3A_70 = arith.muli %add3A_68, %mul3A_69 : i32
      %add3A_71 = arith.addi %mul3A_2, %mul3A_70 : i32
      %dma_start3A_72 = tpu.memref_slice %arg4[%add3A_71] : memref<16777216xi32, #tpu.memory_space<hbm>> -> memref<8192xi32, #tpu.memory_space<hbm>>
      %dma_start3A_73 = tpu.memref_slice %arg4[%add3A_71] : memref<16777216xi32, #tpu.memory_space<hbm>> -> memref<8192xi32, #tpu.memory_space<hbm>>
      tpu.enqueue_dma source(%arg10 : memref<8192xi32, #tpu.memory_space<vmem>>) target(%dma_start3A_73 : memref<8192xi32, #tpu.memory_space<hbm>>) target_semaphore(%arg14 : memref<!tpu.dma_semaphore, #tpu.memory_space<semaphore_mem>>)
    }
    %scan3A_16 = arith.constant 32 : i32
    %add3A_17 = arith.constant 507904 : i32
    %add3A_18 = arith.addi %mul3A_2, %add3A_17 : i32
    %dma_wait3A = tpu.memref_slice %arg4[%add3A_18] : memref<16777216xi32, #tpu.memory_space<hbm>> -> memref<8192xi32, #tpu.memory_space<hbm>>
    %dma_wait3A_19 = tpu.memref_slice %arg4[%add3A_18] : memref<16777216xi32, #tpu.memory_space<hbm>> -> memref<8192xi32, #tpu.memory_space<hbm>>
    tpu.wait_dma2 semaphore(%arg13 : memref<!tpu.dma_semaphore, #tpu.memory_space<semaphore_mem>>) src(%arg9 : memref<8192xi32, #tpu.memory_space<vmem>>) dst(%dma_wait3A_19 : memref<8192xi32, #tpu.memory_space<hbm>>)
    %add3A_20 = arith.constant 516096 : i32
    %add3A_21 = arith.addi %mul3A_2, %add3A_20 : i32
    %dma_wait3A_22 = tpu.memref_slice %arg4[%add3A_21] : memref<16777216xi32, #tpu.memory_space<hbm>> -> memref<8192xi32, #tpu.memory_space<hbm>>
    %dma_wait3A_23 = tpu.memref_slice %arg4[%add3A_21] : memref<16777216xi32, #tpu.memory_space<hbm>> -> memref<8192xi32, #tpu.memory_space<hbm>>
    tpu.wait_dma2 semaphore(%arg14 : memref<!tpu.dma_semaphore, #tpu.memory_space<semaphore_mem>>) src(%arg10 : memref<8192xi32, #tpu.memory_space<vmem>>) dst(%dma_wait3A_23 : memref<8192xi32, #tpu.memory_space<hbm>>)
    return
  }
}

</mosaic_0001>

<sc_bundles>
// kernel: kernel.3.cloned.1.call-start
scs
__scs_entry_jumppad:
0x0: {  	(pc) =	sbr.rel $0x88, $3  }
0x1: {  	(tag) =	ssettag $0x0;
	lr =	simm.s32 $0x1  }
0x2: {  	[smem:$0x3F9F] =	sst lr;
	_ =	strace $0xD0000000  }
0x3: {  	_ = 	snop  }
0x4: {  	_ = 	snop  }
0x5: {  	_ = 	snop  }
0x6: {  	_ = 	snop  }
0x7: {  	_ = 	snop  }
__scs_overlays_trampoline_lowered:
0x8: {  	[smem:$0x3FAE] =	sst s0  }
0x9: {  	[smem:$0x3FAF] =	sst s1  }
0xa: {  	[smem:$0x3FB0] =	sst s2  }
0xb: {  	[smem:$0x3FB1] =	sst s3  }
0xc: {  	[smem:$0x3FB2] =	sst s4  }
0xd: {  	[smem:$0x3FB3] =	sst s5  }
0xe: {  	[smem:$0x3FB4] =	sst s6  }
0xf: {  	[smem:$0x3FB5] =	sst s7  }
0x10: {  	[smem:$0x3FB6] =	sst s8  }
0x11: {  	[smem:$0x3FB7] =	sst s9;
	s0 =	simm.s32 @!p0 $0x0  }
0x12: {  	s1 =	sld [smem:$0x3F9D];
	s0 =	simm.s32 @p0 $0x1  }
0x13: {  	[smem:$0x3FB8] =	sst s0;
	s0 =	simm.s32 @!p1 $0x0  }
0x14: {  	s2 =	sld [smem:$0x3F9C];
	s0 =	simm.s32 @p1 $0x1  }
0x15: {  	[smem:$0x3FB9] =	sst s0;
	s0 =	simm.s32 @!p2 $0x0  }
0x16: {  	s3 =	sld [smem:$0x3FDB];
	s0 =	simm.s32 @p2 $0x1  }
0x17: {  	s4 =	simm.s32 $0x1BF5;
	[smem:$0x3FBB] =	sst s0  }
0x18: {  	s0 =	sld [smem:$0x3F9E];
	_ =	swait.ge [sflag:s4], $0x0  }
0x19: {  	s7 =	sld [smem:$0x3F9F]  }
0x1a: {  	s8 =	sadd.s32 $0xFFFFE003, lr  }
0x1b: {  	s9 =	sadd.s32 $0xFFFFFEF7, lr;
	s5 =	simm.s32 $0xFFFFFFFF;
	p2 =	slt.u32 s8, $0xFFFFF086  }
0x1c: {  	p1 =	slt.u32 s9, $0xF7A;
	s5 =	simm.s32 @!p2 $0x0  }
0x1d: {  	s5 =	simm.s32 @p1 $0x1;
	p0 =	seq.s32 s7, s2  }
0x1e: {  	s7 =	smul.u32 @!p0 $0xF7A, s2;
	p2 =	seq.s32 @!p0 s5, $0x0  }
0x1f: {  	s9 =	smul.u32 $0xF7A, s1;
	s8 =	simm.s32 @!p0 $0x1BF5;
	p2 =	por !p2, p0  }
0x20: {  	[sflag:s8] =	ssyncset.s32 @!p0 $0xFFFFF086;
	s6 =	sadd.s32 @!p0 s3, s7;
	s7 =	simm.s32 @!p0 $0x108  }
0x21: {  	s3 =	sadd.s32 s3, s9;
	s6 =	sadd.s32 @!p0 $0x88, s6;
	s7 =	simm.s32 @p2 $0x1082  }
0x22: {  	[simem:s7], [sflag:s8] =	dma.local @!p0 [hbm:s6], $0xF7A  }
0x23: {  	s9 =	sor.u32 $0xD0000000, s2;
	s6 =	simm.s32 $0x108;
	_ =	swait.ge @!p0 [sflag:s8], $0x0  }
0x24: {  	s3 =	sadd.s32 $0x88, s3;
	s6 =	simm.s32 @!p1 $0x1082;
	[sflag:s4] =	ssyncset.s32 $0xFFFFF086  }
0x25: {  	[simem:s6], [sflag:s4] =	dma.local [hbm:s3], $0xF7A  }
0x26: {  	[smem:$0x3F9F] =	sst s1;
	(tag) =	ssettag s2;
	_ =	strace s9  }
0x27: {  	s1 =	sld [smem:$0x3FAF]  }
0x28: {  	s2 =	sld [smem:$0x3FB0]  }
0x29: {  	s4 =	sld [smem:$0x3FB2]  }
0x2a: {  	p0 =	seq.s32 s5, $0x0;
	s5 =	sld [smem:$0x3FB3]  }
0x2b: {  	s6 =	sld [smem:$0x3FB4]  }
0x2c: {  	s7 =	sld [smem:$0x3FB5]  }
0x2d: {  	s3 =	simm.s32 $0x108;
	s8 =	sld [smem:$0x3FB6]  }
0x2e: {  	s3 =	simm.s32 @!p0 $0x1082;
	s9 =	sld [smem:$0x3FB7]  }
0x2f: {  	lr =	sadd.s32 s0, s3;
	s0 =	sld [smem:$0x3FAE]  }
0x30: {  	s3 =	sld [smem:$0x3FB1]  }
0x31: {  	[smem:$0x3FBA] =	sst s10  }
0x32: {  	s10 =	sld [smem:$0x3FB8];
	_ =	sdelay $0x3  }
0x33: {  	p0 =	seq.s32 s10, $0x1;
	s10 =	sld [smem:$0x3FBA];
	_ =	sdelay $0x3  }
0x34: {  	[smem:$0x3FBA] =	sst s10  }
0x35: {  	s10 =	sld [smem:$0x3FB9];
	_ =	sdelay $0x3  }
0x36: {  	p1 =	seq.s32 s10, $0x1;
	s10 =	sld [smem:$0x3FBA];
	_ =	sdelay $0x3  }
0x37: {  	[smem:$0x3FBA] =	sst s10  }
0x38: {  	s10 =	sld [smem:$0x3FBB]  }
0x39: {  	_ = 	snop;
	(pc) =	sbr.ind lr, $3  }
0x3a: {  	_ = 	snop  }
0x3b: {  	_ = 	snop  }
0x3c: {  	p2 =	seq.s32 s10, $0x1;
	s10 =	sld [smem:$0x3FBA]  }
0x3d: {  	_ =	shalt  }
0x3e: {  	_ =	shalt  }
0x3f: {  	_ =	shalt  }
0x40: {  	_ =	shalt  }
0x41: {  	_ =	shalt  }
0x42: {  	_ =	shalt  }
0x43: {  	_ =	shalt  }
0x44: {  	_ =	shalt  }
0x45: {  	_ =	shalt  }
0x46: {  	_ =	shalt  }
0x47: {  	_ =	shalt  }
0x48: {  	_ =	shalt  }
0x49: {  	_ =	shalt  }
0x4a: {  	_ =	shalt  }
0x4b: {  	_ =	shalt  }
0x4c: {  	_ =	shalt  }
0x4d: {  	_ =	shalt  }
0x4e: {  	_ =	shalt  }
0x4f: {  	_ =	shalt  }
0x50: {  	_ =	shalt  }
0x51: {  	_ =	shalt  }
0x52: {  	_ =	shalt  }
0x53: {  	_ =	shalt  }
0x54: {  	_ =	shalt  }
0x55: {  	_ =	shalt  }
0x56: {  	_ =	shalt  }
0x57: {  	_ =	shalt  }
0x58: {  	_ =	shalt  }
0x59: {  	_ =	shalt  }
0x5a: {  	_ =	shalt  }
0x5b: {  	_ =	shalt  }
0x5c: {  	_ =	shalt  }
0x5d: {  	_ =	shalt  }
0x5e: {  	_ =	shalt  }
0x5f: {  	_ =	shalt  }
0x60: {  	_ =	shalt  }
0x61: {  	_ =	shalt  }
0x62: {  	_ =	shalt  }
0x63: {  	_ =	shalt  }
0x64: {  	_ =	shalt  }
0x65: {  	_ =	shalt  }
0x66: {  	_ =	shalt  }
0x67: {  	_ =	shalt  }
0x68: {  	_ =	shalt  }
0x69: {  	_ =	shalt  }
0x6a: {  	_ =	shalt  }
0x6b: {  	_ =	shalt  }
0x6c: {  	_ =	shalt  }
0x6d: {  	_ =	shalt  }
0x6e: {  	_ =	shalt  }
0x6f: {  	_ =	shalt  }
0x70: {  	_ =	shalt  }
0x71: {  	_ =	shalt  }
0x72: {  	_ =	shalt  }
0x73: {  	_ =	shalt  }
0x74: {  	_ =	shalt  }
0x75: {  	_ =	shalt  }
0x76: {  	_ =	shalt  }
0x77: {  	_ =	shalt  }
0x78: {  	_ =	shalt  }
0x79: {  	_ =	shalt  }
0x7a: {  	_ =	shalt  }
0x7b: {  	_ =	shalt  }
0x7c: {  	_ =	shalt  }
0x7d: {  	_ =	shalt  }
0x7e: {  	_ =	shalt  }
0x7f: {  	_ =	shalt  }
0x80: {  	_ =	shalt  }
0x81: {  	_ =	shalt  }
0x82: {  	_ =	shalt  }
0x83: {  	_ =	shalt  }
0x84: {  	_ =	shalt  }
0x85: {  	_ =	shalt  }
0x86: {  	_ =	shalt  }
0x87: {  	_ =	shalt  }
.Lfunc_end0:
.L_simem_size_0:
called_computation_lowered:
.L_overlay_start_0:
0x88: {  	s2 =	sld [smem:$0x3FD9]  }
0x89: {  	s3 =	sld [smem:$0x3FFE];
	_ =	sdelay $0x1  }
0x8a: {  	s1 =	srdreg.scid  }
0x8b: {  	s0 =	sand.u32 $0x1, s1  }
0x8c: {  	s18 =	sshll.u32 s0, $0xA;
	s2 =	sadd.s32 s3, s2  }
0x8d: {  	s2 =	sadd.s32 s2, s18  }
0x8e: {  	[smem:$0x3FC6] =	sst s2  }
0x8f: {  	_ = 	snop  }
0x90: {  	s2 =	sld [smem:$0x3FC9]  }
0x91: {  	s19 =	sld [smem:$0x3FC8]  }
0x92: {  	s4 =	sld [smem:$0x3FD0];
	(tm) =	ssettm $0x1  }
0x93: {  	s5 =	sld [smem:$0x3FFB];
	_ =	sdelay $0x3  }
0x94: {  	_ =	strace s5  }
0x95: {  	s5 =	sld [smem:$0x3FFC];
	_ =	sdelay $0x3  }
0x96: {  	_ =	strace s5  }
0x97: {  	s5 =	sld [smem:$0x3FFD];
	_ =	sdelay $0x3  }
0x98: {  	_ =	strace s5  }
0x99: {  	_ =	strace $0x8FFFFFFF  }
0x9a: {  	s20 =	sld [smem:$0x3FDB];
	_ =	sdelay $0x1  }
0x9b: {  	s6 =	simm.s32 $_scs_section_size  }
0x9c: {  	s7 =	simm.s32 $_size__tile_overlayer_lowered;
	s8 =	simm.s32 $_tile_overlayer_lowered  }
0x9d: {  	s23 =	simm.s32 $0x1BFF;
	s22 =	sshll.u32 s8, $0x1;
	s5 =	sadd.s32 s6, s20  }
0x9e: {  	s9 =	simm.s32 $0x0;
	s21 =	sshll.u32 s7, $0x1;
	s7 =	sadd.s32 s22, s5  }
0x9f: {  	[timem:s9], [sflag:s23] =	dma.local [hbm:s7], s21  }
0xa0: {  	_ =	swait.ge [sflag:s23], s21  }
0xa1: {  	s6 =	ssub.s32 $0x0, s21;
	[sflag:s23] =	ssyncset.done $0x0  }
0xa2: {  	[sflag:s23] =	ssyncadd.s32 s6;
	_ =	sdelay $0x1  }
0xa3: {  	s24 =	simm.s32 $0x1B8B  }
0xa4: {  	_ =	swait.ge [sflag:s24], $0x1  }
0xa5: {  	[sflag:s24] =	ssyncset.done $0x0  }
0xa6: {  	s25 =	simm.s32 $0x1B8E;
	[sflag:s24] =	ssyncadd.s32 $0xFFFFFFFF  }
0xa7: {  	s26 =	simm.s32 $execute0_lowered;
	[smem:$0x3FD2] =	sst s25  }
0xa8: {  	s6 =	sshll.u32 s26, $0x1;
	_ =	strace $0x80000046;
	[dreg:$0x1] =	wrdreg $0xFFFFFFFF  }
0xa9: {  	s28 =	simm.s32 $_size_execute0_lowered;
	s5 =	sadd.s32 s5, s6;
	[dreg:$0x0] =	wrdreg $0x0  }
0xaa: {  	s6 =	sshll.u32 s28, $0x1;
	[dreg:$0x2] =	wrdreg s5  }
0xab: {  	[dreg:$0x3] =	wrdreg s6  }
0xac: {  	[dreg:$0x4] =	wrdreg $0xC0  }
0xad: {  	_ =	task [dreg:s9], $0x5FFFF  }
0xae: {  	[dreg:$0x1] =	wrdreg $0xFFFFFFFF  }
0xaf: {  	[dreg:$0x0] =	wrdreg $0x60  }
0xb0: {  	[dreg:$0x2] =	wrdreg s2  }
0xb1: {  	[dreg:$0x3] =	wrdreg s19  }
0xb2: {  	[dreg:$0x4] =	wrdreg s4  }
0xb3: {  	[dreg:$0x5] =	wrdreg $0x9  }
0xb4: {  	_ =	task.clear_ibuf [dreg:s9], $0x6FFFF;
	_ =	strace $0x90000046  }
0xb5: {  	s29 =	simm.s32 $0x9;
	_ =	strace $0x80000048  }
0xb6: {  	_ =	swait.ge [sflag:s29], $0x1  }
0xb7: {  	[sflag:s29] =	ssyncadd.s32 $0xFFFFFFFF  }
0xb8: {  	_ =	strace $0x90000048  }
0xb9: {  	_ =	sfence  }
0xba: {  	s30 =	sld [smem:$0x0];
	_ =	sdelay $0x2  }
0xbb: {  	s31 =	sshll.u32 s1, $0xD;
	s1 =	sshrl.u32 s1, $0x2  }
0xbc: {  	s3 =	sand.u32 $0x4000, s31;
	s1 =	sadd.s32 s1, s30  }
0xbd: {  	s0 =	sor.u32 s3, s0;
	s1 =	sshll.u32 s1, $0x11  }
0xbe: {  	s0 =	sor.u32 s1, s0  }
0xbf: {  	s0 =	sadd.s32 $0x8F2B, s0  }
0xc0: {  	[sflag:s0] =	ssyncadd.remote.s32 $0x1  }
0xc1: {  	_ =	sfence.sel $0xFFFF  }
0xc2: {  	[dreg:$0x0] =	wrdreg $0xFFFFFFFF;
	(pc) =	sbr.abs _section_cstart, $3  }
0xc3: {  	[dreg:$0x1] =	wrdreg $0xFFFFFFFF  }
0xc4: {  	_ =	task.clear_ibuf [dreg:s9], $0x2FFFF;
	_ =	strace $0x9FFFFFFF  }
0xc5: {  	(tm) =	ssettm $0x7FFFFFFF  }
tec
execute0_lowered:
.L_overlay_start_1:
0x0: {  	(tag) =	ssettag $0x1  }
0x1: {  	s1 =	rddreg [dreg:$0x0]  }
0x2: {  	s3 =	rddreg [dreg:$0x1]  }
0x3: {  	s4 =	rddreg [dreg:$0x2];
	s5 =	srdreg.scid  }
0x4: {  	s0 =	rddreg [dreg:$0x3];
	s2 =	stileid.u32;
	s10 =	simm.s32 $0x5  }
0x5: {  	s11 =	simm.s32 $0x11000;
	s12 =	simm.s32 $0x13000;
	s13 =	simm.s32 $0x1  }
0x6: {  	s14 =	simm.s32 $0x1000;
	s15 =	simm.s32 $0x15000;
	s16 =	simm.s32 $0x2  }
0x7: {  	v0 =	vlaneseq.u32;
	s17 =	simm.s32 $0x4;
	s18 =	simm.s32 $0x17000;
	s19 =	simm.s32 $0x3  }
0x8: {  	s20 =	simm.s32 $0x0;
	s6 =	sand.u32 $0x1, s5;
	s5 =	simm.s32 $0x0;
	v1 =	vor.u32 $0x7FF0, v0  }
0x9: {  	s7 =	sshll.u32 s2, $0x14;
	s8 =	sshll.u32 s6, $0x13;
	s9 =	ssub.s32 $0x2, s6  }
0xa: {  	[smem:$0x7FF] =	sst s5;
	s6 =	sor.u32 s8, s7;
	s31 =	sshrl.u32 s9, $0x1  }
0xb: {  	v5 =	vimm.s32 $0x0;
	_ =	strace $0x80000047;
	s8 =	sshrl.u32 s6, $0x3;
	s9 =	ssub.s32 s9, s31  }
0xc: {  	v2 =	vor.u32 $0x8000, v0;
	v3 =	vor.u32 $0x3FF0, v0;
	v4 =	vor.u32 $0x1FF0, v0;
	s7 =	sadd.s32 s1, s8;
	s8 =	sor.u32 $0x4000, s6;
	s9 =	smax.u32 s9, $0x1  }
.LBB2_1:
0xd: {  	[tilespmem:s5], [sflag:$0x5] =	stream.linear.gather [hbm4b:s3+s5], $0x1000, $0x38;
	[tilespmem:$0x19000] =	vst v63  }
0xe: {  	_ =	swait.ge [sflag:s10], $0x1000  }
0xf: {  	[sflag:s10] =	ssyncset.done $0x0  }
0x10: {  	s21 =	simm.s32 $0x0;
	[sflag:s10] =	ssyncadd.s32 $0xFFFFF000  }
0x11: {  	v6 =	vld [tilespmem:s21+$0x0];
	_ =	sdelay $0x4  }
0x12: {  	v7 =	vbroadcast v6, $0x0  }
0x13: {  	s21 =	simm.s32 $0x1080;
	v8 =	vbroadcast v6, $0x1  }
0x14: {  	v9 =	vbroadcast v6, $0x2;
	[tilespmem:s21+$0xFFFFFF80] =	vst v7  }
0x15: {  	v56 =	vbroadcast v6, $0x4;
	[tilespmem:s21+$0xFFFFFF90] =	vst v8  }
0x16: {  	v57 =	vbroadcast v6, $0x5;
	[tilespmem:s21+$0xFFFFFFA0] =	vst v9  }
0x17: {  	v58 =	vbroadcast v6, $0x7;
	[tilespmem:s21+$0xFFFFFFC0] =	vst v56  }
0x18: {  	v59 =	vbroadcast v6, $0x8;
	[tilespmem:s21+$0xFFFFFFD0] =	vst v57  }
0x19: {  	v60 =	vbroadcast v6, $0xA;
	[tilespmem:s21+$0xFFFFFFF0] =	vst v58  }
0x1a: {  	v7 =	vbroadcast v6, $0x3;
	[tilespmem:s21+$0x0] =	vst v59  }
0x1b: {  	v61 =	vbroadcast v6, $0xB;
	[tilespmem:s21+$0x20] =	vst v60  }
0x1c: {  	[tilespmem:s21+$0xFFFFFFB0] =	vst v7;
	v7 =	vbroadcast v6, $0x6  }
0x1d: {  	v62 =	vbroadcast v6, $0xD;
	[tilespmem:s21+$0x30] =	vst v61  }
0x1e: {  	[tilespmem:s21+$0xFFFFFFE0] =	vst v7;
	v7 =	vbroadcast v6, $0x9  }
0x1f: {  	v63 =	vbroadcast v6, $0xE;
	[tilespmem:s21+$0x50] =	vst v62  }
0x20: {  	[tilespmem:s21+$0x10] =	vst v7;
	v7 =	vbroadcast v6, $0xC  }
0x21: {  	[tilespmem:s21+$0x60] =	vst v63;
	v6 =	vbroadcast v6, $0xF  }
0x22: {  	[tilespmem:s21+$0x40] =	vst v7  }
0x23: {  	s23 =	simm.s32 $0x10;
	s22 =	simm.s32 $0x80;
	[tilespmem:s21+$0x70] =	vst v6  }
.LBB2_2:
0x24: {  	p0 =	sne.s32 s22, $0x3FC0;
	v6 =	vld [tilespmem:s23+$0x0];
	_ =	sdelay $0x4  }
0x25: {  	v7 =	vbroadcast v6, $0x0;
	v8 =	vbroadcast v6, $0x1  }
0x26: {  	s21 =	sadd.s32 $0x100, s21;
	v9 =	vbroadcast v6, $0x2;
	v10 =	vbroadcast v6, $0x3  }
0x27: {  	v11 =	vbroadcast v6, $0x5;
	[tilespmem:s21+$0xFFFFFF80] =	vst v7;
	v7 =	vbroadcast v6, $0x4  }
0x28: {  	v12 =	vbroadcast v6, $0x7;
	[tilespmem:s21+$0xFFFFFF90] =	vst v8;
	v8 =	vbroadcast v6, $0x6  }
0x29: {  	v13 =	vbroadcast v6, $0x9;
	[tilespmem:s21+$0xFFFFFFA0] =	vst v9;
	v9 =	vbroadcast v6, $0x8  }
0x2a: {  	v14 =	vbroadcast v6, $0xB;
	[tilespmem:s21+$0xFFFFFFB0] =	vst v10;
	v10 =	vbroadcast v6, $0xA  }
0x2b: {  	v15 =	vbroadcast v6, $0xD;
	[tilespmem:s21+$0xFFFFFFC0] =	vst v7;
	v7 =	vbroadcast v6, $0xC  }
0x2c: {  	[tilespmem:s21+$0xFFFFFFD0] =	vst v11;
	v11 =	vbroadcast v6, $0xE;
	v6 =	vbroadcast v6, $0xF  }
0x2d: {  	[tilespmem:s21+$0xFFFFFFE0] =	vst v8  }
0x2e: {  	[tilespmem:s21+$0xFFFFFFF0] =	vst v12  }
0x2f: {  	[tilespmem:s21+$0x0] =	vst v9  }
0x30: {  	[tilespmem:s21+$0x10] =	vst v13  }
0x31: {  	[tilespmem:s21+$0x20] =	vst v10  }
.Ltmp0:
0x32: {  	[tilespmem:s21+$0x30] =	vst v14;
	(pc) =	sbr.rel @p0 .LBB2_2-.Ltmp0, $4  }
0x33: {  	[tilespmem:s21+$0x40] =	vst v7  }
0x34: {  	[tilespmem:s21+$0x50] =	vst v15  }
0x35: {  	[tilespmem:s21+$0x60] =	vst v11  }
0x36: {  	s23 =	sshra.s32 s22, $0x2;
	s22 =	sadd.s32 $0x40, s22;
	[tilespmem:s21+$0x70] =	vst v6  }
0x37: {  	v6 =	vld [tilespmem:s23+$0x0];
	_ =	sdelay $0x4  }
0x38: {  	v7 =	vbroadcast v6, $0x0  }
0x39: {  	s21 =	sadd.s32 $0x100, s21;
	v8 =	vbroadcast v6, $0x1  }
0x3a: {  	v9 =	vbroadcast v6, $0x2;
	[tilespmem:s21+$0xFFFFFF80] =	vst v7  }
0x3b: {  	v56 =	vbroadcast v6, $0x4;
	[tilespmem:s21+$0xFFFFFF90] =	vst v8  }
0x3c: {  	v57 =	vbroadcast v6, $0x5;
	[tilespmem:s21+$0xFFFFFFA0] =	vst v9  }
0x3d: {  	v58 =	vbroadcast v6, $0x7;
	[tilespmem:s21+$0xFFFFFFC0] =	vst v56  }
0x3e: {  	v59 =	vbroadcast v6, $0x8;
	[tilespmem:s21+$0xFFFFFFD0] =	vst v57  }
0x3f: {  	v60 =	vbroadcast v6, $0xA;
	[tilespmem:s21+$0xFFFFFFF0] =	vst v58  }
0x40: {  	v7 =	vbroadcast v6, $0x3;
	[tilespmem:s21+$0x0] =	vst v59  }
0x41: {  	v61 =	vbroadcast v6, $0xB;
	[tilespmem:s21+$0x20] =	vst v60  }
0x42: {  	[tilespmem:s21+$0xFFFFFFB0] =	vst v7;
	v7 =	vbroadcast v6, $0x6  }
0x43: {  	v62 =	vbroadcast v6, $0xD;
	[tilespmem:s21+$0x30] =	vst v61  }
0x44: {  	[tilespmem:s21+$0xFFFFFFE0] =	vst v7;
	v7 =	vbroadcast v6, $0x9  }
0x45: {  	v63 =	vbroadcast v6, $0xE;
	[tilespmem:s21+$0x50] =	vst v62  }
0x46: {  	[tilespmem:s21+$0x10] =	vst v7;
	v7 =	vbroadcast v6, $0xC  }
0x47: {  	[tilespmem:s21+$0x60] =	vst v63;
	v6 =	vbroadcast v6, $0xF  }
0x48: {  	[tilespmem:s21+$0x40] =	vst v7  }
0x49: {  	[tilespmem:s21+$0x70] =	vst v6;
	s21 =	simm.s32 $0x0  }
0x4a: {  	[tilespmem:s11], [sflag:$0x1] =	stream.linear.gather [hbm4b:s7+s21], $0x2000, $0x38;
	[tilespmem:$0x19000] =	vst v63  }
.LBB2_4:
0x4b: {  	s23 =	sshll.u32 s21, $0xE  }
0x4c: {  	s22 =	sor.u32 s23, s6  }
0x4d: {  	s24 =	sshrl.u32 s22, $0x3  }
0x4e: {  	s22 =	sor.u32 $0x400, s24  }
0x4f: {  	s25 =	sadd.s32 s1, s22  }
0x50: {  	[tilespmem:s12], [sflag:$0x2] =	stream.linear.gather [hbm4b:s25+s5], $0x2000, $0x38;
	[tilespmem:$0x19000] =	vst v63  }
0x51: {  	_ =	swait.ge [sflag:s13], $0x2000  }
0x52: {  	p0 =	seq.s32 s21, $0x0;
	[sflag:s13] =	ssyncset.done $0x0  }
0x53: {  	s25 =	simm.s32 @!p0 $0x3;
	[sflag:s13] =	ssyncadd.s32 $0xFFFFE000  }
0x54: {  	_ =	swait.ge @!p0 [sflag:s25], $0x2000  }
0x55: {  	[sflag:s25] =	ssyncset.done @!p0 $0x0  }
0x56: {  	[sflag:s25] =	ssyncadd.s32 @!p0 $0xFFFFE000  }
0x57: {  	s30 =	simm.s32 $0x11020;
	v6 =	vld.idx.msk [tilespmem:v1+s14+$0x0], $0xffff  }
0x58: {  	v14 =	vld [tilespmem:s30+$0x10];
	_ =	sdelay $0x3  }
0x59: {  	v19 =	vld [tilespmem:s30+$0xFFFFFFE0]  }
0x5a: {  	v18 =	vld [tilespmem:s30+$0xFFFFFFF0];
	vm0 =	vlt.f32 v6, v14  }
0x5b: {  	v17 =	vld [tilespmem:s30+$0x0];
	v7 =	vsel vm0, v2, v0  }
0x5c: {  	v8 =	vand.u32 $0x8000, v7  }
0x5d: {  	v8 =	vor.u32 v3, v8  }
0x5e: {  	vm13 =	vlt.f32 v6, v19  }
0x5f: {  	vm1 =	vlt.f32 v6, v18;
	v9 =	vsel vm13, v2, v0  }
0x60: {  	vm14 =	vlt.f32 v6, v17;
	v6 =	vsel vm1, v2, v0;
	v10 =	vand.u32 $0x8000, v9  }
0x61: {  	v12 =	vand.u32 $0x8000, v6;
	v10 =	vor.u32 v3, v10  }
0x62: {  	v11 =	vsel vm14, v2, v0;
	v12 =	vor.u32 v3, v12;
	v8 =	vld.idx.msk [tilespmem:v8+s14+$0x0], $0xffff  }
0x63: {  	v13 =	vand.u32 $0x8000, v11  }
0x64: {  	v13 =	vor.u32 v3, v13;
	_ =	sdelay $0x1  }
0x65: {  	v10 =	vld.idx.msk [tilespmem:v10+s14+$0x0], $0xffff  }
0x66: {  	v15 =	vor.u32 $0x4000, v7;
	v12 =	vld.idx.msk [tilespmem:v12+s14+$0x0], $0xffff;
	vm15 =	vlt.f32 v8, v14  }
0x67: {  	v7 =	vsel vm15, v15, v7  }
0x68: {  	v13 =	vld.idx.msk [tilespmem:v13+s14+$0x0], $0xffff;
	v8 =	vand.u32 $0xC000, v7  }
0x69: {  	v8 =	vor.u32 v4, v8;
	_ =	sdelay $0x1  }
0x6a: {  	v16 =	vor.u32 $0x4000, v6;
	vm4 =	vlt.f32 v10, v19;
	vm5 =	vlt.f32 v12, v18  }
0x6b: {  	v10 =	vor.u32 $0x4000, v11;
	v15 =	vor.u32 $0x4000, v9;
	v6 =	vsel vm5, v16, v6  }
0x6c: {  	vm6 =	vlt.f32 v13, v17;
	v9 =	vsel vm4, v15, v9;
	v13 =	vand.u32 $0xC000, v6  }
0x6d: {  	v10 =	vsel vm6, v10, v11;
	v12 =	vand.u32 $0xC000, v9;
	v11 =	vor.u32 v4, v13;
	v8 =	vld.idx.msk [tilespmem:v8+s14+$0x0], $0xffff  }
0x6e: {  	v13 =	vand.u32 $0xC000, v10;
	v12 =	vor.u32 v4, v12  }
0x6f: {  	v13 =	vor.u32 v4, v13;
	_ =	sdelay $0x2  }
0x70: {  	v11 =	vld.idx.msk [tilespmem:v11+s14+$0x0], $0xffff;
	vm7 =	vlt.f32 v8, v14;
	v8 =	vor.u32 $0x2000, v7  }
0x71: {  	v12 =	vld.idx.msk [tilespmem:v12+s14+$0x0], $0xffff;
	v7 =	vsel vm7, v8, v7  }
0x72: {  	v13 =	vld.idx.msk [tilespmem:v13+s14+$0x0], $0xffff;
	v8 =	vor.u32 $0xFF0, v7;
	_ =	sdelay $0x3  }
0x73: {  	v15 =	vor.u32 $0x2000, v9;
	vm9 =	vlt.f32 v11, v18;
	vm8 =	vlt.f32 v12, v19  }
0x74: {  	v11 =	vor.u32 $0x2000, v10;
	vm10 =	vlt.f32 v13, v17;
	v9 =	vsel vm8, v15, v9;
	v8 =	vld.idx.msk [tilespmem:v8+s14+$0x0], $0xffff  }
0x75: {  	v12 =	vor.u32 $0x2000, v6;
	v10 =	vsel vm10, v11, v10;
	v15 =	vor.u32 $0xFF0, v9  }
0x76: {  	v6 =	vsel vm9, v12, v6;
	v11 =	vor.u32 $0xFF0, v10  }
0x77: {  	v12 =	vor.u32 $0xFF0, v6;
	_ =	sdelay $0x1  }
0x78: {  	vm11 =	vlt.f32 v8, v14;
	v8 =	vor.u32 $0x1000, v7  }
0x79: {  	v13 =	vld.idx.msk [tilespmem:v15+s14+$0x0], $0xffff;
	v7 =	vsel vm11, v8, v7  }
0x7a: {  	v11 =	vld.idx.msk [tilespmem:v11+s14+$0x0], $0xffff;
	v8 =	vadd.s32 $0x7F0, v7  }
0x7b: {  	v12 =	vld.idx.msk [tilespmem:v12+s14+$0x0], $0xffff;
	_ =	sdelay $0x2  }
0x7c: {  	v16 =	vor.u32 $0x1000, v10  }
0x7d: {  	v15 =	vor.u32 $0x1000, v9;
	vm12 =	vlt.f32 v13, v19;
	vm14 =	vlt.f32 v11, v17;
	v8 =	vld.idx.msk [tilespmem:v8+s14+$0x0], $0xffff  }
0x7e: {  	v13 =	vor.u32 $0x1000, v6;
	vm13 =	vlt.f32 v12, v18;
	v10 =	vsel vm14, v16, v10  }
0x7f: {  	v9 =	vsel vm12, v15, v9;
	v6 =	vsel vm13, v13, v6;
	v13 =	vadd.s32 $0x7F0, v10  }
0x80: {  	v11 =	vadd.s32 $0x7F0, v9  }
0x81: {  	v12 =	vadd.s32 $0x7F0, v6  }
0x82: {  	vm15 =	vlt.f32 v8, v14;
	v8 =	vadd.s32 $0x800, v7  }
0x83: {  	v7 =	vsel vm15, v8, v7  }
0x84: {  	v13 =	vld.idx.msk [tilespmem:v13+s14+$0x0], $0xffff;
	v8 =	vadd.s32 $0x3F0, v7  }
0x85: {  	v11 =	vld.idx.msk [tilespmem:v11+s14+$0x0], $0xffff  }
0x86: {  	v12 =	vld.idx.msk [tilespmem:v12+s14+$0x0], $0xffff;
	_ =	sdelay $0x2  }
0x87: {  	v15 =	vadd.s32 $0x800, v9;
	v16 =	vadd.s32 $0x800, v10;
	vm6 =	vlt.f32 v13, v17;
	v8 =	vld.idx.msk [tilespmem:v8+s14+$0x0], $0xffff  }
0x88: {  	vm4 =	vlt.f32 v11, v19;
	v11 =	vadd.s32 $0x800, v6;
	v10 =	vsel vm6, v16, v10  }
0x89: {  	vm5 =	vlt.f32 v12, v18;
	v15 =	vsel vm4, v15, v9;
	v16 =	vadd.s32 $0x3F0, v10  }
0x8a: {  	s31 =	simm.s32 $0x11060;
	v12 =	vld.idx.msk [tilespmem:v1+s14+$0x0], $0xffff;
	v11 =	vsel vm5, v11, v6;
	v13 =	vadd.s32 $0x3F0, v15  }
0x8b: {  	v9 =	vld [tilespmem:s31+$0x10];
	v6 =	vadd.s32 $0x3F0, v11  }
0x8c: {  	vm7 =	vlt.f32 v8, v14;
	v8 =	vadd.s32 $0x400, v7  }
0x8d: {  	v20 =	vsel vm7, v8, v7  }
0x8e: {  	v16 =	vld.idx.msk [tilespmem:v16+s14+$0x0], $0xffff;
	v7 =	vadd.s32 $0x1F0, v20  }
0x8f: {  	v8 =	vld.idx.msk [tilespmem:v13+s14+$0x0], $0xffff  }
0x90: {  	vm8 =	vlt.f32 v12, v9;
	v13 =	vld.idx.msk [tilespmem:v6+s14+$0x0], $0xffff  }
0x91: {  	v21 =	vsel vm8, v2, v0  }
0x92: {  	v22 =	vand.u32 $0x8000, v21;
	v6 =	vld [tilespmem:s31+$0xFFFFFFE0]  }
0x93: {  	v22 =	vor.u32 v3, v22;
	v23 =	vld.idx.msk [tilespmem:v7+s14+$0x0], $0xffff  }
0x94: {  	v24 =	vadd.s32 $0x400, v15;
	v25 =	vadd.s32 $0x400, v11;
	vm9 =	vlt.f32 v8, v19;
	v7 =	vld [tilespmem:s31+$0xFFFFFFF0]  }
0x95: {  	vm11 =	vlt.f32 v16, v17;
	vm10 =	vlt.f32 v13, v18;
	v15 =	vsel vm9, v24, v15  }
0x96: {  	v13 =	vadd.s32 $0x400, v10;
	v8 =	vld [tilespmem:s31+$0x0];
	v11 =	vsel vm10, v25, v11;
	v16 =	vadd.s32 $0x1F0, v15  }
0x97: {  	vm12 =	vlt.f32 v12, v6;
	v10 =	vsel vm11, v13, v10;
	v13 =	vadd.s32 $0x1F0, v11  }
0x98: {  	v22 =	vld.idx.msk [tilespmem:v22+s14+$0x0], $0xffff;
	v24 =	vadd.s32 $0x200, v20;
	v25 =	vadd.s32 $0x1F0, v10;
	vm13 =	vlt.f32 v23, v14  }
0x99: {  	vm2 =	vlt.f32 v12, v7;
	v23 =	vsel vm12, v2, v0;
	v20 =	vsel vm13, v24, v20  }
0x9a: {  	v24 =	vsel vm2, v2, v0;
	v26 =	vand.u32 $0x8000, v23;
	v27 =	vadd.s32 $0xF0, v20  }
0x9b: {  	vm14 =	vlt.f32 v12, v8;
	v16 =	vld.idx.msk [tilespmem:v16+s14+$0x0], $0xffff;
	v12 =	vand.u32 $0x8000, v24;
	v26 =	vor.u32 v3, v26  }
0x9c: {  	v28 =	vsel vm14, v2, v0;
	v13 =	vld.idx.msk [tilespmem:v13+s14+$0x0], $0xffff;
	v12 =	vor.u32 v3, v12  }
0x9d: {  	v29 =	vor.u32 $0x4000, v21;
	vm15 =	vlt.f32 v22, v9;
	v30 =	vand.u32 $0x8000, v28;
	v25 =	vld.idx.msk [tilespmem:v25+s14+$0x0], $0xffff  }
0x9e: {  	v21 =	vsel vm15, v29, v21;
	v22 =	vor.u32 v3, v30  }
0x9f: {  	v31 =	vadd.s32 $0x200, v11;
	v29 =	vand.u32 $0xC000, v21;
	v27 =	vld.idx.msk [tilespmem:v27+s14+$0x0], $0xffff  }
0xa0: {  	v29 =	vor.u32 v4, v29;
	vm4 =	vlt.f32 v16, v19;
	v16 =	vadd.s32 $0x200, v15;
	v26 =	vld.idx.msk [tilespmem:v26+s14+$0x0], $0xffff  }
0xa1: {  	v30 =	vor.u32 $0x4000, v23;
	vm5 =	vlt.f32 v13, v18;
	v15 =	vsel vm4, v16, v15;
	v12 =	vld.idx.msk [tilespmem:v12+s14+$0x0], $0xffff  }
0xa2: {  	v13 =	vadd.s32 $0x200, v10;
	vm6 =	vlt.f32 v25, v17;
	v16 =	vadd.s32 $0xF0, v15  }
0xa3: {  	v25 =	vor.u32 $0x4000, v24;
	v22 =	vld.idx.msk [tilespmem:v22+s14+$0x0], $0xffff;
	v11 =	vsel vm5, v31, v11;
	v10 =	vsel vm6, v13, v10  }
0xa4: {  	v13 =	vadd.s32 $0xF0, v11;
	v31 =	vadd.s32 $0xF0, v10;
	vm7 =	vlt.f32 v27, v14  }
0xa5: {  	v27 =	vld.idx.msk [tilespmem:v29+s14+$0x0], $0xffff;
	v29 =	vadd.s32 $0x100, v20;
	vm8 =	vlt.f32 v26, v6;
	v26 =	vor.u32 $0x4000, v28  }
0xa6: {  	v20 =	vsel vm7, v29, v20;
	v23 =	vsel vm8, v30, v23;
	vm9 =	vlt.f32 v12, v7  }
0xa7: {  	v16 =	vld.idx.msk [tilespmem:v16+s14+$0x0], $0xffff;
	v12 =	vadd.s32 $0x70, v20;
	v29 =	vand.u32 $0xC000, v23;
	v24 =	vsel vm9, v25, v24  }
0xa8: {  	vm10 =	vlt.f32 v22, v8;
	v22 =	vor.u32 v4, v29;
	v25 =	vand.u32 $0xC000, v24  }
0xa9: {  	v26 =	vsel vm10, v26, v28;
	v13 =	vld.idx.msk [tilespmem:v13+s14+$0x0], $0xffff;
	v25 =	vor.u32 v4, v25  }
0xaa: {  	v28 =	vand.u32 $0xC000, v26;
	v29 =	vld.idx.msk [tilespmem:v31+s14+$0x0], $0xffff;
	vm11 =	vlt.f32 v27, v9;
	v27 =	vor.u32 $0x2000, v21  }
0xab: {  	v28 =	vor.u32 v4, v28;
	v21 =	vsel vm11, v27, v21  }
0xac: {  	vm12 =	vlt.f32 v16, v19;
	v16 =	vadd.s32 $0x100, v15;
	v12 =	vld.idx.msk [tilespmem:v12+s14+$0x0], $0xffff;
	v27 =	vor.u32 $0xFF0, v21  }
0xad: {  	v15 =	vsel vm12, v16, v15;
	v22 =	vld.idx.msk [tilespmem:v22+s14+$0x0], $0xffff  }
0xae: {  	v30 =	vadd.s32 $0x100, v11;
	vm13 =	vlt.f32 v13, v18;
	v16 =	vadd.s32 $0x70, v15;
	v25 =	vld.idx.msk [tilespmem:v25+s14+$0x0], $0xffff  }
0xaf: {  	v13 =	vadd.s32 $0x100, v10;
	v11 =	vsel vm13, v30, v11;
	vm14 =	vlt.f32 v29, v17  }
0xb0: {  	v30 =	vor.u32 $0x2000, v23;
	v28 =	vld.idx.msk [tilespmem:v28+s14+$0x0], $0xffff;
	v29 =	vadd.s32 $0x70, v11;
	v10 =	vsel vm14, v13, v10  }
0xb1: {  	v13 =	vld.idx.msk [tilespmem:v27+s14+$0x0], $0xffff;
	v27 =	vadd.s32 $0x70, v10;
	vm15 =	vlt.f32 v12, v14;
	v12 =	vadd.s32 $0x80, v20  }
0xb2: {  	v12 =	vsel vm15, v12, v20;
	vm4 =	vlt.f32 v22, v6;
	v20 =	vor.u32 $0x2000, v24  }
0xb3: {  	v16 =	vld.idx.msk [tilespmem:v16+s14+$0x0], $0xffff;
	v22 =	vadd.s32 $0x30, v12;
	vm5 =	vlt.f32 v25, v7;
	v23 =	vsel vm4, v30, v23  }
0xb4: {  	v20 =	vsel vm5, v20, v24;
	v24 =	vor.u32 $0xFF0, v23  }
0xb5: {  	vm6 =	vlt.f32 v28, v8;
	v28 =	vld.idx.msk [tilespmem:v29+s14+$0x0], $0xffff;
	v25 =	vor.u32 $0x2000, v26;
	v29 =	vor.u32 $0xFF0, v20  }
0xb6: {  	v25 =	vsel vm6, v25, v26;
	v26 =	vld.idx.msk [tilespmem:v27+s14+$0x0], $0xffff;
	vm7 =	vlt.f32 v13, v9;
	v13 =	vor.u32 $0x1000, v21  }
0xb7: {  	v27 =	vor.u32 $0xFF0, v25;
	v13 =	vsel vm7, v13, v21  }
0xb8: {  	vm8 =	vlt.f32 v16, v19;
	v16 =	vadd.s32 $0x80, v15;
	v21 =	vld.idx.msk [tilespmem:v22+s14+$0x0], $0xffff;
	v22 =	vadd.s32 $0x7F0, v13  }
0xb9: {  	v15 =	vsel vm8, v16, v15;
	v24 =	vld.idx.msk [tilespmem:v24+s14+$0x0], $0xffff  }
0xba: {  	v30 =	vadd.s32 $0x80, v11;
	vm9 =	vlt.f32 v28, v18;
	v28 =	vld.idx.msk [tilespmem:v29+s14+$0x0], $0xffff;
	v29 =	vadd.s32 $0x30, v15  }
0xbb: {  	v16 =	vadd.s32 $0x80, v10;
	v30 =	vsel vm9, v30, v11;
	vm10 =	vlt.f32 v26, v17  }
0xbc: {  	v11 =	vld.idx.msk [tilespmem:v27+s14+$0x0], $0xffff;
	v26 =	vadd.s32 $0x30, v30;
	v16 =	vsel vm10, v16, v10  }
0xbd: {  	v10 =	vld.idx.msk [tilespmem:v22+s14+$0x0], $0xffff;
	v22 =	vadd.s32 $0x30, v16  }
0xbe: {  	v31 =	vor.u32 $0x1000, v25;
	vm11 =	vlt.f32 v21, v14;
	v21 =	vadd.s32 $0x40, v12  }
0xbf: {  	v12 =	vsel vm11, v21, v12;
	v21 =	vor.u32 $0x1000, v23;
	vm12 =	vlt.f32 v24, v6;
	v29 =	vld.idx.msk [tilespmem:v29+s14+$0x0], $0xffff  }
0xc0: {  	v24 =	vor.u32 $0x1000, v20;
	v27 =	vadd.s32 $0x10, v12;
	v21 =	vsel vm12, v21, v23  }
0xc1: {  	vm13 =	vlt.f32 v28, v7;
	vm14 =	vlt.f32 v11, v8;
	v23 =	vld.idx.msk [tilespmem:v26+s14+$0x0], $0xffff;
	v26 =	vadd.s32 $0x7F0, v21  }
0xc2: {  	s28 =	simm.s32 $0x110A0;
	v20 =	vsel vm13, v24, v20;
	v22 =	vld.idx.msk [tilespmem:v22+s14+$0x0], $0xffff;
	vm15 =	vlt.f32 v10, v9;
	v10 =	vadd.s32 $0x800, v13  }
0xc3: {  	v11 =	vld [tilespmem:s28+$0xFFFFFFE0];
	v24 =	vsel vm14, v31, v25;
	v28 =	vadd.s32 $0x7F0, v20;
	v31 =	vsel vm15, v10, v13  }
0xc4: {  	v25 =	vld.idx.msk [tilespmem:v1+s14+$0x0], $0xffff;
	v13 =	vadd.s32 $0x7F0, v24;
	vm4 =	vlt.f32 v29, v19;
	v29 =	vadd.s32 $0x40, v15  }
0xc5: {  	v27 =	vld.idx.msk [tilespmem:v27+s14+$0x0], $0xffff;
	v32 =	vadd.s32 $0x3F0, v31;
	v15 =	vsel vm4, v29, v15  }
0xc6: {  	v33 =	vadd.s32 $0x40, v30;
	vm5 =	vlt.f32 v23, v18;
	v26 =	vld.idx.msk [tilespmem:v26+s14+$0x0], $0xffff;
	v29 =	vadd.s32 $0x10, v15  }
0xc7: {  	v10 =	vld [tilespmem:s28+$0xFFFFFFF0];
	v23 =	vadd.s32 $0x40, v16;
	v30 =	vsel vm5, v33, v30;
	vm6 =	vlt.f32 v22, v17  }
0xc8: {  	v22 =	vld.idx.msk [tilespmem:v28+s14+$0x0], $0xffff;
	v28 =	vadd.s32 $0x10, v30;
	v16 =	vsel vm6, v23, v16  }
0xc9: {  	v59 =	vadd.s32 $0x800, v24;
	v13 =	vld.idx.msk [tilespmem:v13+s14+$0x0], $0xffff;
	v23 =	vadd.s32 $0x10, v16  }
0xca: {  	v61 =	vadd.s32 $0x400, v31;
	vm7 =	vlt.f32 v27, v14;
	v27 =	vadd.s32 $0x20, v12;
	v32 =	vld.idx.msk [tilespmem:v32+s14+$0x0], $0xffff  }
0xcb: {  	v27 =	vsel vm7, v27, v12;
	v12 =	vadd.s32 $0x800, v21;
	vm9 =	vlt.f32 v26, v6;
	v29 =	vld.idx.msk [tilespmem:v29+s14+$0x0], $0xffff  }
0xcc: {  	vm8 =	vlt.f32 v25, v11;
	vm0 =	vlt.f32 v25, v10;
	v21 =	vsel vm9, v12, v21;
	v12 =	vld [tilespmem:s28+$0x0]  }
0xcd: {  	v26 =	vadd.s32 $0x800, v20;
	v28 =	vld.idx.msk [tilespmem:v28+s14+$0x0], $0xffff;
	vm3 =	vlt.f32 v22, v7;
	v41 =	vadd.s32 $0x400, v21  }
0xce: {  	vm10 =	vlt.f32 v13, v8;
	v20 =	vsel vm3, v26, v20;
	v22 =	vld.idx.msk [tilespmem:v23+s14+$0x0], $0xffff;
	v23 =	vadd.s32 $0x3F0, v21  }
0xcf: {  	v13 =	vld [tilespmem:s28+$0x10];
	v24 =	vsel vm10, v59, v24;
	v26 =	vadd.s32 $0x3F0, v20;
	vm11 =	vlt.f32 v32, v9  }
0xd0: {  	v42 =	vadd.s32 $0x400, v20;
	v34 =	vadd.s32 $0x3F0, v24;
	v31 =	vsel vm11, v61, v31  }
0xd1: {  	v60 =	vld.idx.msk [tilespmem:v27+s14+$0x0], $0xffff;
	vm12 =	vlt.f32 v29, v19;
	v29 =	vadd.s32 $0x20, v15;
	v32 =	vadd.s32 $0x1F0, v31  }
0xd2: {  	vm4 =	vlt.f32 v25, v12;
	v15 =	vsel vm12, v29, v15;
	vm13 =	vlt.f32 v28, v18  }
0xd3: {  	v28 =	vadd.s32 $0x20, v30;
	v29 =	vsel vm8, v2, v0;
	v36 =	vsel vm4, v2, v0  }
0xd4: {  	v28 =	vsel vm13, v28, v30;
	vm8 =	vlt.f32 v25, v13;
	v40 =	vand.u32 $0x8000, v29  }
0xd5: {  	vm14 =	vlt.f32 v22, v17;
	v22 =	vadd.s32 $0x20, v16;
	v26 =	vld.idx.msk [tilespmem:v26+s14+$0x0], $0xffff;
	v40 =	vor.u32 v3, v40  }
0xd6: {  	v16 =	vsel vm14, v22, v16;
	v22 =	vld.idx.msk [tilespmem:v23+s14+$0x0], $0xffff;
	vm15 =	vlt.f32 v60, v14;
	v23 =	vadd.s32 $0x10, v27  }
0xd7: {  	v30 =	vsel vm0, v2, v0;
	v50 =	vadd.s32 $0x10, v15;
	v25 =	vsel vm15, v23, v27;
	v27 =	vld.idx.msk [tilespmem:v34+s14+$0x0], $0xffff  }
0xd8: {  	v59 =	vor.u32 $0x4000, v29;
	v62 =	vsel vm8, v2, v0;
	v43 =	vadd.s32 $0x10, v28;
	v32 =	vld.idx.msk [tilespmem:v32+s14+$0x0], $0xffff  }
0xd9: {  	v37 =	vor.u32 $0x4000, v62;
	v38 =	vand.u32 $0x8000, v62;
	v35 =	vadd.s32 $0xFFF0, v25;
	v39 =	vld.idx.msk [tilespmem:v15+s14+$0x0], $0xffff  }
0xda: {  	v63 =	vor.u32 v3, v38;
	v44 =	vadd.s32 $0x10, v16;
	v35 =	vand.u32 $0xFFFF, v35;
	v38 =	vld.idx.msk [tilespmem:v28+s14+$0x0], $0xffff  }
0xdb: {  	v23 =	vsel vm15, v23, v35;
	vm10 =	vlt.f32 v26, v7;
	v40 =	vld.idx.msk [tilespmem:v40+s14+$0x0], $0xffff;
	vm9 =	vlt.f32 v22, v6  }
0xdc: {  	v26 =	vadd.s32 $0x400, v24;
	v22 =	vld.idx.msk [tilespmem:v16+s14+$0x0], $0xffff;
	v20 =	vsel vm10, v42, v20;
	v21 =	vsel vm9, v41, v21  }
0xdd: {  	vm11 =	vlt.f32 v27, v8;
	v48 =	vadd.s32 $0x1F0, v20;
	vm12 =	vlt.f32 v32, v9  }
0xde: {  	v61 =	vadd.s32 $0x200, v20;
	v27 =	vadd.s32 $0x1F0, v21;
	v24 =	vsel vm11, v26, v24  }
0xdf: {  	v26 =	vadd.s32 $0x200, v31;
	vm2 =	vlt.f32 v39, v19;
	vm1 =	vlt.f32 v38, v18  }
0xe0: {  	v49 =	vadd.s32 $0x1F0, v24;
	v15 =	vsel vm2, v50, v15;
	v23 =	vld.idx.msk [tilespmem:v23+s14+$0x0], $0xffff;
	v28 =	vsel vm1, v43, v28  }
0xe1: {  	vm9 =	vlt.f32 v40, v11;
	vm0 =	vlt.f32 v22, v17;
	v46 =	vadd.s32 $0xFFF0, v28  }
0xe2: {  	v29 =	vsel vm9, v59, v29;
	v45 =	vsel vm0, v44, v16;
	v16 =	vadd.s32 $0xFFF0, v15  }
0xe3: {  	v46 =	vand.u32 $0xFFFF, v46;
	v55 =	vld.idx.msk [tilespmem:v48+s14+$0x0], $0xffff;
	v48 =	vor.u32 $0x4000, v36;
	v47 =	vadd.s32 $0xFFF0, v45  }
0xe4: {  	v16 =	vand.u32 $0xFFFF, v16;
	v52 =	vsel vm1, v43, v46;
	v54 =	vld.idx.msk [tilespmem:v27+s14+$0x0], $0xffff;
	v27 =	vand.u32 $0x8000, v36  }
0xe5: {  	v32 =	vsel vm2, v50, v16;
	v16 =	vld.idx.msk [tilespmem:v63+s14+$0x0], $0xffff;
	v51 =	vsel vm15, v23, v60;
	v23 =	vsel vm15, v60, v23  }
0xe6: {  	v57 =	vor.u32 v3, v27;
	v35 =	vsub.f32 v51, v14;
	v14 =	vsub.f32 v14, v23  }
0xe7: {  	v56 =	vld.idx.msk [tilespmem:v49+s14+$0x0], $0xffff;
	v60 =	vadd.s32 $0x200, v21;
	v23 =	vsel vm12, v26, v31;
	v26 =	vand.u32 $0x8000, v30  }
0xe8: {  	v53 =	vadd.s32 $0xF0, v23;
	v35 =	vand.u32 $0x7FFFFFFF, v35;
	v14 =	vand.u32 $0x7FFFFFFF, v14  }
0xe9: {  	v26 =	vor.u32 v3, v26;
	vm15 =	vlt.f32 v54, v6;
	vm13 =	vlt.f32 v14, v35  }
0xea: {  	v14 =	vshrl.u32 v25, $0x4;
	vm14 =	vlt.f32 v16, v13;
	v16 =	vshrl.u32 v15, $0x4  }
0xeb: {  	v15 =	vshrl.u32 v28, $0x4;
	v21 =	vsel vm15, v60, v21;
	v25 =	vsel vm13, $0xFFFFFFFF, v5  }
0xec: {  	vm7 =	vlt.f32 v56, v8;
	v27 =	vadd.s32 v25, v14;
	v25 =	vsel vm14, v37, v62  }
0xed: {  	v43 =	vadd.s32 $0xF0, v21;
	v62 =	vadd.s32 $0x200, v24;
	v28 =	vand.u32 $0xC000, v25;
	v58 =	vld.idx.msk [tilespmem:v53+s14+$0x0], $0xffff  }
0xee: {  	vm6 =	vlt.f32 v55, v7;
	v42 =	vld.idx.msk [tilespmem:v57+s14+$0x0], $0xffff;
	v24 =	vsel vm7, v62, v24;
	v28 =	vor.u32 v4, v28  }
0xef: {  	v47 =	vand.u32 $0xFFFF, v47;
	v20 =	vsel vm6, v61, v20;
	v26 =	vld.idx.msk [tilespmem:v26+s14+$0x0], $0xffff;
	v35 =	vadd.s32 $0xF0, v24  }
0xf0: {  	v49 =	vand.u32 $0xC000, v29;
	v31 =	vsel vm0, v44, v47;
	v33 =	vld.idx.msk [tilespmem:v52+s14+$0x0], $0xffff;
	v44 =	vadd.s32 $0xF0, v20  }
0xf1: {  	v63 =	vor.u32 $0x4000, v30;
	v34 =	vor.u32 v4, v49;
	v47 =	vadd.s32 $0x100, v23;
	v32 =	vld.idx.msk [tilespmem:v32+s14+$0x0], $0xffff  }
0xf2: {  	v57 =	vadd.s32 $0x100, v20;
	v56 =	vadd.s32 $0x100, v21;
	v50 =	vld.idx.msk [tilespmem:v43+s14+$0x0], $0xffff;
	vm8 =	vlt.f32 v58, v9  }
0xf3: {  	v14 =	vshrl.u32 v45, $0x4;
	vm11 =	vlt.f32 v42, v12;
	v28 =	vld.idx.msk [tilespmem:v28+s14+$0x0], $0xffff;
	v23 =	vsel vm8, v47, v23  }
0xf4: {  	v36 =	vsel vm11, v48, v36;
	vm10 =	vlt.f32 v26, v10;
	v35 =	vld.idx.msk [tilespmem:v35+s14+$0x0], $0xffff;
	v26 =	vadd.s32 $0x70, v23  }
0xf5: {  	v62 =	vor.u32 $0x2000, v29;
	v51 =	vld.idx.msk [tilespmem:v44+s14+$0x0], $0xffff;
	v52 =	vand.u32 $0xC000, v36;
	v30 =	vsel vm10, v63, v30  }
0xf6: {  	v34 =	vld.idx.msk [tilespmem:v34+s14+$0x0], $0xffff;
	v54 =	vsel vm1, v33, v38;
	v42 =	vor.u32 v4, v52;
	v41 =	vand.u32 $0xC000, v30  }
0xf7: {  	v31 =	vld.idx.msk [tilespmem:v31+s14+$0x0], $0xffff;
	v58 =	vadd.s32 $0x100, v24;
	v41 =	vor.u32 v4, v41;
	vm13 =	vlt.f32 v50, v6  }
0xf8: {  	v21 =	vsel vm13, v56, v21;
	vm12 =	vlt.f32 v28, v13;
	v28 =	vor.u32 $0x2000, v25  }
0xf9: {  	v60 =	vadd.s32 $0x70, v21;
	vm15 =	vlt.f32 v35, v8;
	v25 =	vsel vm12, v28, v25;
	v26 =	vld.idx.msk [tilespmem:v26+s14+$0x0], $0xffff  }
0xfa: {  	vm14 =	vlt.f32 v51, v7;
	v37 =	vsel vm15, v58, v24;
	v55 =	vor.u32 $0xFF0, v25  }
0xfb: {  	v33 =	vsel vm1, v38, v33;
	v44 =	vsel vm14, v57, v20;
	v20 =	vld.idx.msk [tilespmem:v42+s14+$0x0], $0xffff;
	v24 =	vadd.s32 $0x70, v37  }
0xfc: {  	v53 =	vsel vm2, v32, v39;
	vm5 =	vlt.f32 v34, v11;
	v38 =	vsel vm0, v31, v22;
	v59 =	vld.idx.msk [tilespmem:v41+s14+$0x0], $0xffff  }
0xfd: {  	v22 =	vsel vm0, v22, v31;
	v63 =	vsub.f32 v53, v19;
	v61 =	vadd.s32 $0x70, v44  }
0xfe: {  	v28 =	vsel vm2, v39, v32;
	v49 =	vld.idx.msk [tilespmem:v60+s14+$0x0], $0xffff;
	vm4 =	vlt.f32 v26, v9;
	v26 =	vadd.s32 $0x80, v23  }
0xff: {  	v39 =	vsel vm5, v62, v29;
	v29 =	vor.u32 $0x2000, v36;
	v31 =	vld.idx.msk [tilespmem:v55+s14+$0x0], $0xffff;
	v23 =	vsel vm4, v26, v23  }
0x100: {  	v50 =	vor.u32 $0xFF0, v39;
	v19 =	vsub.f32 v19, v28;
	v28 =	vld.idx.msk [tilespmem:v24+s14+$0x0], $0xffff;
	v48 =	vadd.s32 $0x30, v23  }
0x101: {  	vm7 =	vlt.f32 v20, v12;
	v26 =	vor.u32 $0x2000, v30;
	vm6 =	vlt.f32 v59, v10  }
0x102: {  	v20 =	vor.u32 $0x1000, v25;
	v52 =	vsel vm7, v29, v36;
	v51 =	vsel vm6, v26, v30;
	v26 =	vld.idx.msk [tilespmem:v61+s14+$0x0], $0xffff  }
0x103: {  	v53 =	vor.u32 $0xFF0, v52;
	v30 =	vor.u32 $0xFF0, v51;
	vm9 =	vlt.f32 v49, v6  }
0x104: {  	vm8 =	vlt.f32 v31, v13;
	v31 =	vsub.f32 v54, v18;
	v54 =	vsub.f32 v18, v33  }
0x105: {  	v18 =	vsub.f32 v38, v17;
	vm11 =	vlt.f32 v28, v8;
	v29 =	vsel vm8, v20, v25;
	v55 =	vld.idx.msk [tilespmem:v48+s14+$0x0], $0xffff  }
0x106: {  	v57 =	vld.idx.msk [tilespmem:v50+s14+$0x0], $0xffff;
	v20 =	vsub.f32 v17, v22;
	v17 =	vadd.s32 $0x80, v21;
	v56 =	vadd.s32 $0x7F0, v29  }
0x107: {  	v22 =	vadd.s32 $0x80, v44;
	vm10 =	vlt.f32 v26, v7;
	v24 =	vsel vm9, v17, v21  }
0x108: {  	v59 =	vld.idx.msk [tilespmem:v53+s14+$0x0], $0xffff;
	v17 =	vadd.s32 $0x80, v37;
	v25 =	vsel vm10, v22, v44;
	v58 =	vadd.s32 $0x30, v24  }
0x109: {  	v61 =	vor.u32 $0x1000, v39;
	v30 =	vld.idx.msk [tilespmem:v30+s14+$0x0], $0xffff;
	v60 =	vadd.s32 $0x30, v25;
	v26 =	vsel vm11, v17, v37  }
0x10a: {  	v21 =	vadd.s32 $0x40, v23;
	v37 =	vadd.s32 $0x30, v26;
	vm12 =	vlt.f32 v55, v9  }
0x10b: {  	v62 =	vor.u32 $0x1000, v51;
	vm13 =	vlt.f32 v57, v11;
	v23 =	vsel vm12, v21, v23;
	v35 =	vld.idx.msk [tilespmem:v56+s14+$0x0], $0xffff  }
0x10c: {  	v32 =	vsel vm13, v61, v39;
	v22 =	vand.u32 $0x7FFFFFFF, v19;
	v28 =	vadd.s32 $0x10, v23  }
0x10d: {  	v19 =	vand.u32 $0x7FFFFFFF, v31;
	v36 =	vadd.s32 $0x7F0, v32;
	v17 =	vand.u32 $0x7FFFFFFF, v63;
	v31 =	vld.idx.msk [tilespmem:v58+s14+$0x0], $0xffff  }
0x10e: {  	s25 =	simm.s32 $0x15020;
	v63 =	vor.u32 $0x1000, v52;
	vm15 =	vlt.f32 v59, v12;
	vm14 =	vlt.f32 v30, v10;
	v30 =	vld.idx.msk [tilespmem:v60+s14+$0x0], $0xffff  }
0x10f: {  	s29 =	simm.s32 $0x80;
	s26 =	simm.s32 $0x15020;
	[tilespmem:s25+$0x10] =	vst v27;
	v34 =	vsel vm15, v63, v52;
	v21 =	vand.u32 $0x7FFFFFFF, v54;
	v33 =	vsel vm14, v62, v51;
	v27 =	vld.idx.msk [tilespmem:v37+s14+$0x0], $0xffff  }
.LBB2_5:
0x110: {  	v37 =	vld.idx.msk [tilespmem:v1+s14+$0x0], $0xffff;
	v38 =	vadd.s32 $0x7F0, v33;
	vm0 =	vlt.f32 v35, v13;
	v35 =	vadd.s32 $0x800, v29  }
0x111: {  	v39 =	vadd.s32 $0x7F0, v34;
	s28 =	sadd.s32 $0x40, s28;
	v29 =	vsel vm0, v35, v29;
	v28 =	vld.idx.msk [tilespmem:v28+s14+$0x0], $0xffff;
	v35 =	vand.u32 $0x7FFFFFFF, v18  }
0x112: {  	v20 =	vand.u32 $0x7FFFFFFF, v20;
	vm0 =	vlt.f32 v22, v17;
	v18 =	vld [tilespmem:s28+$0xFFFFFFE0];
	v40 =	vadd.s32 $0x3F0, v29  }
0x113: {  	v22 =	vadd.s32 $0x40, v24;
	vm1 =	vlt.f32 v31, v6;
	v31 =	vadd.s32 $0x40, v25;
	v17 =	vld [tilespmem:s28+$0xFFFFFFF0]  }
0x114: {  	v22 =	vsel vm1, v22, v24;
	vm1 =	vlt.f32 v30, v7;
	v24 =	vadd.s32 $0x40, v26;
	v36 =	vld.idx.msk [tilespmem:v36+s14+$0x0], $0xffff  }
0x115: {  	v25 =	vsel vm1, v31, v25;
	vm1 =	vlt.f32 v27, v8;
	v30 =	vld.idx.msk [tilespmem:v38+s14+$0x0], $0xffff;
	v38 =	vadd.s32 $0x10, v22  }
0x116: {  	v31 =	vadd.s32 $0x10, v25;
	v26 =	vsel vm1, v24, v26;
	vm1 =	vlt.f32 v21, v19;
	v27 =	vld.idx.msk [tilespmem:v39+s14+$0x0], $0xffff  }
0x117: {  	v19 =	vadd.s32 $0x20, v23;
	v39 =	vadd.s32 $0x10, v26;
	vm2 =	vlt.f32 v28, v9  }
0x118: {  	v21 =	vsel vm0, $0xFFFFFFFF, v5;
	vm0 =	vlt.f32 v20, v35;
	v23 =	vsel vm2, v19, v23;
	v28 =	vld.idx.msk [tilespmem:v40+s14+$0x0], $0xffff  }
0x119: {  	v16 =	vadd.s32 v21, v16;
	v24 =	vsel vm1, $0xFFFFFFFF, v5;
	v21 =	vsel vm0, $0xFFFFFFFF, v5;
	v19 =	vld [tilespmem:s28+$0x0]  }
0x11a: {  	v20 =	vadd.s32 $0x800, v32;
	vm1 =	vlt.f32 v37, v18;
	vm0 =	vlt.f32 v37, v17;
	v35 =	vld.idx.msk [tilespmem:v38+s14+$0x0], $0xffff;
	[tilespmem:s25+$0xFFFFFFE0] =	vst v16  }
0x11b: {  	vm2 =	vlt.f32 v36, v11;
	v36 =	vadd.s32 $0x800, v34;
	v16 =	vadd.s32 $0x800, v33;
	v31 =	vld.idx.msk [tilespmem:v31+s14+$0x0], $0xffff  }
0x11c: {  	v32 =	vsel vm2, v20, v32;
	vm2 =	vlt.f32 v30, v10;
	vm3 =	vlt.f32 v27, v12;
	v20 =	vld.idx.msk [tilespmem:v39+s14+$0x0], $0xffff  }
0x11d: {  	v27 =	vadd.s32 $0x3F0, v32;
	v16 =	vsel vm2, v16, v33;
	v30 =	vsel vm3, v36, v34;
	v33 =	vld.idx.msk [tilespmem:v23+s14+$0x0], $0xffff  }
0x11e: {  	v34 =	vadd.s32 $0x3F0, v16;
	vm2 =	vlt.f32 v28, v13;
	v28 =	vadd.s32 $0x400, v29  }
0x11f: {  	v38 =	vadd.s32 $0x3F0, v30;
	vm4 =	vlt.f32 v37, v19;
	v28 =	vsel vm2, v28, v29;
	v36 =	vld [tilespmem:s28+$0x10]  }
0x120: {  	v29 =	vadd.s32 $0x1F0, v28;
	vm2 =	vlt.f32 v35, v6;
	v35 =	vadd.s32 $0x20, v22  }
0x121: {  	v35 =	vsel vm2, v35, v22;
	vm2 =	vlt.f32 v31, v7;
	v22 =	vadd.s32 $0x20, v25  }
0x122: {  	v39 =	vsel vm2, v22, v25;
	vm2 =	vlt.f32 v20, v8;
	v20 =	vadd.s32 $0x20, v26;
	v31 =	vld.idx.msk [tilespmem:v27+s14+$0x0], $0xffff  }
0x123: {  	v40 =	vsel vm2, v20, v26;
	vm3 =	vlt.f32 v33, v9;
	v20 =	vadd.s32 $0x10, v23;
	v34 =	vld.idx.msk [tilespmem:v34+s14+$0x0], $0xffff  }
0x124: {  	v26 =	vsel vm1, v2, v0;
	vm1 =	vlt.f32 v37, v36;
	v37 =	vld.idx.msk [tilespmem:v38+s14+$0x0], $0xffff;
	v38 =	vsel vm3, v20, v23  }
0x125: {  	v27 =	vsel vm0, v2, v0;
	v41 =	vsel vm1, v2, v0;
	v29 =	vld.idx.msk [tilespmem:v29+s14+$0x0], $0xffff;
	v23 =	vadd.s32 $0xFFF0, v38  }
0x126: {  	v25 =	vsel vm4, v2, v0;
	v42 =	vor.u32 $0x4000, v41;
	v22 =	vld.idx.msk [tilespmem:v35+s14+$0x0], $0xffff;
	v43 =	vand.u32 $0xFFFF, v23  }
0x127: {  	v44 =	vand.u32 $0x8000, v26;
	v45 =	vand.u32 $0x8000, v41;
	v23 =	vld.idx.msk [tilespmem:v39+s14+$0x0], $0xffff;
	v43 =	vsel vm3, v20, v43  }
0x128: {  	v46 =	vadd.s32 $0x400, v32;
	v47 =	vadd.s32 $0x400, v16;
	v45 =	vor.u32 v3, v45;
	v20 =	vld.idx.msk [tilespmem:v40+s14+$0x0], $0xffff  }
0x129: {  	vm0 =	vlt.f32 v31, v11;
	v31 =	vadd.s32 $0x400, v30;
	vm1 =	vlt.f32 v34, v10  }
0x12a: {  	v32 =	vsel vm0, v46, v32;
	v34 =	vsel vm1, v47, v16;
	vm0 =	vlt.f32 v37, v12  }
0x12b: {  	v16 =	vadd.s32 $0x1F0, v32;
	v30 =	vsel vm0, v31, v30;
	v31 =	vadd.s32 $0x200, v28  }
0x12c: {  	v37 =	vadd.s32 $0x1F0, v34;
	vm4 =	vlt.f32 v29, v13;
	v46 =	vadd.s32 $0x1F0, v30;
	v29 =	vld.idx.msk [tilespmem:v43+s14+$0x0], $0xffff  }
0x12d: {  	s29 =	sadd.s32 $0x40, s29;
	v48 =	vadd.s32 $0x10, v40;
	v47 =	vadd.s32 $0x10, v39;
	v43 =	vadd.s32 $0x10, v35  }
0x12e: {  	p1 =	slt.u32 s29, $0x1FC0;
	vm2 =	vlt.f32 v22, v6;
	vm1 =	vlt.f32 v23, v7;
	vm0 =	vlt.f32 v20, v8  }
0x12f: {  	v35 =	vsel vm2, v43, v35;
	v39 =	vsel vm1, v47, v39;
	v40 =	vsel vm0, v48, v40  }
0x130: {  	v49 =	vadd.s32 $0xFFF0, v35;
	v50 =	vadd.s32 $0xFFF0, v39;
	v51 =	vadd.s32 $0xFFF0, v40  }
0x131: {  	v49 =	vand.u32 $0xFFFF, v49;
	v50 =	vand.u32 $0xFFFF, v50;
	v51 =	vand.u32 $0xFFFF, v51  }
0x132: {  	v43 =	vsel vm2, v43, v49;
	v49 =	vsel vm3, v29, v33;
	v29 =	vsel vm3, v33, v29;
	v45 =	vld.idx.msk [tilespmem:v45+s14+$0x0], $0xffff  }
0x133: {  	v33 =	vsel vm1, v47, v50;
	v47 =	vsub.f32 v49, v9;
	v29 =	vsub.f32 v9, v29;
	v9 =	vmovc v13  }
0x134: {  	v28 =	vsel vm4, v31, v28;
	v31 =	vsel vm0, v48, v51;
	v49 =	vand.u32 $0x8000, v27;
	v13 =	vmovc v36;
	v50 =	vld.idx.msk [tilespmem:v16+s14+$0x0], $0xffff  }
0x135: {  	v16 =	vand.u32 $0x7FFFFFFF, v47;
	v29 =	vand.u32 $0x7FFFFFFF, v29;
	v36 =	vld.idx.msk [tilespmem:v37+s14+$0x0], $0xffff;
	v37 =	vadd.s32 $0xF0, v28  }
0x136: {  	v44 =	vor.u32 v3, v44;
	v47 =	vand.u32 $0x8000, v25;
	vm3 =	vlt.f32 v29, v16;
	v46 =	vld.idx.msk [tilespmem:v46+s14+$0x0], $0xffff  }
0x137: {  	v29 =	vor.u32 v3, v49;
	v16 =	vshrl.u32 v38, $0x4;
	v38 =	vsel vm3, $0xFFFFFFFF, v5;
	v43 =	vld.idx.msk [tilespmem:v43+s14+$0x0], $0xffff  }
0x138: {  	s25 =	sadd.s32 $0x40, s25;
	v47 =	vor.u32 v3, v47;
	vm3 =	vlt.f32 v45, v13;
	v38 =	vadd.s32 v38, v16;
	v33 =	vld.idx.msk [tilespmem:v33+s14+$0x0], $0xffff  }
0x139: {  	v16 =	vshrl.u32 v35, $0x4;
	v35 =	vshrl.u32 v39, $0x4;
	v41 =	vsel vm3, v42, v41;
	v31 =	vld.idx.msk [tilespmem:v31+s14+$0x0], $0xffff;
	[tilespmem:s25+$0x10] =	vst v38  }
0x13a: {  	v24 =	vadd.s32 v24, v15;
	v39 =	vshrl.u32 v40, $0x4;
	v15 =	vmovc v35;
	v38 =	vand.u32 $0xC000, v41;
	v37 =	vld.idx.msk [tilespmem:v37+s14+$0x0], $0xffff  }
0x13b: {  	v40 =	vor.u32 $0x4000, v26;
	v42 =	vadd.s32 v21, v14;
	v38 =	vor.u32 v4, v38;
	v35 =	vld.idx.msk [tilespmem:v44+s14+$0x0], $0xffff;
	[tilespmem:s26+$0xFFFFFFF0] =	vst v24  }
0x13c: {  	v14 =	vmovc v39;
	vm3 =	vlt.f32 v50, v11;
	v24 =	vadd.s32 $0x200, v32;
	v21 =	vld.idx.msk [tilespmem:v29+s14+$0x0], $0xffff;
	v29 =	vadd.s32 $0x200, v34;
	[tilespmem:s26+$0x0] =	vst v42;
	s26 =	smov.u32 s25  }
0x13d: {  	v24 =	vsel vm3, v24, v32;
	vm3 =	vlt.f32 v36, v10;
	v32 =	vadd.s32 $0x200, v30;
	v39 =	vld.idx.msk [tilespmem:v47+s14+$0x0], $0xffff  }
0x13e: {  	v36 =	vadd.s32 $0xF0, v24;
	v29 =	vsel vm3, v29, v34;
	vm3 =	vlt.f32 v46, v12  }
0x13f: {  	v34 =	vor.u32 $0x4000, v27;
	v42 =	vadd.s32 $0xF0, v29;
	v30 =	vsel vm3, v32, v30  }
0x140: {  	vm3 =	vlt.f32 v37, v9;
	v37 =	vadd.s32 $0x100, v28;
	v32 =	vld.idx.msk [tilespmem:v38+s14+$0x0], $0xffff;
	v38 =	vadd.s32 $0xF0, v30  }
0x141: {  	vm4 =	vlt.f32 v35, v18;
	v35 =	vor.u32 $0x4000, v25;
	v28 =	vsel vm3, v37, v28  }
0x142: {  	v26 =	vsel vm4, v40, v26;
	vm3 =	vlt.f32 v21, v17;
	v21 =	vadd.s32 $0x70, v28  }
0x143: {  	v37 =	vand.u32 $0xC000, v26;
	v27 =	vsel vm3, v34, v27;
	vm3 =	vlt.f32 v39, v19;
	v34 =	vld.idx.msk [tilespmem:v36+s14+$0x0], $0xffff  }
0x144: {  	v36 =	vor.u32 v4, v37;
	v37 =	vand.u32 $0xC000, v27;
	v25 =	vsel vm3, v35, v25;
	v35 =	vld.idx.msk [tilespmem:v42+s14+$0x0], $0xffff  }
0x145: {  	v40 =	vsel vm2, v43, v22;
	v37 =	vor.u32 v4, v37;
	v39 =	vand.u32 $0xC000, v25;
	v38 =	vld.idx.msk [tilespmem:v38+s14+$0x0], $0xffff  }
0x146: {  	v39 =	vor.u32 v4, v39;
	vm3 =	vlt.f32 v32, v13;
	v32 =	vor.u32 $0x2000, v41  }
0x147: {  	v22 =	vsel vm2, v22, v43;
	v32 =	vsel vm3, v32, v41;
	v41 =	vsel vm1, v33, v23;
	v21 =	vld.idx.msk [tilespmem:v21+s14+$0x0], $0xffff  }
0x148: {  	v23 =	vsel vm1, v23, v33;
	v33 =	vsel vm0, v31, v20;
	v42 =	vor.u32 $0xFF0, v32  }
0x149: {  	v43 =	vadd.s32 $0x100, v29;
	vm1 =	vlt.f32 v34, v11;
	v34 =	vadd.s32 $0x100, v24;
	v36 =	vld.idx.msk [tilespmem:v36+s14+$0x0], $0xffff  }
0x14a: {  	v24 =	vsel vm1, v34, v24;
	vm1 =	vlt.f32 v35, v10;
	v34 =	vadd.s32 $0x100, v30;
	v37 =	vld.idx.msk [tilespmem:v37+s14+$0x0], $0xffff  }
0x14b: {  	v43 =	vsel vm1, v43, v29;
	vm1 =	vlt.f32 v38, v12;
	v35 =	vld.idx.msk [tilespmem:v39+s14+$0x0], $0xffff;
	v39 =	vadd.s32 $0x70, v24  }
0x14c: {  	v20 =	vsel vm0, v20, v31;
	v29 =	vadd.s32 $0x70, v43;
	v30 =	vsel vm1, v34, v30  }
0x14d: {  	v34 =	vadd.s32 $0x70, v30;
	vm0 =	vlt.f32 v21, v9;
	v21 =	vadd.s32 $0x80, v28;
	v31 =	vld.idx.msk [tilespmem:v42+s14+$0x0], $0xffff  }
0x14e: {  	v38 =	vor.u32 $0x2000, v26;
	v21 =	vsel vm0, v21, v28;
	v28 =	vsub.f32 v40, v6  }
0x14f: {  	vm0 =	vlt.f32 v36, v18;
	v36 =	vor.u32 $0x2000, v27;
	v40 =	vadd.s32 $0x30, v21  }
0x150: {  	v38 =	vsel vm0, v38, v26;
	vm0 =	vlt.f32 v37, v17;
	v26 =	vor.u32 $0x2000, v25;
	v37 =	vld.idx.msk [tilespmem:v39+s14+$0x0], $0xffff  }
0x151: {  	v39 =	vor.u32 $0xFF0, v38;
	v27 =	vsel vm0, v36, v27;
	vm0 =	vlt.f32 v35, v19;
	v35 =	vld.idx.msk [tilespmem:v29+s14+$0x0], $0xffff  }
0x152: {  	v22 =	vsub.f32 v6, v22;
	v6 =	vmovc v11;
	v36 =	vor.u32 $0xFF0, v27;
	v42 =	vsel vm0, v26, v25;
	v26 =	vld.idx.msk [tilespmem:v34+s14+$0x0], $0xffff  }
0x153: {  	v11 =	vmovc v18;
	v29 =	vor.u32 $0x1000, v32;
	v25 =	vor.u32 $0xFF0, v42;
	vm0 =	vlt.f32 v31, v13  }
0x154: {  	v34 =	vsub.f32 v7, v23;
	v29 =	vsel vm0, v29, v32;
	v32 =	vsub.f32 v41, v7;
	v31 =	vld.idx.msk [tilespmem:v40+s14+$0x0], $0xffff  }
0x155: {  	v20 =	vsub.f32 v8, v20;
	v18 =	vsub.f32 v33, v8;
	v7 =	vmovc v10;
	v10 =	vmovc v17;
	v23 =	vadd.s32 $0x7F0, v29  }
0x156: {  	v8 =	vmovc v12;
	v12 =	vmovc v19;
	v17 =	vadd.s32 $0x80, v24;
	vm0 =	vlt.f32 v37, v6;
	v37 =	vadd.s32 $0x80, v43;
	v33 =	vld.idx.msk [tilespmem:v39+s14+$0x0], $0xffff  }
0x157: {  	v24 =	vsel vm0, v17, v24;
	vm0 =	vlt.f32 v35, v7;
	v17 =	vadd.s32 $0x80, v30;
	v36 =	vld.idx.msk [tilespmem:v36+s14+$0x0], $0xffff  }
0x158: {  	v40 =	vadd.s32 $0x30, v24;
	v39 =	vld.idx.msk [tilespmem:v25+s14+$0x0], $0xffff;
	v25 =	vsel vm0, v37, v43;
	vm0 =	vlt.f32 v26, v8  }
0x159: {  	v37 =	vadd.s32 $0x30, v25;
	v26 =	vsel vm0, v17, v30;
	v17 =	vand.u32 $0x7FFFFFFF, v28  }
0x15a: {  	v19 =	vadd.s32 $0x40, v21;
	vm0 =	vlt.f32 v31, v9;
	v35 =	vld.idx.msk [tilespmem:v23+s14+$0x0], $0xffff;
	v41 =	vadd.s32 $0x30, v26  }
.Ltmp1:
0x15b: {  	v22 =	vand.u32 $0x7FFFFFFF, v22;
	v23 =	vsel vm0, v19, v21;
	v19 =	vand.u32 $0x7FFFFFFF, v32;
	(pc) =	sbr.rel @p1 .LBB2_5-.Ltmp1, $4  }
0x15c: {  	v30 =	vor.u32 $0x1000, v38;
	v21 =	vand.u32 $0x7FFFFFFF, v34;
	v28 =	vadd.s32 $0x10, v23  }
0x15d: {  	v34 =	vor.u32 $0x1000, v42;
	vm0 =	vlt.f32 v33, v11;
	v33 =	vor.u32 $0x1000, v27;
	v31 =	vld.idx.msk [tilespmem:v40+s14+$0x0], $0xffff  }
0x15e: {  	v32 =	vsel vm0, v30, v38;
	vm0 =	vlt.f32 v36, v10;
	vm1 =	vlt.f32 v39, v12;
	v30 =	vld.idx.msk [tilespmem:v37+s14+$0x0], $0xffff  }
0x15f: {  	v36 =	vadd.s32 $0x7F0, v32;
	v33 =	vsel vm0, v33, v27;
	v34 =	vsel vm1, v34, v42;
	v27 =	vld.idx.msk [tilespmem:v41+s14+$0x0], $0xffff  }
0x160: {  	_ =	sdelay $0x1  }
0x161: {  	v37 =	vadd.s32 $0x7F0, v33  }
0x162: {  	v38 =	vadd.s32 $0x7F0, v34  }
0x163: {  	v36 =	vld.idx.msk [tilespmem:v36+s14+$0x0], $0xffff  }
0x164: {  	vm0 =	vlt.f32 v35, v13;
	v53 =	vadd.s32 $0x800, v29  }
0x165: {  	v29 =	vsel vm0, v53, v29  }
0x166: {  	v55 =	vadd.s32 $0x3F0, v29;
	v54 =	vld.idx.msk [tilespmem:v37+s14+$0x0], $0xffff  }
0x167: {  	v38 =	vld.idx.msk [tilespmem:v38+s14+$0x0], $0xffff  }
0x168: {  	v39 =	vadd.s32 $0x800, v32;
	vm10 =	vlt.f32 v36, v11  }
0x169: {  	v32 =	vsel vm10, v39, v32  }
0x16a: {  	v58 =	vadd.s32 $0x3F0, v32  }
0x16b: {  	v56 =	vadd.s32 $0x800, v33;
	v57 =	vld.idx.msk [tilespmem:v55+s14+$0x0], $0xffff;
	vm11 =	vlt.f32 v54, v10  }
0x16c: {  	v40 =	vadd.s32 $0x800, v34;
	vm1 =	vlt.f32 v38, v12;
	v33 =	vsel vm11, v56, v33  }
0x16d: {  	v34 =	vsel vm1, v40, v34;
	v36 =	vadd.s32 $0x3F0, v33  }
0x16e: {  	v59 =	vadd.s32 $0x3F0, v34  }
0x16f: {  	v37 =	vld.idx.msk [tilespmem:v58+s14+$0x0], $0xffff  }
0x170: {  	v60 =	vadd.s32 $0x400, v29;
	vm12 =	vlt.f32 v57, v13  }
0x171: {  	v29 =	vsel vm12, v60, v29  }
0x172: {  	v62 =	vadd.s32 $0x1F0, v29;
	v61 =	vld.idx.msk [tilespmem:v36+s14+$0x0], $0xffff  }
0x173: {  	v38 =	vld.idx.msk [tilespmem:v59+s14+$0x0], $0xffff  }
0x174: {  	v39 =	vadd.s32 $0x400, v32;
	vm13 =	vlt.f32 v37, v11  }
0x175: {  	v32 =	vsel vm13, v39, v32  }
0x176: {  	v44 =	vadd.s32 $0x1F0, v32  }
0x177: {  	v63 =	vadd.s32 $0x400, v33;
	v36 =	vld.idx.msk [tilespmem:v62+s14+$0x0], $0xffff;
	vm14 =	vlt.f32 v61, v10  }
0x178: {  	v43 =	vadd.s32 $0x400, v34;
	vm15 =	vlt.f32 v38, v12;
	v33 =	vsel vm14, v63, v33  }
0x179: {  	v34 =	vsel vm15, v43, v34;
	v45 =	vadd.s32 $0x1F0, v33  }
0x17a: {  	v46 =	vadd.s32 $0x1F0, v34  }
0x17b: {  	v48 =	vld.idx.msk [tilespmem:v44+s14+$0x0], $0xffff  }
0x17c: {  	v47 =	vadd.s32 $0x200, v29;
	vm4 =	vlt.f32 v36, v13  }
0x17d: {  	v29 =	vsel vm4, v47, v29  }
0x17e: {  	v49 =	vadd.s32 $0xF0, v29;
	v35 =	vld.idx.msk [tilespmem:v45+s14+$0x0], $0xffff  }
0x17f: {  	v38 =	vld.idx.msk [tilespmem:v46+s14+$0x0], $0xffff  }
0x180: {  	v50 =	vadd.s32 $0x200, v32;
	vm5 =	vlt.f32 v48, v11  }
0x181: {  	v32 =	vsel vm5, v50, v32  }
0x182: {  	v54 =	vadd.s32 $0xF0, v32  }
0x183: {  	v51 =	vadd.s32 $0x200, v33;
	v53 =	vld.idx.msk [tilespmem:v49+s14+$0x0], $0xffff;
	vm6 =	vlt.f32 v35, v10  }
0x184: {  	v52 =	vadd.s32 $0x200, v34;
	vm7 =	vlt.f32 v38, v12;
	v33 =	vsel vm6, v51, v33  }
0x185: {  	v34 =	vsel vm7, v52, v34;
	v55 =	vadd.s32 $0xF0, v33  }
0x186: {  	v35 =	vadd.s32 $0xF0, v34  }
0x187: {  	vm8 =	vlt.f32 v31, v6;
	vm2 =	vlt.f32 v30, v7;
	v37 =	vld.idx.msk [tilespmem:v54+s14+$0x0], $0xffff  }
0x188: {  	vm10 =	vlt.f32 v27, v8;
	v57 =	vadd.s32 $0x100, v29;
	vm9 =	vlt.f32 v53, v13  }
0x189: {  	v56 =	vadd.s32 $0x40, v24;
	v58 =	vadd.s32 $0x40, v25;
	v29 =	vsel vm9, v57, v29  }
0x18a: {  	v24 =	vsel vm8, v56, v24;
	v60 =	vadd.s32 $0x40, v26;
	v61 =	vadd.s32 $0x70, v29;
	v59 =	vld.idx.msk [tilespmem:v55+s14+$0x0], $0xffff  }
0x18b: {  	v25 =	vsel vm2, v58, v25;
	v31 =	vadd.s32 $0x10, v24;
	v26 =	vsel vm10, v60, v26;
	v35 =	vld.idx.msk [tilespmem:v35+s14+$0x0], $0xffff  }
0x18c: {  	v62 =	vadd.s32 $0x10, v25;
	v42 =	vadd.s32 $0x100, v32;
	vm11 =	vlt.f32 v37, v11  }
0x18d: {  	v28 =	vld.idx.msk [tilespmem:v28+s14+$0x0], $0xffff;
	v63 =	vadd.s32 $0x10, v26;
	v32 =	vsel vm11, v42, v32  }
0x18e: {  	v37 =	vadd.s32 $0x70, v32  }
0x18f: {  	v43 =	vadd.s32 $0x100, v33;
	v27 =	vld.idx.msk [tilespmem:v61+s14+$0x0], $0xffff;
	vm12 =	vlt.f32 v59, v10  }
0x190: {  	v31 =	vld.idx.msk [tilespmem:v31+s14+$0x0], $0xffff;
	v44 =	vadd.s32 $0x100, v34;
	vm13 =	vlt.f32 v35, v12;
	v33 =	vsel vm12, v43, v33  }
0x191: {  	v36 =	vld.idx.msk [tilespmem:v62+s14+$0x0], $0xffff;
	v30 =	vsel vm13, v44, v34;
	v45 =	vadd.s32 $0x70, v33  }
0x192: {  	vm14 =	vlt.f32 v28, v9;
	v47 =	vld.idx.msk [tilespmem:v63+s14+$0x0], $0xffff;
	v46 =	vadd.s32 $0x20, v23;
	v34 =	vadd.s32 $0x70, v30  }
0x193: {  	v23 =	vsel vm14, v46, v23;
	v37 =	vld.idx.msk [tilespmem:v37+s14+$0x0], $0xffff  }
0x194: {  	v48 =	vadd.s32 $0x80, v29;
	vm15 =	vlt.f32 v27, v13  }
0x195: {  	v18 =	vand.u32 $0x7FFFFFFF, v18;
	v56 =	vadd.s32 $0x20, v26;
	v27 =	vsel vm15, v48, v29  }
0x196: {  	v62 =	vand.u32 $0x7FFFFFFF, v20;
	vm4 =	vlt.f32 v31, v6;
	v50 =	vadd.s32 $0x30, v27;
	v49 =	vld.idx.msk [tilespmem:v45+s14+$0x0], $0xffff  }
0x197: {  	vm5 =	vlt.f32 v36, v7;
	v52 =	vadd.s32 $0x20, v25;
	vm6 =	vlt.f32 v47, v8;
	v34 =	vld.idx.msk [tilespmem:v34+s14+$0x0], $0xffff  }
0x198: {  	v38 =	vld.idx.msk [tilespmem:v23+s14+$0x0], $0xffff;
	v25 =	vsel vm5, v52, v25;
	v53 =	vadd.s32 $0x80, v32;
	vm7 =	vlt.f32 v37, v11  }
0x199: {  	v51 =	vadd.s32 $0x20, v24;
	v26 =	vsel vm6, v56, v26;
	v28 =	vsel vm7, v53, v32  }
0x19a: {  	v24 =	vsel vm4, v51, v24;
	vm4 =	vlt.f32 v21, v19;
	v32 =	vadd.s32 $0x30, v28  }
0x19b: {  	v57 =	vadd.s32 $0x10, v23;
	v54 =	vadd.s32 $0x80, v33;
	v31 =	vld.idx.msk [tilespmem:v50+s14+$0x0], $0xffff;
	vm8 =	vlt.f32 v49, v10  }
0x19c: {  	v55 =	vadd.s32 $0x80, v30;
	vm9 =	vlt.f32 v34, v12;
	v33 =	vsel vm8, v54, v33  }
0x19d: {  	vm3 =	vlt.f32 v38, v9;
	v39 =	vld.idx.msk [tilespmem:v25+s14+$0x0], $0xffff;
	v29 =	vsel vm9, v55, v30;
	v35 =	vadd.s32 $0x30, v33  }
0x19e: {  	v46 =	vadd.s32 $0x10, v24;
	v23 =	vsel vm3, v57, v23;
	v21 =	vld.idx.msk [tilespmem:v26+s14+$0x0], $0xffff;
	v58 =	vadd.s32 $0x30, v29  }
0x19f: {  	v47 =	vadd.s32 $0x10, v25;
	vm11 =	vlt.f32 v22, v17;
	v59 =	vadd.s32 $0xFFF0, v23;
	v32 =	vld.idx.msk [tilespmem:v32+s14+$0x0], $0xffff  }
0x1a0: {  	v60 =	vadd.s32 $0x40, v27;
	v37 =	vand.u32 $0xFFFF, v59;
	vm10 =	vlt.f32 v31, v13  }
0x1a1: {  	v42 =	vsel vm4, $0xFFFFFFFF, v5;
	v30 =	vsel vm3, v57, v37;
	v27 =	vsel vm10, v60, v27  }
0x1a2: {  	v15 =	vadd.s32 v42, v15;
	vm0 =	vlt.f32 v39, v7;
	v63 =	vadd.s32 $0x10, v27;
	v61 =	vld.idx.msk [tilespmem:v35+s14+$0x0], $0xffff  }
0x1a3: {  	v23 =	vshrl.u32 v23, $0x4;
	v25 =	vsel vm0, v47, v25;
	v48 =	vadd.s32 $0x10, v26;
	v44 =	vld.idx.msk [tilespmem:v58+s14+$0x0], $0xffff  }
0x1a4: {  	vm15 =	vlt.f32 v21, v8;
	v34 =	vld.idx.msk [tilespmem:v24+s14+$0x0], $0xffff;
	v49 =	vadd.s32 $0x40, v28;
	vm12 =	vlt.f32 v32, v11  }
0x1a5: {  	v26 =	vsel vm15, v48, v26;
	v45 =	vsel vm11, $0xFFFFFFFF, v5;
	v28 =	vsel vm12, v49, v28  }
0x1a6: {  	v59 =	vadd.s32 $0xFFF0, v26;
	v26 =	vshrl.u32 v26, $0x4;
	v30 =	vld.idx.msk [tilespmem:v30+s14+$0x0], $0xffff;
	v54 =	vadd.s32 $0x10, v28  }
0x1a7: {  	v50 =	vadd.s32 $0x40, v33;
	v51 =	vadd.s32 $0x40, v29;
	v20 =	vld.idx.msk [tilespmem:v63+s14+$0x0], $0xffff;
	vm13 =	vlt.f32 v61, v10  }
0x1a8: {  	v57 =	vadd.s32 $0x20, v27;
	vm14 =	vlt.f32 v44, v12;
	v52 =	vsel vm13, v50, v33  }
0x1a9: {  	vm1 =	vlt.f32 v34, v6;
	v22 =	vsel vm14, v51, v29;
	v33 =	vadd.s32 $0x10, v52  }
0x1aa: {  	v24 =	vsel vm1, v46, v24;
	v58 =	vadd.s32 $0xFFF0, v25;
	v56 =	vadd.s32 $0x10, v22  }
0x1ab: {  	v55 =	vsel vm3, v30, v38;
	v30 =	vsel vm3, v38, v30;
	v38 =	vand.u32 $0xFFFF, v58;
	v61 =	vld.idx.msk [tilespmem:v54+s14+$0x0], $0xffff  }
0x1ac: {  	v53 =	vadd.s32 $0xFFF0, v24;
	v63 =	vsel vm0, v47, v38;
	vm7 =	vlt.f32 v20, v13  }
0x1ad: {  	v16 =	vadd.s32 v45, v16;
	v29 =	vand.u32 $0xFFFF, v53;
	v20 =	vsel vm7, v57, v27  }
0x1ae: {  	vm8 =	vlt.f32 v62, v18;
	v62 =	vand.u32 $0xFFFF, v59;
	v29 =	vsel vm1, v46, v29;
	v36 =	vld.idx.msk [tilespmem:v33+s14+$0x0], $0xffff  }
0x1af: {  	v17 =	vsel vm15, v48, v62;
	v43 =	vsel vm8, $0xFFFFFFFF, v5;
	v45 =	vadd.s32 $0x20, v28;
	v41 =	vld.idx.msk [tilespmem:v56+s14+$0x0], $0xffff  }
0x1b0: {  	v35 =	vsub.f32 v55, v9;
	v60 =	vsub.f32 v9, v30;
	vm10 =	vlt.f32 v61, v11  }
0x1b1: {  	v24 =	vshrl.u32 v24, $0x4;
	v25 =	vshrl.u32 v25, $0x4;
	v18 =	vld.idx.msk [tilespmem:v63+s14+$0x0], $0xffff;
	v28 =	vsel vm10, v45, v28  }
0x1b2: {  	v38 =	vand.u32 $0x7FFFFFFF, v35;
	v9 =	vand.u32 $0x7FFFFFFF, v60;
	v46 =	vadd.s32 $0x20, v52;
	v44 =	vld.idx.msk [tilespmem:v20+s14+$0x0], $0xffff  }
0x1b3: {  	v47 =	vadd.s32 $0x20, v22;
	vm9 =	vlt.f32 v9, v38;
	v29 =	vld.idx.msk [tilespmem:v29+s14+$0x0], $0xffff;
	vm11 =	vlt.f32 v36, v10  }
0x1b4: {  	v17 =	vld.idx.msk [tilespmem:v17+s14+$0x0], $0xffff;
	v9 =	vadd.s32 v43, v14;
	vm12 =	vlt.f32 v41, v12;
	v27 =	vsel vm11, v46, v52  }
0x1b5: {  	v31 =	vsel vm9, $0xFFFFFFFF, v5;
	v48 =	vadd.s32 $0x10, v20;
	v22 =	vsel vm12, v47, v22  }
0x1b6: {  	v23 =	vadd.s32 v31, v23;
	v59 =	vadd.s32 $0x10, v28;
	v50 =	vsel vm0, v18, v39;
	v33 =	vld.idx.msk [tilespmem:v28+s14+$0x0], $0xffff  }
0x1b7: {  	v18 =	vsel vm0, v39, v18;
	v56 =	vsub.f32 v50, v7;
	vm13 =	vlt.f32 v44, v13  }
0x1b8: {  	v7 =	vsub.f32 v7, v18;
	v49 =	vsel vm1, v29, v34;
	v20 =	vsel vm13, v48, v20  }
0x1b9: {  	v29 =	vsel vm1, v34, v29;
	v52 =	vsel vm15, v17, v21;
	v51 =	vadd.s32 $0xFFF0, v20;
	v53 =	vld.idx.msk [tilespmem:v27+s14+$0x0], $0xffff  }
0x1ba: {  	v19 =	vsub.f32 v49, v6;
	v6 =	vsub.f32 v6, v29;
	v32 =	vand.u32 $0xFFFF, v51;
	v55 =	vld.idx.msk [tilespmem:v22+s14+$0x0], $0xffff  }
0x1bb: {  	v17 =	vsel vm15, v21, v17;
	v54 =	vsel vm13, v48, v32;
	vm14 =	vlt.f32 v33, v11  }
0x1bc: {  	v21 =	vand.u32 $0x7FFFFFFF, v56;
	v7 =	vand.u32 $0x7FFFFFFF, v7;
	v28 =	vsel vm14, v59, v28  }
0x1bd: {  	v58 =	vsub.f32 v8, v17;
	v60 =	vadd.s32 $0x10, v27;
	v62 =	vadd.s32 $0xFFF0, v28  }
0x1be: {  	v61 =	vadd.s32 $0x10, v22;
	v32 =	vand.u32 $0xFFFF, v62;
	vm15 =	vlt.f32 v53, v10  }
0x1bf: {  	v17 =	vsel vm14, v59, v32;
	vm8 =	vlt.f32 v55, v12;
	v27 =	vsel vm15, v60, v27  }
0x1c0: {  	v57 =	vsub.f32 v52, v8;
	v29 =	vld.idx.msk [tilespmem:v54+s14+$0x0], $0xffff;
	v22 =	vsel vm8, v61, v22;
	v63 =	vadd.s32 $0xFFF0, v27  }
0x1c1: {  	vm10 =	vlt.f32 v7, v21;
	v40 =	vadd.s32 $0xFFF0, v22;
	v34 =	vand.u32 $0xFFFF, v63  }
0x1c2: {  	v19 =	vand.u32 $0x7FFFFFFF, v19;
	v41 =	vand.u32 $0xFFFF, v40;
	v18 =	vsel vm15, v60, v34  }
0x1c3: {  	v6 =	vand.u32 $0x7FFFFFFF, v6;
	v47 =	vshrl.u32 v20, $0x4;
	v31 =	vsel vm8, v61, v41  }
0x1c4: {  	v14 =	vand.u32 $0x7FFFFFFF, v57;
	vm9 =	vlt.f32 v6, v19;
	v6 =	vand.u32 $0x7FFFFFFF, v58;
	v7 =	vld.idx.msk [tilespmem:v17+s14+$0x0], $0xffff  }
0x1c5: {  	vm11 =	vlt.f32 v6, v14;
	v6 =	vsel vm10, $0xFFFFFFFF, v5;
	v42 =	vsel vm13, v29, v44  }
0x1c6: {  	v48 =	vsel vm11, $0xFFFFFFFF, v5;
	v29 =	vsel vm13, v44, v29;
	v32 =	vsub.f32 v42, v13  }
0x1c7: {  	v6 =	vadd.s32 v6, v25;
	v57 =	vadd.s32 v48, v26;
	v43 =	vsub.f32 v13, v29;
	v18 =	vld.idx.msk [tilespmem:v18+s14+$0x0], $0xffff  }
0x1c8: {  	v49 =	vshrl.u32 v28, $0x4;
	v44 =	vsel vm9, $0xFFFFFFFF, v5;
	v45 =	vand.u32 $0x7FFFFFFF, v32;
	v46 =	vld.idx.msk [tilespmem:v31+s14+$0x0], $0xffff  }
0x1c9: {  	v13 =	vand.u32 $0x7FFFFFFF, v43;
	v51 =	vsel vm14, v7, v33;
	v7 =	vsel vm14, v33, v7  }
0x1ca: {  	vm12 =	vlt.f32 v13, v45;
	v21 =	vsub.f32 v51, v11;
	v7 =	vsub.f32 v11, v7  }
0x1cb: {  	[tilespmem:s25+$0xFFFFFFE0] =	vst v16;
	v50 =	vshrl.u32 v27, $0x4;
	v8 =	vadd.s32 v44, v24;
	v17 =	vsel vm12, $0xFFFFFFFF, v5  }
0x1cc: {  	[tilespmem:s26+$0xFFFFFFF0] =	vst v15;
	v14 =	vadd.s32 v17, v47;
	v59 =	vand.u32 $0x7FFFFFFF, v21;
	v7 =	vand.u32 $0x7FFFFFFF, v7  }
0x1cd: {  	s30 =	sadd.s32 $0x40, s25;
	[tilespmem:s26+$0x0] =	vst v9;
	v52 =	vsel vm15, v18, v53;
	v18 =	vsel vm15, v53, v18;
	v53 =	vsel vm8, v46, v55  }
0x1ce: {  	[tilespmem:s30+$0x10] =	vst v23;
	v54 =	vsel vm8, v55, v46;
	v55 =	vsub.f32 v52, v10;
	v56 =	vsub.f32 v10, v18  }
0x1cf: {  	[tilespmem:s30+$0xFFFFFFF0] =	vst v6;
	vm13 =	vlt.f32 v7, v59;
	v58 =	vsub.f32 v53, v12;
	v11 =	vsub.f32 v12, v54  }
0x1d0: {  	[tilespmem:s30+$0x0] =	vst v57;
	v7 =	vsel vm13, $0xFFFFFFFF, v5;
	v60 =	vand.u32 $0x7FFFFFFF, v55;
	v10 =	vand.u32 $0x7FFFFFFF, v56  }
0x1d1: {  	p1 =	sne.s32 s21, $0x1F;
	s31 =	sadd.s32 $0x40, s30;
	[tilespmem:s30+$0xFFFFFFE0] =	vst v8;
	v61 =	vand.u32 $0x7FFFFFFF, v58;
	v6 =	vand.u32 $0x7FFFFFFF, v11;
	vm14 =	vlt.f32 v10, v60  }
.Ltmp2:
0x1d2: {  	[tilespmem:s31+$0x10] =	vst v14;
	vm15 =	vlt.f32 v6, v61;
	v6 =	vadd.s32 v7, v49;
	v7 =	vsel vm14, $0xFFFFFFFF, v5;
	(pc) =	sbr.rel @p1 .LBB2_8-.Ltmp2, $4  }
0x1d3: {  	v62 =	vshrl.u32 v22, $0x4;
	v63 =	vsel vm15, $0xFFFFFFFF, v5;
	[tilespmem:s31+$0xFFFFFFE0] =	vst v6;
	v6 =	vadd.s32 v7, v50  }
0x1d4: {  	v7 =	vadd.s32 v63, v62;
	[tilespmem:s31+$0xFFFFFFF0] =	vst v6  }
0x1d5: {  	s24 =	sadd.s32 s4, s24;
	[tilespmem:s31+$0x0] =	vst v7  }
0x1d6: {  	[hbm4b:s24+s5] =	stream.linear.scatter [tilespmem:s15], [sflag:$0x3], $0x2000, $0x38;
	[tilespmem:$0x19000] =	vst v63  }
.Ltmp3:
0x1d7: {  	(pc) =	sbr.rel .LBB2_9-.Ltmp3, $4  }
0x1d8: {  	_ = 	snop  }
0x1d9: {  	_ =	swait.ge [sflag:s16], $0x2000  }
0x1da: {  	[sflag:s16] =	ssyncset.done $0x0  }
0x1db: {  	[sflag:s16] =	ssyncadd.s32 $0xFFFFE000  }
.LBB2_8:
0x1dc: {  	s23 =	sadd.s32 s23, s8  }
0x1dd: {  	s23 =	sshrl.u32 s23, $0x3  }
.Ltmp4:
0x1de: {  	s23 =	sadd.s32 s1, s23;
	(pc) =	sbr.rel @p0 .LBB2_10-.Ltmp4, $4  }
0x1df: {  	[tilespmem:s11], [sflag:$0x1] =	stream.linear.gather [hbm4b:s23+s5], $0x2000, $0x38;
	[tilespmem:$0x19000] =	vst v63  }
0x1e0: {  	_ =	swait.ge [sflag:s16], $0x2000  }
0x1e1: {  	[sflag:s16] =	ssyncset.done $0x0  }
0x1e2: {  	[sflag:s16] =	ssyncadd.s32 $0xFFFFE000  }
.LBB2_9:
0x1e3: {  	_ =	swait.ge [sflag:s17], $0x2000  }
0x1e4: {  	[sflag:s17] =	ssyncset.done $0x0  }
0x1e5: {  	[sflag:s17] =	ssyncadd.s32 $0xFFFFE000  }
.LBB2_10:
0x1e6: {  	_ =	sdelay $0x3  }
0x1e7: {  	s23 =	simm.s32 $0x13020;
	v6 =	vld.idx.msk [tilespmem:v1+s14+$0x0], $0xffff  }
0x1e8: {  	v14 =	vld [tilespmem:s23+$0x10];
	_ =	sdelay $0x3  }
0x1e9: {  	v19 =	vld [tilespmem:s23+$0xFFFFFFE0]  }
0x1ea: {  	v18 =	vld [tilespmem:s23+$0xFFFFFFF0];
	vm0 =	vlt.f32 v6, v14  }
0x1eb: {  	v17 =	vld [tilespmem:s23+$0x0];
	v7 =	vsel vm0, v2, v0  }
0x1ec: {  	v8 =	vand.u32 $0x8000, v7  }
0x1ed: {  	v8 =	vor.u32 v3, v8  }
0x1ee: {  	vm13 =	vlt.f32 v6, v19  }
0x1ef: {  	vm1 =	vlt.f32 v6, v18;
	v9 =	vsel vm13, v2, v0  }
0x1f0: {  	vm14 =	vlt.f32 v6, v17;
	v6 =	vsel vm1, v2, v0;
	v10 =	vand.u32 $0x8000, v9  }
0x1f1: {  	v12 =	vand.u32 $0x8000, v6;
	v10 =	vor.u32 v3, v10  }
0x1f2: {  	v11 =	vsel vm14, v2, v0;
	v12 =	vor.u32 v3, v12;
	v8 =	vld.idx.msk [tilespmem:v8+s14+$0x0], $0xffff  }
0x1f3: {  	v13 =	vand.u32 $0x8000, v11  }
0x1f4: {  	v13 =	vor.u32 v3, v13;
	_ =	sdelay $0x1  }
0x1f5: {  	v10 =	vld.idx.msk [tilespmem:v10+s14+$0x0], $0xffff  }
0x1f6: {  	v15 =	vor.u32 $0x4000, v7;
	v12 =	vld.idx.msk [tilespmem:v12+s14+$0x0], $0xffff;
	vm15 =	vlt.f32 v8, v14  }
0x1f7: {  	v7 =	vsel vm15, v15, v7  }
0x1f8: {  	v13 =	vld.idx.msk [tilespmem:v13+s14+$0x0], $0xffff;
	v8 =	vand.u32 $0xC000, v7  }
0x1f9: {  	v8 =	vor.u32 v4, v8;
	_ =	sdelay $0x1  }
0x1fa: {  	v16 =	vor.u32 $0x4000, v6;
	vm4 =	vlt.f32 v10, v19;
	vm5 =	vlt.f32 v12, v18  }
0x1fb: {  	v10 =	vor.u32 $0x4000, v11;
	v15 =	vor.u32 $0x4000, v9;
	v6 =	vsel vm5, v16, v6  }
0x1fc: {  	vm6 =	vlt.f32 v13, v17;
	v9 =	vsel vm4, v15, v9;
	v13 =	vand.u32 $0xC000, v6  }
0x1fd: {  	v10 =	vsel vm6, v10, v11;
	v12 =	vand.u32 $0xC000, v9;
	v11 =	vor.u32 v4, v13;
	v8 =	vld.idx.msk [tilespmem:v8+s14+$0x0], $0xffff  }
0x1fe: {  	v13 =	vand.u32 $0xC000, v10;
	v12 =	vor.u32 v4, v12  }
0x1ff: {  	v13 =	vor.u32 v4, v13;
	_ =	sdelay $0x2  }
0x200: {  	v11 =	vld.idx.msk [tilespmem:v11+s14+$0x0], $0xffff;
	vm7 =	vlt.f32 v8, v14;
	v8 =	vor.u32 $0x2000, v7  }
0x201: {  	v12 =	vld.idx.msk [tilespmem:v12+s14+$0x0], $0xffff;
	v7 =	vsel vm7, v8, v7  }
0x202: {  	v13 =	vld.idx.msk [tilespmem:v13+s14+$0x0], $0xffff;
	v8 =	vor.u32 $0xFF0, v7;
	_ =	sdelay $0x3  }
0x203: {  	v15 =	vor.u32 $0x2000, v9;
	vm9 =	vlt.f32 v11, v18;
	vm8 =	vlt.f32 v12, v19  }
0x204: {  	v11 =	vor.u32 $0x2000, v10;
	vm10 =	vlt.f32 v13, v17;
	v9 =	vsel vm8, v15, v9;
	v8 =	vld.idx.msk [tilespmem:v8+s14+$0x0], $0xffff  }
0x205: {  	v12 =	vor.u32 $0x2000, v6;
	v10 =	vsel vm10, v11, v10;
	v15 =	vor.u32 $0xFF0, v9  }
0x206: {  	v6 =	vsel vm9, v12, v6;
	v11 =	vor.u32 $0xFF0, v10  }
0x207: {  	v12 =	vor.u32 $0xFF0, v6;
	_ =	sdelay $0x1  }
0x208: {  	vm11 =	vlt.f32 v8, v14;
	v8 =	vor.u32 $0x1000, v7  }
0x209: {  	v13 =	vld.idx.msk [tilespmem:v15+s14+$0x0], $0xffff;
	v7 =	vsel vm11, v8, v7  }
0x20a: {  	v11 =	vld.idx.msk [tilespmem:v11+s14+$0x0], $0xffff;
	v8 =	vadd.s32 $0x7F0, v7  }
0x20b: {  	v12 =	vld.idx.msk [tilespmem:v12+s14+$0x0], $0xffff;
	_ =	sdelay $0x2  }
0x20c: {  	v16 =	vor.u32 $0x1000, v10  }
0x20d: {  	v15 =	vor.u32 $0x1000, v9;
	vm12 =	vlt.f32 v13, v19;
	vm14 =	vlt.f32 v11, v17;
	v8 =	vld.idx.msk [tilespmem:v8+s14+$0x0], $0xffff  }
0x20e: {  	v13 =	vor.u32 $0x1000, v6;
	vm13 =	vlt.f32 v12, v18;
	v10 =	vsel vm14, v16, v10  }
0x20f: {  	v9 =	vsel vm12, v15, v9;
	v6 =	vsel vm13, v13, v6;
	v13 =	vadd.s32 $0x7F0, v10  }
0x210: {  	v11 =	vadd.s32 $0x7F0, v9  }
0x211: {  	v12 =	vadd.s32 $0x7F0, v6  }
0x212: {  	vm15 =	vlt.f32 v8, v14;
	v8 =	vadd.s32 $0x800, v7  }
0x213: {  	v7 =	vsel vm15, v8, v7  }
0x214: {  	v13 =	vld.idx.msk [tilespmem:v13+s14+$0x0], $0xffff;
	v8 =	vadd.s32 $0x3F0, v7  }
0x215: {  	v11 =	vld.idx.msk [tilespmem:v11+s14+$0x0], $0xffff  }
0x216: {  	v12 =	vld.idx.msk [tilespmem:v12+s14+$0x0], $0xffff;
	_ =	sdelay $0x2  }
0x217: {  	v15 =	vadd.s32 $0x800, v9;
	v16 =	vadd.s32 $0x800, v10;
	vm6 =	vlt.f32 v13, v17;
	v8 =	vld.idx.msk [tilespmem:v8+s14+$0x0], $0xffff  }
0x218: {  	vm4 =	vlt.f32 v11, v19;
	v11 =	vadd.s32 $0x800, v6;
	v10 =	vsel vm6, v16, v10  }
0x219: {  	vm5 =	vlt.f32 v12, v18;
	v15 =	vsel vm4, v15, v9;
	v16 =	vadd.s32 $0x3F0, v10  }
0x21a: {  	s31 =	simm.s32 $0x13060;
	v12 =	vld.idx.msk [tilespmem:v1+s14+$0x0], $0xffff;
	v11 =	vsel vm5, v11, v6;
	v13 =	vadd.s32 $0x3F0, v15  }
0x21b: {  	v9 =	vld [tilespmem:s31+$0x10];
	v6 =	vadd.s32 $0x3F0, v11  }
0x21c: {  	vm7 =	vlt.f32 v8, v14;
	v8 =	vadd.s32 $0x400, v7  }
0x21d: {  	v20 =	vsel vm7, v8, v7  }
0x21e: {  	v16 =	vld.idx.msk [tilespmem:v16+s14+$0x0], $0xffff;
	v7 =	vadd.s32 $0x1F0, v20  }
0x21f: {  	v8 =	vld.idx.msk [tilespmem:v13+s14+$0x0], $0xffff  }
0x220: {  	vm8 =	vlt.f32 v12, v9;
	v13 =	vld.idx.msk [tilespmem:v6+s14+$0x0], $0xffff  }
0x221: {  	v21 =	vsel vm8, v2, v0  }
0x222: {  	v22 =	vand.u32 $0x8000, v21;
	v6 =	vld [tilespmem:s31+$0xFFFFFFE0]  }
0x223: {  	v22 =	vor.u32 v3, v22;
	v23 =	vld.idx.msk [tilespmem:v7+s14+$0x0], $0xffff  }
0x224: {  	v24 =	vadd.s32 $0x400, v15;
	v25 =	vadd.s32 $0x400, v11;
	vm9 =	vlt.f32 v8, v19;
	v7 =	vld [tilespmem:s31+$0xFFFFFFF0]  }
0x225: {  	vm11 =	vlt.f32 v16, v17;
	vm10 =	vlt.f32 v13, v18;
	v15 =	vsel vm9, v24, v15  }
0x226: {  	v13 =	vadd.s32 $0x400, v10;
	v8 =	vld [tilespmem:s31+$0x0];
	v11 =	vsel vm10, v25, v11;
	v16 =	vadd.s32 $0x1F0, v15  }
0x227: {  	vm12 =	vlt.f32 v12, v6;
	v10 =	vsel vm11, v13, v10;
	v13 =	vadd.s32 $0x1F0, v11  }
0x228: {  	v22 =	vld.idx.msk [tilespmem:v22+s14+$0x0], $0xffff;
	v24 =	vadd.s32 $0x200, v20;
	v25 =	vadd.s32 $0x1F0, v10;
	vm13 =	vlt.f32 v23, v14  }
0x229: {  	vm2 =	vlt.f32 v12, v7;
	v23 =	vsel vm12, v2, v0;
	v20 =	vsel vm13, v24, v20  }
0x22a: {  	v24 =	vsel vm2, v2, v0;
	v26 =	vand.u32 $0x8000, v23;
	v27 =	vadd.s32 $0xF0, v20  }
0x22b: {  	vm14 =	vlt.f32 v12, v8;
	v16 =	vld.idx.msk [tilespmem:v16+s14+$0x0], $0xffff;
	v12 =	vand.u32 $0x8000, v24;
	v26 =	vor.u32 v3, v26  }
0x22c: {  	v28 =	vsel vm14, v2, v0;
	v13 =	vld.idx.msk [tilespmem:v13+s14+$0x0], $0xffff;
	v12 =	vor.u32 v3, v12  }
0x22d: {  	v29 =	vor.u32 $0x4000, v21;
	vm15 =	vlt.f32 v22, v9;
	v30 =	vand.u32 $0x8000, v28;
	v25 =	vld.idx.msk [tilespmem:v25+s14+$0x0], $0xffff  }
0x22e: {  	v21 =	vsel vm15, v29, v21;
	v22 =	vor.u32 v3, v30  }
0x22f: {  	v31 =	vadd.s32 $0x200, v11;
	v29 =	vand.u32 $0xC000, v21;
	v27 =	vld.idx.msk [tilespmem:v27+s14+$0x0], $0xffff  }
0x230: {  	v29 =	vor.u32 v4, v29;
	vm4 =	vlt.f32 v16, v19;
	v16 =	vadd.s32 $0x200, v15;
	v26 =	vld.idx.msk [tilespmem:v26+s14+$0x0], $0xffff  }
0x231: {  	v30 =	vor.u32 $0x4000, v23;
	vm5 =	vlt.f32 v13, v18;
	v15 =	vsel vm4, v16, v15;
	v12 =	vld.idx.msk [tilespmem:v12+s14+$0x0], $0xffff  }
0x232: {  	v13 =	vadd.s32 $0x200, v10;
	vm6 =	vlt.f32 v25, v17;
	v16 =	vadd.s32 $0xF0, v15  }
0x233: {  	v25 =	vor.u32 $0x4000, v24;
	v22 =	vld.idx.msk [tilespmem:v22+s14+$0x0], $0xffff;
	v11 =	vsel vm5, v31, v11;
	v10 =	vsel vm6, v13, v10  }
0x234: {  	v13 =	vadd.s32 $0xF0, v11;
	v31 =	vadd.s32 $0xF0, v10;
	vm7 =	vlt.f32 v27, v14  }
0x235: {  	v27 =	vld.idx.msk [tilespmem:v29+s14+$0x0], $0xffff;
	v29 =	vadd.s32 $0x100, v20;
	vm8 =	vlt.f32 v26, v6;
	v26 =	vor.u32 $0x4000, v28  }
0x236: {  	v20 =	vsel vm7, v29, v20;
	v23 =	vsel vm8, v30, v23;
	vm9 =	vlt.f32 v12, v7  }
0x237: {  	v16 =	vld.idx.msk [tilespmem:v16+s14+$0x0], $0xffff;
	v12 =	vadd.s32 $0x70, v20;
	v29 =	vand.u32 $0xC000, v23;
	v24 =	vsel vm9, v25, v24  }
0x238: {  	vm10 =	vlt.f32 v22, v8;
	v22 =	vor.u32 v4, v29;
	v25 =	vand.u32 $0xC000, v24  }
0x239: {  	v26 =	vsel vm10, v26, v28;
	v13 =	vld.idx.msk [tilespmem:v13+s14+$0x0], $0xffff;
	v25 =	vor.u32 v4, v25  }
0x23a: {  	v28 =	vand.u32 $0xC000, v26;
	v29 =	vld.idx.msk [tilespmem:v31+s14+$0x0], $0xffff;
	vm11 =	vlt.f32 v27, v9;
	v27 =	vor.u32 $0x2000, v21  }
0x23b: {  	v28 =	vor.u32 v4, v28;
	v21 =	vsel vm11, v27, v21  }
0x23c: {  	vm12 =	vlt.f32 v16, v19;
	v16 =	vadd.s32 $0x100, v15;
	v12 =	vld.idx.msk [tilespmem:v12+s14+$0x0], $0xffff;
	v27 =	vor.u32 $0xFF0, v21  }
0x23d: {  	v15 =	vsel vm12, v16, v15;
	v22 =	vld.idx.msk [tilespmem:v22+s14+$0x0], $0xffff  }
0x23e: {  	v30 =	vadd.s32 $0x100, v11;
	vm13 =	vlt.f32 v13, v18;
	v16 =	vadd.s32 $0x70, v15;
	v25 =	vld.idx.msk [tilespmem:v25+s14+$0x0], $0xffff  }
0x23f: {  	v13 =	vadd.s32 $0x100, v10;
	v11 =	vsel vm13, v30, v11;
	vm14 =	vlt.f32 v29, v17  }
0x240: {  	v30 =	vor.u32 $0x2000, v23;
	v28 =	vld.idx.msk [tilespmem:v28+s14+$0x0], $0xffff;
	v29 =	vadd.s32 $0x70, v11;
	v10 =	vsel vm14, v13, v10  }
0x241: {  	v13 =	vld.idx.msk [tilespmem:v27+s14+$0x0], $0xffff;
	v27 =	vadd.s32 $0x70, v10;
	vm15 =	vlt.f32 v12, v14;
	v12 =	vadd.s32 $0x80, v20  }
0x242: {  	v12 =	vsel vm15, v12, v20;
	vm4 =	vlt.f32 v22, v6;
	v20 =	vor.u32 $0x2000, v24  }
0x243: {  	v16 =	vld.idx.msk [tilespmem:v16+s14+$0x0], $0xffff;
	v22 =	vadd.s32 $0x30, v12;
	vm5 =	vlt.f32 v25, v7;
	v23 =	vsel vm4, v30, v23  }
0x244: {  	v20 =	vsel vm5, v20, v24;
	v24 =	vor.u32 $0xFF0, v23  }
0x245: {  	vm6 =	vlt.f32 v28, v8;
	v28 =	vld.idx.msk [tilespmem:v29+s14+$0x0], $0xffff;
	v25 =	vor.u32 $0x2000, v26;
	v29 =	vor.u32 $0xFF0, v20  }
0x246: {  	v25 =	vsel vm6, v25, v26;
	v26 =	vld.idx.msk [tilespmem:v27+s14+$0x0], $0xffff;
	vm7 =	vlt.f32 v13, v9;
	v13 =	vor.u32 $0x1000, v21  }
0x247: {  	v27 =	vor.u32 $0xFF0, v25;
	v13 =	vsel vm7, v13, v21  }
0x248: {  	vm8 =	vlt.f32 v16, v19;
	v16 =	vadd.s32 $0x80, v15;
	v21 =	vld.idx.msk [tilespmem:v22+s14+$0x0], $0xffff;
	v22 =	vadd.s32 $0x7F0, v13  }
0x249: {  	v15 =	vsel vm8, v16, v15;
	v24 =	vld.idx.msk [tilespmem:v24+s14+$0x0], $0xffff  }
0x24a: {  	v30 =	vadd.s32 $0x80, v11;
	vm9 =	vlt.f32 v28, v18;
	v28 =	vld.idx.msk [tilespmem:v29+s14+$0x0], $0xffff;
	v29 =	vadd.s32 $0x30, v15  }
0x24b: {  	v16 =	vadd.s32 $0x80, v10;
	v30 =	vsel vm9, v30, v11;
	vm10 =	vlt.f32 v26, v17  }
0x24c: {  	v11 =	vld.idx.msk [tilespmem:v27+s14+$0x0], $0xffff;
	v26 =	vadd.s32 $0x30, v30;
	v16 =	vsel vm10, v16, v10  }
0x24d: {  	v10 =	vld.idx.msk [tilespmem:v22+s14+$0x0], $0xffff;
	v22 =	vadd.s32 $0x30, v16  }
0x24e: {  	v31 =	vor.u32 $0x1000, v25;
	vm11 =	vlt.f32 v21, v14;
	v21 =	vadd.s32 $0x40, v12  }
0x24f: {  	v12 =	vsel vm11, v21, v12;
	v21 =	vor.u32 $0x1000, v23;
	vm12 =	vlt.f32 v24, v6;
	v29 =	vld.idx.msk [tilespmem:v29+s14+$0x0], $0xffff  }
0x250: {  	v24 =	vor.u32 $0x1000, v20;
	v27 =	vadd.s32 $0x10, v12;
	v21 =	vsel vm12, v21, v23  }
0x251: {  	vm13 =	vlt.f32 v28, v7;
	vm14 =	vlt.f32 v11, v8;
	v23 =	vld.idx.msk [tilespmem:v26+s14+$0x0], $0xffff;
	v26 =	vadd.s32 $0x7F0, v21  }
0x252: {  	s25 =	simm.s32 $0x130A0;
	v20 =	vsel vm13, v24, v20;
	v22 =	vld.idx.msk [tilespmem:v22+s14+$0x0], $0xffff;
	vm15 =	vlt.f32 v10, v9;
	v10 =	vadd.s32 $0x800, v13  }
0x253: {  	v11 =	vld [tilespmem:s25+$0xFFFFFFE0];
	v24 =	vsel vm14, v31, v25;
	v28 =	vadd.s32 $0x7F0, v20;
	v31 =	vsel vm15, v10, v13  }
0x254: {  	v25 =	vld.idx.msk [tilespmem:v1+s14+$0x0], $0xffff;
	v13 =	vadd.s32 $0x7F0, v24;
	vm4 =	vlt.f32 v29, v19;
	v29 =	vadd.s32 $0x40, v15  }
0x255: {  	v27 =	vld.idx.msk [tilespmem:v27+s14+$0x0], $0xffff;
	v32 =	vadd.s32 $0x3F0, v31;
	v15 =	vsel vm4, v29, v15  }
0x256: {  	v33 =	vadd.s32 $0x40, v30;
	vm5 =	vlt.f32 v23, v18;
	v26 =	vld.idx.msk [tilespmem:v26+s14+$0x0], $0xffff;
	v29 =	vadd.s32 $0x10, v15  }
0x257: {  	v10 =	vld [tilespmem:s25+$0xFFFFFFF0];
	v23 =	vadd.s32 $0x40, v16;
	v30 =	vsel vm5, v33, v30;
	vm6 =	vlt.f32 v22, v17  }
0x258: {  	v22 =	vld.idx.msk [tilespmem:v28+s14+$0x0], $0xffff;
	v28 =	vadd.s32 $0x10, v30;
	v16 =	vsel vm6, v23, v16  }
0x259: {  	v59 =	vadd.s32 $0x800, v24;
	v13 =	vld.idx.msk [tilespmem:v13+s14+$0x0], $0xffff;
	v23 =	vadd.s32 $0x10, v16  }
0x25a: {  	v61 =	vadd.s32 $0x400, v31;
	vm7 =	vlt.f32 v27, v14;
	v27 =	vadd.s32 $0x20, v12;
	v32 =	vld.idx.msk [tilespmem:v32+s14+$0x0], $0xffff  }
0x25b: {  	v27 =	vsel vm7, v27, v12;
	v12 =	vadd.s32 $0x800, v21;
	vm9 =	vlt.f32 v26, v6;
	v29 =	vld.idx.msk [tilespmem:v29+s14+$0x0], $0xffff  }
0x25c: {  	vm8 =	vlt.f32 v25, v11;
	vm0 =	vlt.f32 v25, v10;
	v21 =	vsel vm9, v12, v21;
	v12 =	vld [tilespmem:s25+$0x0]  }
0x25d: {  	v26 =	vadd.s32 $0x800, v20;
	v28 =	vld.idx.msk [tilespmem:v28+s14+$0x0], $0xffff;
	vm3 =	vlt.f32 v22, v7;
	v41 =	vadd.s32 $0x400, v21  }
0x25e: {  	vm10 =	vlt.f32 v13, v8;
	v20 =	vsel vm3, v26, v20;
	v22 =	vld.idx.msk [tilespmem:v23+s14+$0x0], $0xffff;
	v23 =	vadd.s32 $0x3F0, v21  }
0x25f: {  	v13 =	vld [tilespmem:s25+$0x10];
	v24 =	vsel vm10, v59, v24;
	v26 =	vadd.s32 $0x3F0, v20;
	vm11 =	vlt.f32 v32, v9  }
0x260: {  	v42 =	vadd.s32 $0x400, v20;
	v34 =	vadd.s32 $0x3F0, v24;
	v31 =	vsel vm11, v61, v31  }
0x261: {  	v60 =	vld.idx.msk [tilespmem:v27+s14+$0x0], $0xffff;
	vm12 =	vlt.f32 v29, v19;
	v29 =	vadd.s32 $0x20, v15;
	v32 =	vadd.s32 $0x1F0, v31  }
0x262: {  	vm4 =	vlt.f32 v25, v12;
	v15 =	vsel vm12, v29, v15;
	vm13 =	vlt.f32 v28, v18  }
0x263: {  	v28 =	vadd.s32 $0x20, v30;
	v29 =	vsel vm8, v2, v0;
	v36 =	vsel vm4, v2, v0  }
0x264: {  	v28 =	vsel vm13, v28, v30;
	vm8 =	vlt.f32 v25, v13;
	v40 =	vand.u32 $0x8000, v29  }
0x265: {  	vm14 =	vlt.f32 v22, v17;
	v22 =	vadd.s32 $0x20, v16;
	v26 =	vld.idx.msk [tilespmem:v26+s14+$0x0], $0xffff;
	v40 =	vor.u32 v3, v40  }
0x266: {  	v16 =	vsel vm14, v22, v16;
	v22 =	vld.idx.msk [tilespmem:v23+s14+$0x0], $0xffff;
	vm15 =	vlt.f32 v60, v14;
	v23 =	vadd.s32 $0x10, v27  }
0x267: {  	v30 =	vsel vm0, v2, v0;
	v50 =	vadd.s32 $0x10, v15;
	v25 =	vsel vm15, v23, v27;
	v27 =	vld.idx.msk [tilespmem:v34+s14+$0x0], $0xffff  }
0x268: {  	v59 =	vor.u32 $0x4000, v29;
	v62 =	vsel vm8, v2, v0;
	v43 =	vadd.s32 $0x10, v28;
	v32 =	vld.idx.msk [tilespmem:v32+s14+$0x0], $0xffff  }
0x269: {  	v37 =	vor.u32 $0x4000, v62;
	v38 =	vand.u32 $0x8000, v62;
	v35 =	vadd.s32 $0xFFF0, v25;
	v39 =	vld.idx.msk [tilespmem:v15+s14+$0x0], $0xffff  }
0x26a: {  	v63 =	vor.u32 v3, v38;
	v44 =	vadd.s32 $0x10, v16;
	v35 =	vand.u32 $0xFFFF, v35;
	v38 =	vld.idx.msk [tilespmem:v28+s14+$0x0], $0xffff  }
0x26b: {  	v23 =	vsel vm15, v23, v35;
	vm10 =	vlt.f32 v26, v7;
	v40 =	vld.idx.msk [tilespmem:v40+s14+$0x0], $0xffff;
	vm9 =	vlt.f32 v22, v6  }
0x26c: {  	v26 =	vadd.s32 $0x400, v24;
	v22 =	vld.idx.msk [tilespmem:v16+s14+$0x0], $0xffff;
	v20 =	vsel vm10, v42, v20;
	v21 =	vsel vm9, v41, v21  }
0x26d: {  	vm11 =	vlt.f32 v27, v8;
	v48 =	vadd.s32 $0x1F0, v20;
	vm12 =	vlt.f32 v32, v9  }
0x26e: {  	v61 =	vadd.s32 $0x200, v20;
	v27 =	vadd.s32 $0x1F0, v21;
	v24 =	vsel vm11, v26, v24  }
0x26f: {  	v26 =	vadd.s32 $0x200, v31;
	vm2 =	vlt.f32 v39, v19;
	vm1 =	vlt.f32 v38, v18  }
0x270: {  	v49 =	vadd.s32 $0x1F0, v24;
	v15 =	vsel vm2, v50, v15;
	v23 =	vld.idx.msk [tilespmem:v23+s14+$0x0], $0xffff;
	v28 =	vsel vm1, v43, v28  }
0x271: {  	vm9 =	vlt.f32 v40, v11;
	vm0 =	vlt.f32 v22, v17;
	v46 =	vadd.s32 $0xFFF0, v28  }
0x272: {  	v29 =	vsel vm9, v59, v29;
	v45 =	vsel vm0, v44, v16;
	v16 =	vadd.s32 $0xFFF0, v15  }
0x273: {  	v46 =	vand.u32 $0xFFFF, v46;
	v55 =	vld.idx.msk [tilespmem:v48+s14+$0x0], $0xffff;
	v48 =	vor.u32 $0x4000, v36;
	v47 =	vadd.s32 $0xFFF0, v45  }
0x274: {  	v16 =	vand.u32 $0xFFFF, v16;
	v52 =	vsel vm1, v43, v46;
	v54 =	vld.idx.msk [tilespmem:v27+s14+$0x0], $0xffff;
	v27 =	vand.u32 $0x8000, v36  }
0x275: {  	v32 =	vsel vm2, v50, v16;
	v16 =	vld.idx.msk [tilespmem:v63+s14+$0x0], $0xffff;
	v51 =	vsel vm15, v23, v60;
	v23 =	vsel vm15, v60, v23  }
0x276: {  	v57 =	vor.u32 v3, v27;
	v35 =	vsub.f32 v51, v14;
	v14 =	vsub.f32 v14, v23  }
0x277: {  	v56 =	vld.idx.msk [tilespmem:v49+s14+$0x0], $0xffff;
	v60 =	vadd.s32 $0x200, v21;
	v23 =	vsel vm12, v26, v31;
	v26 =	vand.u32 $0x8000, v30  }
0x278: {  	v53 =	vadd.s32 $0xF0, v23;
	v35 =	vand.u32 $0x7FFFFFFF, v35;
	v14 =	vand.u32 $0x7FFFFFFF, v14  }
0x279: {  	v26 =	vor.u32 v3, v26;
	vm15 =	vlt.f32 v54, v6;
	vm13 =	vlt.f32 v14, v35  }
0x27a: {  	v14 =	vshrl.u32 v25, $0x4;
	vm14 =	vlt.f32 v16, v13;
	v16 =	vshrl.u32 v15, $0x4  }
0x27b: {  	v15 =	vshrl.u32 v28, $0x4;
	v21 =	vsel vm15, v60, v21;
	v25 =	vsel vm13, $0xFFFFFFFF, v5  }
0x27c: {  	vm7 =	vlt.f32 v56, v8;
	v27 =	vadd.s32 v25, v14;
	v25 =	vsel vm14, v37, v62  }
0x27d: {  	v43 =	vadd.s32 $0xF0, v21;
	v62 =	vadd.s32 $0x200, v24;
	v28 =	vand.u32 $0xC000, v25;
	v58 =	vld.idx.msk [tilespmem:v53+s14+$0x0], $0xffff  }
0x27e: {  	vm6 =	vlt.f32 v55, v7;
	v42 =	vld.idx.msk [tilespmem:v57+s14+$0x0], $0xffff;
	v24 =	vsel vm7, v62, v24;
	v28 =	vor.u32 v4, v28  }
0x27f: {  	v47 =	vand.u32 $0xFFFF, v47;
	v20 =	vsel vm6, v61, v20;
	v26 =	vld.idx.msk [tilespmem:v26+s14+$0x0], $0xffff;
	v35 =	vadd.s32 $0xF0, v24  }
0x280: {  	v49 =	vand.u32 $0xC000, v29;
	v31 =	vsel vm0, v44, v47;
	v33 =	vld.idx.msk [tilespmem:v52+s14+$0x0], $0xffff;
	v44 =	vadd.s32 $0xF0, v20  }
0x281: {  	v63 =	vor.u32 $0x4000, v30;
	v34 =	vor.u32 v4, v49;
	v47 =	vadd.s32 $0x100, v23;
	v32 =	vld.idx.msk [tilespmem:v32+s14+$0x0], $0xffff  }
0x282: {  	v57 =	vadd.s32 $0x100, v20;
	v56 =	vadd.s32 $0x100, v21;
	v50 =	vld.idx.msk [tilespmem:v43+s14+$0x0], $0xffff;
	vm8 =	vlt.f32 v58, v9  }
0x283: {  	v14 =	vshrl.u32 v45, $0x4;
	vm11 =	vlt.f32 v42, v12;
	v28 =	vld.idx.msk [tilespmem:v28+s14+$0x0], $0xffff;
	v23 =	vsel vm8, v47, v23  }
0x284: {  	v36 =	vsel vm11, v48, v36;
	vm10 =	vlt.f32 v26, v10;
	v35 =	vld.idx.msk [tilespmem:v35+s14+$0x0], $0xffff;
	v26 =	vadd.s32 $0x70, v23  }
0x285: {  	v62 =	vor.u32 $0x2000, v29;
	v51 =	vld.idx.msk [tilespmem:v44+s14+$0x0], $0xffff;
	v52 =	vand.u32 $0xC000, v36;
	v30 =	vsel vm10, v63, v30  }
0x286: {  	v34 =	vld.idx.msk [tilespmem:v34+s14+$0x0], $0xffff;
	v54 =	vsel vm1, v33, v38;
	v42 =	vor.u32 v4, v52;
	v41 =	vand.u32 $0xC000, v30  }
0x287: {  	v31 =	vld.idx.msk [tilespmem:v31+s14+$0x0], $0xffff;
	v58 =	vadd.s32 $0x100, v24;
	v41 =	vor.u32 v4, v41;
	vm13 =	vlt.f32 v50, v6  }
0x288: {  	v21 =	vsel vm13, v56, v21;
	vm12 =	vlt.f32 v28, v13;
	v28 =	vor.u32 $0x2000, v25  }
0x289: {  	v60 =	vadd.s32 $0x70, v21;
	vm15 =	vlt.f32 v35, v8;
	v25 =	vsel vm12, v28, v25;
	v26 =	vld.idx.msk [tilespmem:v26+s14+$0x0], $0xffff  }
0x28a: {  	vm14 =	vlt.f32 v51, v7;
	v37 =	vsel vm15, v58, v24;
	v55 =	vor.u32 $0xFF0, v25  }
0x28b: {  	v33 =	vsel vm1, v38, v33;
	v44 =	vsel vm14, v57, v20;
	v20 =	vld.idx.msk [tilespmem:v42+s14+$0x0], $0xffff;
	v24 =	vadd.s32 $0x70, v37  }
0x28c: {  	v53 =	vsel vm2, v32, v39;
	vm5 =	vlt.f32 v34, v11;
	v38 =	vsel vm0, v31, v22;
	v59 =	vld.idx.msk [tilespmem:v41+s14+$0x0], $0xffff  }
0x28d: {  	v22 =	vsel vm0, v22, v31;
	v63 =	vsub.f32 v53, v19;
	v61 =	vadd.s32 $0x70, v44  }
0x28e: {  	v28 =	vsel vm2, v39, v32;
	v49 =	vld.idx.msk [tilespmem:v60+s14+$0x0], $0xffff;
	vm4 =	vlt.f32 v26, v9;
	v26 =	vadd.s32 $0x80, v23  }
0x28f: {  	v39 =	vsel vm5, v62, v29;
	v29 =	vor.u32 $0x2000, v36;
	v31 =	vld.idx.msk [tilespmem:v55+s14+$0x0], $0xffff;
	v23 =	vsel vm4, v26, v23  }
0x290: {  	v50 =	vor.u32 $0xFF0, v39;
	v19 =	vsub.f32 v19, v28;
	v28 =	vld.idx.msk [tilespmem:v24+s14+$0x0], $0xffff;
	v48 =	vadd.s32 $0x30, v23  }
0x291: {  	vm7 =	vlt.f32 v20, v12;
	v26 =	vor.u32 $0x2000, v30;
	vm6 =	vlt.f32 v59, v10  }
0x292: {  	v20 =	vor.u32 $0x1000, v25;
	v52 =	vsel vm7, v29, v36;
	v51 =	vsel vm6, v26, v30;
	v26 =	vld.idx.msk [tilespmem:v61+s14+$0x0], $0xffff  }
0x293: {  	v53 =	vor.u32 $0xFF0, v52;
	v30 =	vor.u32 $0xFF0, v51;
	vm9 =	vlt.f32 v49, v6  }
0x294: {  	vm8 =	vlt.f32 v31, v13;
	v31 =	vsub.f32 v54, v18;
	v54 =	vsub.f32 v18, v33  }
0x295: {  	v18 =	vsub.f32 v38, v17;
	vm11 =	vlt.f32 v28, v8;
	v29 =	vsel vm8, v20, v25;
	v55 =	vld.idx.msk [tilespmem:v48+s14+$0x0], $0xffff  }
0x296: {  	v57 =	vld.idx.msk [tilespmem:v50+s14+$0x0], $0xffff;
	v20 =	vsub.f32 v17, v22;
	v17 =	vadd.s32 $0x80, v21;
	v56 =	vadd.s32 $0x7F0, v29  }
0x297: {  	v22 =	vadd.s32 $0x80, v44;
	vm10 =	vlt.f32 v26, v7;
	v24 =	vsel vm9, v17, v21  }
0x298: {  	v59 =	vld.idx.msk [tilespmem:v53+s14+$0x0], $0xffff;
	v17 =	vadd.s32 $0x80, v37;
	v25 =	vsel vm10, v22, v44;
	v58 =	vadd.s32 $0x30, v24  }
0x299: {  	v61 =	vor.u32 $0x1000, v39;
	v30 =	vld.idx.msk [tilespmem:v30+s14+$0x0], $0xffff;
	v60 =	vadd.s32 $0x30, v25;
	v26 =	vsel vm11, v17, v37  }
0x29a: {  	v21 =	vadd.s32 $0x40, v23;
	v37 =	vadd.s32 $0x30, v26;
	vm12 =	vlt.f32 v55, v9  }
0x29b: {  	v62 =	vor.u32 $0x1000, v51;
	vm13 =	vlt.f32 v57, v11;
	v23 =	vsel vm12, v21, v23;
	v35 =	vld.idx.msk [tilespmem:v56+s14+$0x0], $0xffff  }
0x29c: {  	v32 =	vsel vm13, v61, v39;
	v22 =	vand.u32 $0x7FFFFFFF, v19;
	v28 =	vadd.s32 $0x10, v23  }
0x29d: {  	v19 =	vand.u32 $0x7FFFFFFF, v31;
	v36 =	vadd.s32 $0x7F0, v32;
	v17 =	vand.u32 $0x7FFFFFFF, v63;
	v31 =	vld.idx.msk [tilespmem:v58+s14+$0x0], $0xffff  }
0x29e: {  	s23 =	simm.s32 $0x17020;
	v63 =	vor.u32 $0x1000, v52;
	vm15 =	vlt.f32 v59, v12;
	vm14 =	vlt.f32 v30, v10;
	v30 =	vld.idx.msk [tilespmem:v60+s14+$0x0], $0xffff  }
0x29f: {  	s26 =	simm.s32 $0x80;
	s24 =	simm.s32 $0x17020;
	[tilespmem:s23+$0x10] =	vst v27;
	v34 =	vsel vm15, v63, v52;
	v21 =	vand.u32 $0x7FFFFFFF, v54;
	v33 =	vsel vm14, v62, v51;
	v27 =	vld.idx.msk [tilespmem:v37+s14+$0x0], $0xffff  }
.LBB2_11:
0x2a0: {  	v37 =	vld.idx.msk [tilespmem:v1+s14+$0x0], $0xffff;
	v38 =	vadd.s32 $0x7F0, v33;
	vm0 =	vlt.f32 v35, v13;
	v35 =	vadd.s32 $0x800, v29  }
0x2a1: {  	v39 =	vadd.s32 $0x7F0, v34;
	s25 =	sadd.s32 $0x40, s25;
	v29 =	vsel vm0, v35, v29;
	v28 =	vld.idx.msk [tilespmem:v28+s14+$0x0], $0xffff;
	v35 =	vand.u32 $0x7FFFFFFF, v18  }
0x2a2: {  	v20 =	vand.u32 $0x7FFFFFFF, v20;
	vm0 =	vlt.f32 v22, v17;
	v18 =	vld [tilespmem:s25+$0xFFFFFFE0];
	v40 =	vadd.s32 $0x3F0, v29  }
0x2a3: {  	v22 =	vadd.s32 $0x40, v24;
	vm1 =	vlt.f32 v31, v6;
	v31 =	vadd.s32 $0x40, v25;
	v17 =	vld [tilespmem:s25+$0xFFFFFFF0]  }
0x2a4: {  	v22 =	vsel vm1, v22, v24;
	vm1 =	vlt.f32 v30, v7;
	v24 =	vadd.s32 $0x40, v26;
	v36 =	vld.idx.msk [tilespmem:v36+s14+$0x0], $0xffff  }
0x2a5: {  	v25 =	vsel vm1, v31, v25;
	vm1 =	vlt.f32 v27, v8;
	v30 =	vld.idx.msk [tilespmem:v38+s14+$0x0], $0xffff;
	v38 =	vadd.s32 $0x10, v22  }
0x2a6: {  	v31 =	vadd.s32 $0x10, v25;
	v26 =	vsel vm1, v24, v26;
	vm1 =	vlt.f32 v21, v19;
	v27 =	vld.idx.msk [tilespmem:v39+s14+$0x0], $0xffff  }
0x2a7: {  	v19 =	vadd.s32 $0x20, v23;
	v39 =	vadd.s32 $0x10, v26;
	vm2 =	vlt.f32 v28, v9  }
0x2a8: {  	v21 =	vsel vm0, $0xFFFFFFFF, v5;
	vm0 =	vlt.f32 v20, v35;
	v23 =	vsel vm2, v19, v23;
	v28 =	vld.idx.msk [tilespmem:v40+s14+$0x0], $0xffff  }
0x2a9: {  	v16 =	vadd.s32 v21, v16;
	v24 =	vsel vm1, $0xFFFFFFFF, v5;
	v21 =	vsel vm0, $0xFFFFFFFF, v5;
	v19 =	vld [tilespmem:s25+$0x0]  }
0x2aa: {  	v20 =	vadd.s32 $0x800, v32;
	vm1 =	vlt.f32 v37, v18;
	vm0 =	vlt.f32 v37, v17;
	v35 =	vld.idx.msk [tilespmem:v38+s14+$0x0], $0xffff;
	[tilespmem:s23+$0xFFFFFFE0] =	vst v16  }
0x2ab: {  	vm2 =	vlt.f32 v36, v11;
	v36 =	vadd.s32 $0x800, v34;
	v16 =	vadd.s32 $0x800, v33;
	v31 =	vld.idx.msk [tilespmem:v31+s14+$0x0], $0xffff  }
0x2ac: {  	v32 =	vsel vm2, v20, v32;
	vm2 =	vlt.f32 v30, v10;
	vm3 =	vlt.f32 v27, v12;
	v20 =	vld.idx.msk [tilespmem:v39+s14+$0x0], $0xffff  }
0x2ad: {  	v27 =	vadd.s32 $0x3F0, v32;
	v16 =	vsel vm2, v16, v33;
	v30 =	vsel vm3, v36, v34;
	v33 =	vld.idx.msk [tilespmem:v23+s14+$0x0], $0xffff  }
0x2ae: {  	v34 =	vadd.s32 $0x3F0, v16;
	vm2 =	vlt.f32 v28, v13;
	v28 =	vadd.s32 $0x400, v29  }
0x2af: {  	v38 =	vadd.s32 $0x3F0, v30;
	vm4 =	vlt.f32 v37, v19;
	v28 =	vsel vm2, v28, v29;
	v36 =	vld [tilespmem:s25+$0x10]  }
0x2b0: {  	v29 =	vadd.s32 $0x1F0, v28;
	vm2 =	vlt.f32 v35, v6;
	v35 =	vadd.s32 $0x20, v22  }
0x2b1: {  	v35 =	vsel vm2, v35, v22;
	vm2 =	vlt.f32 v31, v7;
	v22 =	vadd.s32 $0x20, v25  }
0x2b2: {  	v39 =	vsel vm2, v22, v25;
	vm2 =	vlt.f32 v20, v8;
	v20 =	vadd.s32 $0x20, v26;
	v31 =	vld.idx.msk [tilespmem:v27+s14+$0x0], $0xffff  }
0x2b3: {  	v40 =	vsel vm2, v20, v26;
	vm3 =	vlt.f32 v33, v9;
	v20 =	vadd.s32 $0x10, v23;
	v34 =	vld.idx.msk [tilespmem:v34+s14+$0x0], $0xffff  }
0x2b4: {  	v26 =	vsel vm1, v2, v0;
	vm1 =	vlt.f32 v37, v36;
	v37 =	vld.idx.msk [tilespmem:v38+s14+$0x0], $0xffff;
	v38 =	vsel vm3, v20, v23  }
0x2b5: {  	v27 =	vsel vm0, v2, v0;
	v41 =	vsel vm1, v2, v0;
	v29 =	vld.idx.msk [tilespmem:v29+s14+$0x0], $0xffff;
	v23 =	vadd.s32 $0xFFF0, v38  }
0x2b6: {  	v25 =	vsel vm4, v2, v0;
	v42 =	vor.u32 $0x4000, v41;
	v22 =	vld.idx.msk [tilespmem:v35+s14+$0x0], $0xffff;
	v43 =	vand.u32 $0xFFFF, v23  }
0x2b7: {  	v44 =	vand.u32 $0x8000, v26;
	v45 =	vand.u32 $0x8000, v41;
	v23 =	vld.idx.msk [tilespmem:v39+s14+$0x0], $0xffff;
	v43 =	vsel vm3, v20, v43  }
0x2b8: {  	v46 =	vadd.s32 $0x400, v32;
	v47 =	vadd.s32 $0x400, v16;
	v45 =	vor.u32 v3, v45;
	v20 =	vld.idx.msk [tilespmem:v40+s14+$0x0], $0xffff  }
0x2b9: {  	vm0 =	vlt.f32 v31, v11;
	v31 =	vadd.s32 $0x400, v30;
	vm1 =	vlt.f32 v34, v10  }
0x2ba: {  	v32 =	vsel vm0, v46, v32;
	v34 =	vsel vm1, v47, v16;
	vm0 =	vlt.f32 v37, v12  }
0x2bb: {  	v16 =	vadd.s32 $0x1F0, v32;
	v30 =	vsel vm0, v31, v30;
	v31 =	vadd.s32 $0x200, v28  }
0x2bc: {  	v37 =	vadd.s32 $0x1F0, v34;
	vm4 =	vlt.f32 v29, v13;
	v46 =	vadd.s32 $0x1F0, v30;
	v29 =	vld.idx.msk [tilespmem:v43+s14+$0x0], $0xffff  }
0x2bd: {  	s26 =	sadd.s32 $0x40, s26;
	v48 =	vadd.s32 $0x10, v40;
	v47 =	vadd.s32 $0x10, v39;
	v43 =	vadd.s32 $0x10, v35  }
0x2be: {  	p0 =	slt.u32 s26, $0x1FC0;
	vm2 =	vlt.f32 v22, v6;
	vm1 =	vlt.f32 v23, v7;
	vm0 =	vlt.f32 v20, v8  }
0x2bf: {  	v35 =	vsel vm2, v43, v35;
	v39 =	vsel vm1, v47, v39;
	v40 =	vsel vm0, v48, v40  }
0x2c0: {  	v49 =	vadd.s32 $0xFFF0, v35;
	v50 =	vadd.s32 $0xFFF0, v39;
	v51 =	vadd.s32 $0xFFF0, v40  }
0x2c1: {  	v49 =	vand.u32 $0xFFFF, v49;
	v50 =	vand.u32 $0xFFFF, v50;
	v51 =	vand.u32 $0xFFFF, v51  }
0x2c2: {  	v43 =	vsel vm2, v43, v49;
	v49 =	vsel vm3, v29, v33;
	v29 =	vsel vm3, v33, v29;
	v45 =	vld.idx.msk [tilespmem:v45+s14+$0x0], $0xffff  }
0x2c3: {  	v33 =	vsel vm1, v47, v50;
	v47 =	vsub.f32 v49, v9;
	v29 =	vsub.f32 v9, v29;
	v9 =	vmovc v13  }
0x2c4: {  	v28 =	vsel vm4, v31, v28;
	v31 =	vsel vm0, v48, v51;
	v49 =	vand.u32 $0x8000, v27;
	v13 =	vmovc v36;
	v50 =	vld.idx.msk [tilespmem:v16+s14+$0x0], $0xffff  }
0x2c5: {  	v16 =	vand.u32 $0x7FFFFFFF, v47;
	v29 =	vand.u32 $0x7FFFFFFF, v29;
	v36 =	vld.idx.msk [tilespmem:v37+s14+$0x0], $0xffff;
	v37 =	vadd.s32 $0xF0, v28  }
0x2c6: {  	v44 =	vor.u32 v3, v44;
	v47 =	vand.u32 $0x8000, v25;
	vm3 =	vlt.f32 v29, v16;
	v46 =	vld.idx.msk [tilespmem:v46+s14+$0x0], $0xffff  }
0x2c7: {  	v29 =	vor.u32 v3, v49;
	v16 =	vshrl.u32 v38, $0x4;
	v38 =	vsel vm3, $0xFFFFFFFF, v5;
	v43 =	vld.idx.msk [tilespmem:v43+s14+$0x0], $0xffff  }
0x2c8: {  	s23 =	sadd.s32 $0x40, s23;
	v47 =	vor.u32 v3, v47;
	vm3 =	vlt.f32 v45, v13;
	v38 =	vadd.s32 v38, v16;
	v33 =	vld.idx.msk [tilespmem:v33+s14+$0x0], $0xffff  }
0x2c9: {  	v16 =	vshrl.u32 v35, $0x4;
	v35 =	vshrl.u32 v39, $0x4;
	v41 =	vsel vm3, v42, v41;
	v31 =	vld.idx.msk [tilespmem:v31+s14+$0x0], $0xffff;
	[tilespmem:s23+$0x10] =	vst v38  }
0x2ca: {  	v24 =	vadd.s32 v24, v15;
	v39 =	vshrl.u32 v40, $0x4;
	v15 =	vmovc v35;
	v38 =	vand.u32 $0xC000, v41;
	v37 =	vld.idx.msk [tilespmem:v37+s14+$0x0], $0xffff  }
0x2cb: {  	v40 =	vor.u32 $0x4000, v26;
	v42 =	vadd.s32 v21, v14;
	v38 =	vor.u32 v4, v38;
	v35 =	vld.idx.msk [tilespmem:v44+s14+$0x0], $0xffff;
	[tilespmem:s24+$0xFFFFFFF0] =	vst v24  }
0x2cc: {  	v14 =	vmovc v39;
	vm3 =	vlt.f32 v50, v11;
	v24 =	vadd.s32 $0x200, v32;
	v21 =	vld.idx.msk [tilespmem:v29+s14+$0x0], $0xffff;
	v29 =	vadd.s32 $0x200, v34;
	[tilespmem:s24+$0x0] =	vst v42;
	s24 =	smov.u32 s23  }
0x2cd: {  	v24 =	vsel vm3, v24, v32;
	vm3 =	vlt.f32 v36, v10;
	v32 =	vadd.s32 $0x200, v30;
	v39 =	vld.idx.msk [tilespmem:v47+s14+$0x0], $0xffff  }
0x2ce: {  	v36 =	vadd.s32 $0xF0, v24;
	v29 =	vsel vm3, v29, v34;
	vm3 =	vlt.f32 v46, v12  }
0x2cf: {  	v34 =	vor.u32 $0x4000, v27;
	v42 =	vadd.s32 $0xF0, v29;
	v30 =	vsel vm3, v32, v30  }
0x2d0: {  	vm3 =	vlt.f32 v37, v9;
	v37 =	vadd.s32 $0x100, v28;
	v32 =	vld.idx.msk [tilespmem:v38+s14+$0x0], $0xffff;
	v38 =	vadd.s32 $0xF0, v30  }
0x2d1: {  	vm4 =	vlt.f32 v35, v18;
	v35 =	vor.u32 $0x4000, v25;
	v28 =	vsel vm3, v37, v28  }
0x2d2: {  	v26 =	vsel vm4, v40, v26;
	vm3 =	vlt.f32 v21, v17;
	v21 =	vadd.s32 $0x70, v28  }
0x2d3: {  	v37 =	vand.u32 $0xC000, v26;
	v27 =	vsel vm3, v34, v27;
	vm3 =	vlt.f32 v39, v19;
	v34 =	vld.idx.msk [tilespmem:v36+s14+$0x0], $0xffff  }
0x2d4: {  	v36 =	vor.u32 v4, v37;
	v37 =	vand.u32 $0xC000, v27;
	v25 =	vsel vm3, v35, v25;
	v35 =	vld.idx.msk [tilespmem:v42+s14+$0x0], $0xffff  }
0x2d5: {  	v40 =	vsel vm2, v43, v22;
	v37 =	vor.u32 v4, v37;
	v39 =	vand.u32 $0xC000, v25;
	v38 =	vld.idx.msk [tilespmem:v38+s14+$0x0], $0xffff  }
0x2d6: {  	v39 =	vor.u32 v4, v39;
	vm3 =	vlt.f32 v32, v13;
	v32 =	vor.u32 $0x2000, v41  }
0x2d7: {  	v22 =	vsel vm2, v22, v43;
	v32 =	vsel vm3, v32, v41;
	v41 =	vsel vm1, v33, v23;
	v21 =	vld.idx.msk [tilespmem:v21+s14+$0x0], $0xffff  }
0x2d8: {  	v23 =	vsel vm1, v23, v33;
	v33 =	vsel vm0, v31, v20;
	v42 =	vor.u32 $0xFF0, v32  }
0x2d9: {  	v43 =	vadd.s32 $0x100, v29;
	vm1 =	vlt.f32 v34, v11;
	v34 =	vadd.s32 $0x100, v24;
	v36 =	vld.idx.msk [tilespmem:v36+s14+$0x0], $0xffff  }
0x2da: {  	v24 =	vsel vm1, v34, v24;
	vm1 =	vlt.f32 v35, v10;
	v34 =	vadd.s32 $0x100, v30;
	v37 =	vld.idx.msk [tilespmem:v37+s14+$0x0], $0xffff  }
0x2db: {  	v43 =	vsel vm1, v43, v29;
	vm1 =	vlt.f32 v38, v12;
	v35 =	vld.idx.msk [tilespmem:v39+s14+$0x0], $0xffff;
	v39 =	vadd.s32 $0x70, v24  }
0x2dc: {  	v20 =	vsel vm0, v20, v31;
	v29 =	vadd.s32 $0x70, v43;
	v30 =	vsel vm1, v34, v30  }
0x2dd: {  	v34 =	vadd.s32 $0x70, v30;
	vm0 =	vlt.f32 v21, v9;
	v21 =	vadd.s32 $0x80, v28;
	v31 =	vld.idx.msk [tilespmem:v42+s14+$0x0], $0xffff  }
0x2de: {  	v38 =	vor.u32 $0x2000, v26;
	v21 =	vsel vm0, v21, v28;
	v28 =	vsub.f32 v40, v6  }
0x2df: {  	vm0 =	vlt.f32 v36, v18;
	v36 =	vor.u32 $0x2000, v27;
	v40 =	vadd.s32 $0x30, v21  }
0x2e0: {  	v38 =	vsel vm0, v38, v26;
	vm0 =	vlt.f32 v37, v17;
	v26 =	vor.u32 $0x2000, v25;
	v37 =	vld.idx.msk [tilespmem:v39+s14+$0x0], $0xffff  }
0x2e1: {  	v39 =	vor.u32 $0xFF0, v38;
	v27 =	vsel vm0, v36, v27;
	vm0 =	vlt.f32 v35, v19;
	v35 =	vld.idx.msk [tilespmem:v29+s14+$0x0], $0xffff  }
0x2e2: {  	v22 =	vsub.f32 v6, v22;
	v6 =	vmovc v11;
	v36 =	vor.u32 $0xFF0, v27;
	v42 =	vsel vm0, v26, v25;
	v26 =	vld.idx.msk [tilespmem:v34+s14+$0x0], $0xffff  }
0x2e3: {  	v11 =	vmovc v18;
	v29 =	vor.u32 $0x1000, v32;
	v25 =	vor.u32 $0xFF0, v42;
	vm0 =	vlt.f32 v31, v13  }
0x2e4: {  	v34 =	vsub.f32 v7, v23;
	v29 =	vsel vm0, v29, v32;
	v32 =	vsub.f32 v41, v7;
	v31 =	vld.idx.msk [tilespmem:v40+s14+$0x0], $0xffff  }
0x2e5: {  	v20 =	vsub.f32 v8, v20;
	v18 =	vsub.f32 v33, v8;
	v7 =	vmovc v10;
	v10 =	vmovc v17;
	v23 =	vadd.s32 $0x7F0, v29  }
0x2e6: {  	v8 =	vmovc v12;
	v12 =	vmovc v19;
	v17 =	vadd.s32 $0x80, v24;
	vm0 =	vlt.f32 v37, v6;
	v37 =	vadd.s32 $0x80, v43;
	v33 =	vld.idx.msk [tilespmem:v39+s14+$0x0], $0xffff  }
0x2e7: {  	v24 =	vsel vm0, v17, v24;
	vm0 =	vlt.f32 v35, v7;
	v17 =	vadd.s32 $0x80, v30;
	v36 =	vld.idx.msk [tilespmem:v36+s14+$0x0], $0xffff  }
0x2e8: {  	v40 =	vadd.s32 $0x30, v24;
	v39 =	vld.idx.msk [tilespmem:v25+s14+$0x0], $0xffff;
	v25 =	vsel vm0, v37, v43;
	vm0 =	vlt.f32 v26, v8  }
0x2e9: {  	v37 =	vadd.s32 $0x30, v25;
	v26 =	vsel vm0, v17, v30;
	v17 =	vand.u32 $0x7FFFFFFF, v28  }
0x2ea: {  	v19 =	vadd.s32 $0x40, v21;
	vm0 =	vlt.f32 v31, v9;
	v35 =	vld.idx.msk [tilespmem:v23+s14+$0x0], $0xffff;
	v41 =	vadd.s32 $0x30, v26  }
.Ltmp5:
0x2eb: {  	v22 =	vand.u32 $0x7FFFFFFF, v22;
	v23 =	vsel vm0, v19, v21;
	v19 =	vand.u32 $0x7FFFFFFF, v32;
	(pc) =	sbr.rel @p0 .LBB2_11-.Ltmp5, $4  }
0x2ec: {  	v30 =	vor.u32 $0x1000, v38;
	v21 =	vand.u32 $0x7FFFFFFF, v34;
	v28 =	vadd.s32 $0x10, v23  }
0x2ed: {  	v34 =	vor.u32 $0x1000, v42;
	vm0 =	vlt.f32 v33, v11;
	v33 =	vor.u32 $0x1000, v27;
	v31 =	vld.idx.msk [tilespmem:v40+s14+$0x0], $0xffff  }
0x2ee: {  	v32 =	vsel vm0, v30, v38;
	vm0 =	vlt.f32 v36, v10;
	vm1 =	vlt.f32 v39, v12;
	v30 =	vld.idx.msk [tilespmem:v37+s14+$0x0], $0xffff  }
0x2ef: {  	v36 =	vadd.s32 $0x7F0, v32;
	v33 =	vsel vm0, v33, v27;
	v34 =	vsel vm1, v34, v42;
	v27 =	vld.idx.msk [tilespmem:v41+s14+$0x0], $0xffff  }
0x2f0: {  	_ =	sdelay $0x1  }
0x2f1: {  	v37 =	vadd.s32 $0x7F0, v33  }
0x2f2: {  	v38 =	vadd.s32 $0x7F0, v34  }
0x2f3: {  	v36 =	vld.idx.msk [tilespmem:v36+s14+$0x0], $0xffff  }
0x2f4: {  	vm0 =	vlt.f32 v35, v13;
	v53 =	vadd.s32 $0x800, v29  }
0x2f5: {  	v29 =	vsel vm0, v53, v29  }
0x2f6: {  	v55 =	vadd.s32 $0x3F0, v29;
	v54 =	vld.idx.msk [tilespmem:v37+s14+$0x0], $0xffff  }
0x2f7: {  	v38 =	vld.idx.msk [tilespmem:v38+s14+$0x0], $0xffff  }
0x2f8: {  	v39 =	vadd.s32 $0x800, v32;
	vm10 =	vlt.f32 v36, v11  }
0x2f9: {  	v32 =	vsel vm10, v39, v32  }
0x2fa: {  	v58 =	vadd.s32 $0x3F0, v32  }
0x2fb: {  	v56 =	vadd.s32 $0x800, v33;
	v57 =	vld.idx.msk [tilespmem:v55+s14+$0x0], $0xffff;
	vm11 =	vlt.f32 v54, v10  }
0x2fc: {  	v40 =	vadd.s32 $0x800, v34;
	vm1 =	vlt.f32 v38, v12;
	v33 =	vsel vm11, v56, v33  }
0x2fd: {  	v34 =	vsel vm1, v40, v34;
	v36 =	vadd.s32 $0x3F0, v33  }
0x2fe: {  	v59 =	vadd.s32 $0x3F0, v34  }
0x2ff: {  	v37 =	vld.idx.msk [tilespmem:v58+s14+$0x0], $0xffff  }
0x300: {  	v60 =	vadd.s32 $0x400, v29;
	vm12 =	vlt.f32 v57, v13  }
0x301: {  	v29 =	vsel vm12, v60, v29  }
0x302: {  	v62 =	vadd.s32 $0x1F0, v29;
	v61 =	vld.idx.msk [tilespmem:v36+s14+$0x0], $0xffff  }
0x303: {  	v38 =	vld.idx.msk [tilespmem:v59+s14+$0x0], $0xffff  }
0x304: {  	v39 =	vadd.s32 $0x400, v32;
	vm13 =	vlt.f32 v37, v11  }
0x305: {  	v32 =	vsel vm13, v39, v32  }
0x306: {  	v44 =	vadd.s32 $0x1F0, v32  }
0x307: {  	v63 =	vadd.s32 $0x400, v33;
	v36 =	vld.idx.msk [tilespmem:v62+s14+$0x0], $0xffff;
	vm14 =	vlt.f32 v61, v10  }
0x308: {  	v43 =	vadd.s32 $0x400, v34;
	vm15 =	vlt.f32 v38, v12;
	v33 =	vsel vm14, v63, v33  }
0x309: {  	v34 =	vsel vm15, v43, v34;
	v45 =	vadd.s32 $0x1F0, v33  }
0x30a: {  	v46 =	vadd.s32 $0x1F0, v34  }
0x30b: {  	v48 =	vld.idx.msk [tilespmem:v44+s14+$0x0], $0xffff  }
0x30c: {  	v47 =	vadd.s32 $0x200, v29;
	vm4 =	vlt.f32 v36, v13  }
0x30d: {  	v29 =	vsel vm4, v47, v29  }
0x30e: {  	v49 =	vadd.s32 $0xF0, v29;
	v35 =	vld.idx.msk [tilespmem:v45+s14+$0x0], $0xffff  }
0x30f: {  	v38 =	vld.idx.msk [tilespmem:v46+s14+$0x0], $0xffff  }
0x310: {  	v50 =	vadd.s32 $0x200, v32;
	vm5 =	vlt.f32 v48, v11  }
0x311: {  	v32 =	vsel vm5, v50, v32  }
0x312: {  	v54 =	vadd.s32 $0xF0, v32  }
0x313: {  	v51 =	vadd.s32 $0x200, v33;
	v53 =	vld.idx.msk [tilespmem:v49+s14+$0x0], $0xffff;
	vm6 =	vlt.f32 v35, v10  }
0x314: {  	v52 =	vadd.s32 $0x200, v34;
	vm7 =	vlt.f32 v38, v12;
	v33 =	vsel vm6, v51, v33  }
0x315: {  	v34 =	vsel vm7, v52, v34;
	v55 =	vadd.s32 $0xF0, v33  }
0x316: {  	v35 =	vadd.s32 $0xF0, v34  }
0x317: {  	vm8 =	vlt.f32 v31, v6;
	vm2 =	vlt.f32 v30, v7;
	v37 =	vld.idx.msk [tilespmem:v54+s14+$0x0], $0xffff  }
0x318: {  	vm10 =	vlt.f32 v27, v8;
	v57 =	vadd.s32 $0x100, v29;
	vm9 =	vlt.f32 v53, v13  }
0x319: {  	v56 =	vadd.s32 $0x40, v24;
	v58 =	vadd.s32 $0x40, v25;
	v29 =	vsel vm9, v57, v29  }
0x31a: {  	v24 =	vsel vm8, v56, v24;
	v60 =	vadd.s32 $0x40, v26;
	v61 =	vadd.s32 $0x70, v29;
	v59 =	vld.idx.msk [tilespmem:v55+s14+$0x0], $0xffff  }
0x31b: {  	v25 =	vsel vm2, v58, v25;
	v31 =	vadd.s32 $0x10, v24;
	v26 =	vsel vm10, v60, v26;
	v35 =	vld.idx.msk [tilespmem:v35+s14+$0x0], $0xffff  }
0x31c: {  	v62 =	vadd.s32 $0x10, v25;
	v42 =	vadd.s32 $0x100, v32;
	vm11 =	vlt.f32 v37, v11  }
0x31d: {  	v28 =	vld.idx.msk [tilespmem:v28+s14+$0x0], $0xffff;
	v63 =	vadd.s32 $0x10, v26;
	v32 =	vsel vm11, v42, v32  }
0x31e: {  	v37 =	vadd.s32 $0x70, v32  }
0x31f: {  	v43 =	vadd.s32 $0x100, v33;
	v27 =	vld.idx.msk [tilespmem:v61+s14+$0x0], $0xffff;
	vm12 =	vlt.f32 v59, v10  }
0x320: {  	v31 =	vld.idx.msk [tilespmem:v31+s14+$0x0], $0xffff;
	v44 =	vadd.s32 $0x100, v34;
	vm13 =	vlt.f32 v35, v12;
	v33 =	vsel vm12, v43, v33  }
0x321: {  	v36 =	vld.idx.msk [tilespmem:v62+s14+$0x0], $0xffff;
	v30 =	vsel vm13, v44, v34;
	v45 =	vadd.s32 $0x70, v33  }
0x322: {  	vm14 =	vlt.f32 v28, v9;
	v47 =	vld.idx.msk [tilespmem:v63+s14+$0x0], $0xffff;
	v46 =	vadd.s32 $0x20, v23;
	v34 =	vadd.s32 $0x70, v30  }
0x323: {  	v23 =	vsel vm14, v46, v23;
	v37 =	vld.idx.msk [tilespmem:v37+s14+$0x0], $0xffff  }
0x324: {  	v48 =	vadd.s32 $0x80, v29;
	vm15 =	vlt.f32 v27, v13  }
0x325: {  	v18 =	vand.u32 $0x7FFFFFFF, v18;
	v56 =	vadd.s32 $0x20, v26;
	v27 =	vsel vm15, v48, v29  }
0x326: {  	v62 =	vand.u32 $0x7FFFFFFF, v20;
	vm4 =	vlt.f32 v31, v6;
	v50 =	vadd.s32 $0x30, v27;
	v49 =	vld.idx.msk [tilespmem:v45+s14+$0x0], $0xffff  }
0x327: {  	vm5 =	vlt.f32 v36, v7;
	v52 =	vadd.s32 $0x20, v25;
	vm6 =	vlt.f32 v47, v8;
	v34 =	vld.idx.msk [tilespmem:v34+s14+$0x0], $0xffff  }
0x328: {  	v38 =	vld.idx.msk [tilespmem:v23+s14+$0x0], $0xffff;
	v25 =	vsel vm5, v52, v25;
	v53 =	vadd.s32 $0x80, v32;
	vm7 =	vlt.f32 v37, v11  }
0x329: {  	v51 =	vadd.s32 $0x20, v24;
	v26 =	vsel vm6, v56, v26;
	v28 =	vsel vm7, v53, v32  }
0x32a: {  	v24 =	vsel vm4, v51, v24;
	vm4 =	vlt.f32 v21, v19;
	v32 =	vadd.s32 $0x30, v28  }
0x32b: {  	v57 =	vadd.s32 $0x10, v23;
	v54 =	vadd.s32 $0x80, v33;
	v31 =	vld.idx.msk [tilespmem:v50+s14+$0x0], $0xffff;
	vm8 =	vlt.f32 v49, v10  }
0x32c: {  	v55 =	vadd.s32 $0x80, v30;
	vm9 =	vlt.f32 v34, v12;
	v33 =	vsel vm8, v54, v33  }
0x32d: {  	vm3 =	vlt.f32 v38, v9;
	v39 =	vld.idx.msk [tilespmem:v25+s14+$0x0], $0xffff;
	v29 =	vsel vm9, v55, v30;
	v35 =	vadd.s32 $0x30, v33  }
0x32e: {  	v46 =	vadd.s32 $0x10, v24;
	v23 =	vsel vm3, v57, v23;
	v21 =	vld.idx.msk [tilespmem:v26+s14+$0x0], $0xffff;
	v58 =	vadd.s32 $0x30, v29  }
0x32f: {  	v47 =	vadd.s32 $0x10, v25;
	vm11 =	vlt.f32 v22, v17;
	v59 =	vadd.s32 $0xFFF0, v23;
	v32 =	vld.idx.msk [tilespmem:v32+s14+$0x0], $0xffff  }
0x330: {  	v60 =	vadd.s32 $0x40, v27;
	v37 =	vand.u32 $0xFFFF, v59;
	vm10 =	vlt.f32 v31, v13  }
0x331: {  	v42 =	vsel vm4, $0xFFFFFFFF, v5;
	v30 =	vsel vm3, v57, v37;
	v27 =	vsel vm10, v60, v27  }
0x332: {  	v15 =	vadd.s32 v42, v15;
	vm0 =	vlt.f32 v39, v7;
	v63 =	vadd.s32 $0x10, v27;
	v61 =	vld.idx.msk [tilespmem:v35+s14+$0x0], $0xffff  }
0x333: {  	v23 =	vshrl.u32 v23, $0x4;
	v25 =	vsel vm0, v47, v25;
	v48 =	vadd.s32 $0x10, v26;
	v44 =	vld.idx.msk [tilespmem:v58+s14+$0x0], $0xffff  }
0x334: {  	vm15 =	vlt.f32 v21, v8;
	v34 =	vld.idx.msk [tilespmem:v24+s14+$0x0], $0xffff;
	v49 =	vadd.s32 $0x40, v28;
	vm12 =	vlt.f32 v32, v11  }
0x335: {  	v26 =	vsel vm15, v48, v26;
	v45 =	vsel vm11, $0xFFFFFFFF, v5;
	v28 =	vsel vm12, v49, v28  }
0x336: {  	v59 =	vadd.s32 $0xFFF0, v26;
	v26 =	vshrl.u32 v26, $0x4;
	v30 =	vld.idx.msk [tilespmem:v30+s14+$0x0], $0xffff;
	v54 =	vadd.s32 $0x10, v28  }
0x337: {  	v50 =	vadd.s32 $0x40, v33;
	v51 =	vadd.s32 $0x40, v29;
	v20 =	vld.idx.msk [tilespmem:v63+s14+$0x0], $0xffff;
	vm13 =	vlt.f32 v61, v10  }
0x338: {  	v57 =	vadd.s32 $0x20, v27;
	vm14 =	vlt.f32 v44, v12;
	v52 =	vsel vm13, v50, v33  }
0x339: {  	vm1 =	vlt.f32 v34, v6;
	v22 =	vsel vm14, v51, v29;
	v33 =	vadd.s32 $0x10, v52  }
0x33a: {  	v24 =	vsel vm1, v46, v24;
	v58 =	vadd.s32 $0xFFF0, v25;
	v56 =	vadd.s32 $0x10, v22  }
0x33b: {  	v55 =	vsel vm3, v30, v38;
	v30 =	vsel vm3, v38, v30;
	v38 =	vand.u32 $0xFFFF, v58;
	v61 =	vld.idx.msk [tilespmem:v54+s14+$0x0], $0xffff  }
0x33c: {  	v53 =	vadd.s32 $0xFFF0, v24;
	v63 =	vsel vm0, v47, v38;
	vm7 =	vlt.f32 v20, v13  }
0x33d: {  	v16 =	vadd.s32 v45, v16;
	v29 =	vand.u32 $0xFFFF, v53;
	v20 =	vsel vm7, v57, v27  }
0x33e: {  	vm8 =	vlt.f32 v62, v18;
	v62 =	vand.u32 $0xFFFF, v59;
	v29 =	vsel vm1, v46, v29;
	v36 =	vld.idx.msk [tilespmem:v33+s14+$0x0], $0xffff  }
0x33f: {  	v17 =	vsel vm15, v48, v62;
	v43 =	vsel vm8, $0xFFFFFFFF, v5;
	v45 =	vadd.s32 $0x20, v28;
	v41 =	vld.idx.msk [tilespmem:v56+s14+$0x0], $0xffff  }
0x340: {  	v35 =	vsub.f32 v55, v9;
	v60 =	vsub.f32 v9, v30;
	vm10 =	vlt.f32 v61, v11  }
0x341: {  	v24 =	vshrl.u32 v24, $0x4;
	v25 =	vshrl.u32 v25, $0x4;
	v18 =	vld.idx.msk [tilespmem:v63+s14+$0x0], $0xffff;
	v28 =	vsel vm10, v45, v28  }
0x342: {  	v38 =	vand.u32 $0x7FFFFFFF, v35;
	v9 =	vand.u32 $0x7FFFFFFF, v60;
	v46 =	vadd.s32 $0x20, v52;
	v44 =	vld.idx.msk [tilespmem:v20+s14+$0x0], $0xffff  }
0x343: {  	v47 =	vadd.s32 $0x20, v22;
	vm9 =	vlt.f32 v9, v38;
	v29 =	vld.idx.msk [tilespmem:v29+s14+$0x0], $0xffff;
	vm11 =	vlt.f32 v36, v10  }
0x344: {  	v17 =	vld.idx.msk [tilespmem:v17+s14+$0x0], $0xffff;
	v9 =	vadd.s32 v43, v14;
	vm12 =	vlt.f32 v41, v12;
	v27 =	vsel vm11, v46, v52  }
0x345: {  	v31 =	vsel vm9, $0xFFFFFFFF, v5;
	v48 =	vadd.s32 $0x10, v20;
	v22 =	vsel vm12, v47, v22  }
0x346: {  	v23 =	vadd.s32 v31, v23;
	v59 =	vadd.s32 $0x10, v28;
	v50 =	vsel vm0, v18, v39;
	v33 =	vld.idx.msk [tilespmem:v28+s14+$0x0], $0xffff  }
0x347: {  	v18 =	vsel vm0, v39, v18;
	v56 =	vsub.f32 v50, v7;
	vm13 =	vlt.f32 v44, v13  }
0x348: {  	v7 =	vsub.f32 v7, v18;
	v49 =	vsel vm1, v29, v34;
	v20 =	vsel vm13, v48, v20  }
0x349: {  	v29 =	vsel vm1, v34, v29;
	v52 =	vsel vm15, v17, v21;
	v51 =	vadd.s32 $0xFFF0, v20;
	v53 =	vld.idx.msk [tilespmem:v27+s14+$0x0], $0xffff  }
0x34a: {  	v19 =	vsub.f32 v49, v6;
	v6 =	vsub.f32 v6, v29;
	v32 =	vand.u32 $0xFFFF, v51;
	v55 =	vld.idx.msk [tilespmem:v22+s14+$0x0], $0xffff  }
0x34b: {  	v17 =	vsel vm15, v21, v17;
	v54 =	vsel vm13, v48, v32;
	vm14 =	vlt.f32 v33, v11  }
0x34c: {  	v21 =	vand.u32 $0x7FFFFFFF, v56;
	v7 =	vand.u32 $0x7FFFFFFF, v7;
	v28 =	vsel vm14, v59, v28  }
0x34d: {  	v58 =	vsub.f32 v8, v17;
	v60 =	vadd.s32 $0x10, v27;
	v62 =	vadd.s32 $0xFFF0, v28  }
0x34e: {  	v61 =	vadd.s32 $0x10, v22;
	v32 =	vand.u32 $0xFFFF, v62;
	vm15 =	vlt.f32 v53, v10  }
0x34f: {  	v17 =	vsel vm14, v59, v32;
	vm8 =	vlt.f32 v55, v12;
	v27 =	vsel vm15, v60, v27  }
0x350: {  	v57 =	vsub.f32 v52, v8;
	v29 =	vld.idx.msk [tilespmem:v54+s14+$0x0], $0xffff;
	v22 =	vsel vm8, v61, v22;
	v63 =	vadd.s32 $0xFFF0, v27  }
0x351: {  	vm10 =	vlt.f32 v7, v21;
	v40 =	vadd.s32 $0xFFF0, v22;
	v34 =	vand.u32 $0xFFFF, v63  }
0x352: {  	v19 =	vand.u32 $0x7FFFFFFF, v19;
	v41 =	vand.u32 $0xFFFF, v40;
	v18 =	vsel vm15, v60, v34  }
0x353: {  	v6 =	vand.u32 $0x7FFFFFFF, v6;
	v47 =	vshrl.u32 v20, $0x4;
	v31 =	vsel vm8, v61, v41  }
0x354: {  	v14 =	vand.u32 $0x7FFFFFFF, v57;
	vm9 =	vlt.f32 v6, v19;
	v6 =	vand.u32 $0x7FFFFFFF, v58;
	v7 =	vld.idx.msk [tilespmem:v17+s14+$0x0], $0xffff  }
0x355: {  	vm11 =	vlt.f32 v6, v14;
	v6 =	vsel vm10, $0xFFFFFFFF, v5;
	v42 =	vsel vm13, v29, v44  }
0x356: {  	v48 =	vsel vm11, $0xFFFFFFFF, v5;
	v29 =	vsel vm13, v44, v29;
	v32 =	vsub.f32 v42, v13  }
0x357: {  	v6 =	vadd.s32 v6, v25;
	v57 =	vadd.s32 v48, v26;
	v43 =	vsub.f32 v13, v29;
	v18 =	vld.idx.msk [tilespmem:v18+s14+$0x0], $0xffff  }
0x358: {  	v49 =	vshrl.u32 v28, $0x4;
	v44 =	vsel vm9, $0xFFFFFFFF, v5;
	v45 =	vand.u32 $0x7FFFFFFF, v32;
	v46 =	vld.idx.msk [tilespmem:v31+s14+$0x0], $0xffff  }
0x359: {  	v13 =	vand.u32 $0x7FFFFFFF, v43;
	v51 =	vsel vm14, v7, v33;
	v7 =	vsel vm14, v33, v7  }
0x35a: {  	vm12 =	vlt.f32 v13, v45;
	v21 =	vsub.f32 v51, v11;
	v7 =	vsub.f32 v11, v7  }
0x35b: {  	[tilespmem:s23+$0xFFFFFFE0] =	vst v16;
	v50 =	vshrl.u32 v27, $0x4;
	v8 =	vadd.s32 v44, v24;
	v17 =	vsel vm12, $0xFFFFFFFF, v5  }
0x35c: {  	[tilespmem:s24+$0xFFFFFFF0] =	vst v15;
	v14 =	vadd.s32 v17, v47;
	v59 =	vand.u32 $0x7FFFFFFF, v21;
	v7 =	vand.u32 $0x7FFFFFFF, v7  }
0x35d: {  	s30 =	sadd.s32 $0x40, s23;
	[tilespmem:s24+$0x0] =	vst v9;
	v52 =	vsel vm15, v18, v53;
	v18 =	vsel vm15, v53, v18;
	v53 =	vsel vm8, v46, v55  }
0x35e: {  	[tilespmem:s30+$0x10] =	vst v23;
	v54 =	vsel vm8, v55, v46;
	v55 =	vsub.f32 v52, v10;
	v56 =	vsub.f32 v10, v18  }
0x35f: {  	[tilespmem:s30+$0xFFFFFFF0] =	vst v6;
	vm13 =	vlt.f32 v7, v59;
	v58 =	vsub.f32 v53, v12;
	v11 =	vsub.f32 v12, v54  }
0x360: {  	s21 =	sadd.s32 $0x1, s21;
	[tilespmem:s30+$0x0] =	vst v57;
	v7 =	vsel vm13, $0xFFFFFFFF, v5;
	v60 =	vand.u32 $0x7FFFFFFF, v55;
	v10 =	vand.u32 $0x7FFFFFFF, v56  }
0x361: {  	s31 =	sadd.s32 $0x40, s30;
	p0 =	sne.s32 s21, $0x20;
	[tilespmem:s30+$0xFFFFFFE0] =	vst v8;
	v61 =	vand.u32 $0x7FFFFFFF, v58;
	v6 =	vand.u32 $0x7FFFFFFF, v11;
	vm14 =	vlt.f32 v10, v60  }
.Ltmp6:
0x362: {  	[tilespmem:s31+$0x10] =	vst v14;
	vm15 =	vlt.f32 v6, v61;
	v6 =	vadd.s32 v7, v49;
	v7 =	vsel vm14, $0xFFFFFFFF, v5;
	(pc) =	sbr.rel @p0 .LBB2_4-.Ltmp6, $4  }
0x363: {  	v62 =	vshrl.u32 v22, $0x4;
	v63 =	vsel vm15, $0xFFFFFFFF, v5;
	[tilespmem:s31+$0xFFFFFFE0] =	vst v6;
	v6 =	vadd.s32 v7, v50  }
0x364: {  	v7 =	vadd.s32 v63, v62;
	[tilespmem:s31+$0xFFFFFFF0] =	vst v6  }
0x365: {  	s22 =	sadd.s32 s4, s22;
	[tilespmem:s31+$0x0] =	vst v7  }
0x366: {  	[hbm4b:s22+s5] =	stream.linear.scatter [tilespmem:s18], [sflag:$0x4], $0x2000, $0x38;
	[tilespmem:$0x19000] =	vst v63  }
0x367: {  	s20 =	sadd.s32 $0x1, s20  }
0x368: {  	_ =	swait.ge [sflag:s19], $0x2000;
	p0 =	sne.s32 s20, s9  }
.Ltmp7:
0x369: {  	[sflag:s19] =	ssyncset.done $0x0;
	(pc) =	sbr.rel @p0 .LBB2_1-.Ltmp7, $4  }
0x36a: {  	[sflag:s19] =	ssyncadd.s32 $0xFFFFE000  }
0x36b: {  	_ =	swait.ge [sflag:s17], $0x2000  }
0x36c: {  	[sflag:s17] =	ssyncset.done $0x0  }
0x36d: {  	[sflag:s17] =	ssyncadd.s32 $0xFFFFE000  }
0x36e: {  	_ =	sfence.sel $0x180000  }
0x36f: {  	[bflag:$0x0] =	sbarrier.arrive $0xFFFF  }
0x370: {  	p0 =	sne.s32 s2, $0x0;
	_ =	strace $0x90000047  }
0x371: {  	s0 =	sadd.s32 @!p0 $0x100000, s0;
	[bflag:$0x2] =	sbarrier.arrive $0xFFFF  }
0x372: {  	[sflag:s0] =	ssyncadd.tile.s32 @!p0 $0x1;
	_ =	shalt  }
.Lfunc_end2:
_tile_overlayer_lowered:
.L_overlay_start_2:
0x373: {  	(tag) =	ssettag $0x2  }
0x374: {  	s0 =	rddreg [dreg:$0x0];
	s2 =	stileid.u32  }
0x375: {  	s1 =	rddreg [dreg:$0x1];
	p0 =	sne.s32 s2, $0x0  }
0x376: {  	s3 =	rddreg [dreg:$0x2];
	[bflag:$0x3] =	sbarrier.arrive $0xFFFF;
	s2 =	simm.s32 @!p0 $0x1C05  }
0x377: {  	[timem:s3], [sflag:s2] =	dma.local @!p0 [hbm:s0], s1  }
0x378: {  	s0 =	simm.s32 @!p0 $0x5  }
0x379: {  	_ =	swait.ge @!p0 [sflag:s0], s1  }
0x37a: {  	s1 =	ssub.s32 @!p0 $0x0, s1;
	[sflag:s0] =	ssyncset.done @!p0 $0x0  }
0x37b: {  	[sflag:s0] =	ssyncadd.s32 @!p0 s1  }
0x37c: {  	[bflag:$0x3] =	sbarrier.arrive $0xFFFF  }
0x37d: {  	_ =	shalt  }

</sc_bundles>
